<compile_context>
chip_gen: v7x
topology: tpu7x:2x2x1
jax: 0.10.2.dev20260603
libtpu: 0.0.44.dev20260713+nightly
codegen_flags: <defaults>
</compile_context>

<pallas_src>
import functools
import jax
import jax.numpy as jnp
from jax import lax
from jax.experimental import pallas as pl
from jax.experimental.pallas import tpu as pltpu
from jax.experimental.pallas import tpu_sc as plsc

N = 10000
E = 160000
DIN = 128
H = 64
G = 16
LATENT = 128

NC = 2
NS = 16
EPC = E // NC
EPT = EPC // NS
B = 40
NB = EPT // B



def _init_body(x_ref, w_ref, o_ref):
    o_ref[...] = jnp.dot(x_ref[...], w_ref[...],
                         preferred_element_type=jnp.float32) / jnp.sqrt(128.0)


def _pq_body(h_ref, wtp_ref, wlin_ref, o_ref):
    h = h_ref[...]
    p = jnp.dot(h, wtp_ref[...], preferred_element_type=jnp.float32) / 8.0
    q = jnp.dot(h, wlin_ref[...], preferred_element_type=jnp.float32) / 8.0
    o_ref[...] = jnp.concatenate([p, q], axis=1)


def _sqrt_body(s_ref, o_ref):
    o_ref[...] = jnp.sqrt(s_ref[...])


def _upd_body(h_ref, agg2_ref, wt_ref, wlin_ref, o_ref):
    h = h_ref[...]
    agg = agg2_ref[0][:, :H] + agg2_ref[1][:, :H]
    acc = h + jnp.dot(h, wlin_ref[...], preferred_element_type=jnp.float32) / 8.0
    aggs = agg / 64.0
    for j in range(H):
        hw = jnp.dot(h, wt_ref[j], preferred_element_type=jnp.float32)
        acc = acc + aggs[:, j:j + 1] * hw
    o_ref[...] = acc


def _final_body(h_ref, b_ref, wf_ref, o_ref):
    h = h_ref[...]
    b = b_ref[...]
    seg = jax.lax.broadcasted_iota(jnp.int32, (G, N), 0)
    mask = (b == seg).astype(jnp.float32)
    sums = jnp.dot(mask, h, preferred_element_type=jnp.float32)
    counts = jnp.sum(mask, axis=1, keepdims=True)
    mean = sums / jnp.maximum(counts, 1.0)
    o_ref[...] = jnp.dot(mean, wf_ref[...],
                         preferred_element_type=jnp.float32) / 8.0


_init_call = pl.pallas_call(
    _init_body, out_shape=jax.ShapeDtypeStruct((N, H), jnp.float32))

_pq_call = pl.pallas_call(
    _pq_body, out_shape=jax.ShapeDtypeStruct((N, 2 * H), jnp.float32))

_sqrt_call = pl.pallas_call(
    _sqrt_body,
    grid=(20,),
    in_specs=[pl.BlockSpec((E // 20, 16), lambda i: (i, 0))],
    out_specs=pl.BlockSpec((E // 20, 16), lambda i: (i, 0)),
    out_shape=jax.ShapeDtypeStruct((E, 16), jnp.float32))

_upd_call = pl.pallas_call(
    _upd_body,
    grid=(5,),
    in_specs=[
        pl.BlockSpec((N // 5, H), lambda i: (i, 0)),
        pl.BlockSpec((NC, N // 5, 128), lambda i: (0, i, 0)),
        pl.BlockSpec((H, H, H), lambda i: (0, 0, 0)),
        pl.BlockSpec((H, H), lambda i: (0, 0)),
    ],
    out_specs=pl.BlockSpec((N // 5, H), lambda i: (i, 0)),
    out_shape=jax.ShapeDtypeStruct((N, H), jnp.float32))

_final_call = pl.pallas_call(
    _final_body, out_shape=jax.ShapeDtypeStruct((G, LATENT), jnp.float32))



_MESH = plsc.VectorSubcoreMesh(core_axis_name="c", subcore_axis_name="s")


@functools.partial(
    pl.kernel,
    out_type=jax.ShapeDtypeStruct((E, 16), jnp.float32),
    mesh=_MESH,
    scratch_types=[
        pltpu.VMEM((B,), jnp.int32),
        pltpu.VMEM((B,), jnp.int32),
        pltpu.VMEM((B, 128), jnp.float32),
        pltpu.VMEM((B, 128), jnp.float32),
        pltpu.VMEM((B, 16), jnp.float32),
        pltpu.SemaphoreType.DMA,
    ],
)
def _dist_kernel(pxyz_hbm, row_hbm, col_hbm, out_hbm,
                 ridx_v, cidx_v, pr_v, pc_v, sq_v, sem):
    c = lax.axis_index("c")
    s = lax.axis_index("s")
    tile_base = c * EPC + s * EPT

    def body(t, carry):
        base = tile_base + t * B
        pltpu.sync_copy(row_hbm.at[pl.ds(base, B)], ridx_v)
        pltpu.sync_copy(col_hbm.at[pl.ds(base, B)], cidx_v)
        cp1 = pltpu.async_copy(pxyz_hbm.at[ridx_v], pr_v, sem)
        cp2 = pltpu.async_copy(pxyz_hbm.at[cidx_v], pc_v, sem)
        cp1.wait()
        cp2.wait()

        def inner(e, c2):
            dx = pr_v[e, pl.ds(0, 16)] - pc_v[e, pl.ds(0, 16)]
            dy = pr_v[e, pl.ds(16, 16)] - pc_v[e, pl.ds(16, 16)]
            dz = pr_v[e, pl.ds(32, 16)] - pc_v[e, pl.ds(32, 16)]
            sq_v[e, :] = dx * dx + dy * dy + dz * dz + 1e-12
            return c2

        lax.fori_loop(0, B, inner, 0)
        pltpu.sync_copy(sq_v, out_hbm.at[pl.ds(base, B)])
        return carry

    lax.fori_loop(0, NB, body, 0)


@functools.partial(
    pl.kernel,
    out_type=jax.ShapeDtypeStruct((NC * N, 128), jnp.float32),
    mesh=_MESH,
    scratch_types=[
        pltpu.VMEM((1, B), jnp.int32),
        pltpu.VMEM((B,), jnp.int32),
        pltpu.VMEM((B, 16), jnp.float32),
        pltpu.VMEM((B, 2 * H), jnp.float32),
        pltpu.VMEM((B, 128), jnp.float32),
        pltpu.VMEM_SHARED((N, 128), jnp.float32),
        pltpu.SemaphoreType.DMA,
    ],
)
def _edge_kernel(r_hbm, row_hbm, col_hbm, dist_hbm, zero_hbm, out_hbm,
                 row_v, col_v, dist_v, rows_v, msg_v, agg_sh, sem):
    c = lax.axis_index("c")
    s = lax.axis_index("s")
    tile_base = c * EPC + s * EPT
    @pl.when(s < NS - 1)
    def _():
        pltpu.sync_copy(zero_hbm.at[pl.ds(s * 640, 640)],
                        agg_sh.at[pl.ds(s * 640, 640)])

    @pl.when(s == NS - 1)
    def _():
        pltpu.sync_copy(zero_hbm.at[pl.ds(9600, 400)],
                        agg_sh.at[pl.ds(9600, 400)])

    plsc.subcore_barrier()

    def body(t, carry):
        base = tile_base + t * B
        pltpu.sync_copy(col_hbm.at[pl.ds(base, B)], col_v)
        cp = pltpu.async_copy(r_hbm.at[col_v], rows_v, sem)
        pltpu.sync_copy(row_hbm.at[pl.ds(base, B)], row_v.at[0])
        pltpu.sync_copy(dist_hbm.at[pl.ds(base, B)], dist_v)
        cp.wait()

        def inner(e, c2):
            dv = dist_v[e, :]
            for j in range(H // 16):
                p = rows_v[e, pl.ds(j * 16, 16)]
                q = rows_v[e, pl.ds(H + j * 16, 16)]
                msg_v[e, pl.ds(j * 16, 16)] = dv * p + q
            return c2

        lax.fori_loop(0, B, inner, 0)
        pltpu.sync_copy(msg_v, agg_sh.at[row_v.at[0]], add=True)
        return carry

    lax.fori_loop(0, NB, body, 0)
    plsc.subcore_barrier()

    @pl.when(s < NS - 1)
    def _():
        pltpu.sync_copy(agg_sh.at[pl.ds(s * 640, 640)],
                        out_hbm.at[pl.ds(c * N + s * 640, 640)])

    @pl.when(s == NS - 1)
    def _():
        pltpu.sync_copy(agg_sh.at[pl.ds(9600, 400)],
                        out_hbm.at[pl.ds(c * N + 9600, 400)])



def kernel(x, pos, edge_index, batch, W_init, W_msg_tp_0, W_msg_lin_0,
           W_upd_tp_0, W_upd_lin_0, W_msg_tp_1, W_msg_lin_1, W_upd_tp_1,
           W_upd_lin_1, W_final):
    row = edge_index[0]
    col = edge_index[1]
    zero_nh = jnp.zeros((N, 128), jnp.float32)
    pxyz = jnp.concatenate(
        [jnp.broadcast_to(pos[:, i:i + 1], (N, 16)) for i in range(3)]
        + [jnp.zeros((N, 80), jnp.float32)], axis=1)

    sq = _dist_kernel(pxyz, row, col)
    distb = _sqrt_call(sq)

    h = _init_call(x, W_init)
    for (wtp, wlin, wupd, wulin) in (
            (W_msg_tp_0, W_msg_lin_0, W_upd_tp_0, W_upd_lin_0),
            (W_msg_tp_1, W_msg_lin_1, W_upd_tp_1, W_upd_lin_1)):
        r = _pq_call(h, wtp, wlin)
        agg2 = _edge_kernel(r, row, col, distb, zero_nh).reshape(NC, N, 128)
        wt = jnp.transpose(wupd, (1, 0, 2))
        h = _upd_call(h, agg2, wt, wulin)
    return _final_call(h, batch.reshape(1, N), W_final)

# --- scband reference (transcript-rebuilt; emitter-appended) ---
"""Pipeline reference for scband-real-space-egnnencoder-31714038514065 (READ-ONLY COPY).

The authoritative reference and input builder live on the scoring server;
editing this copy changes nothing except your own understanding.
"""

import jax, jax.numpy as jnp
import numpy as np

N = 10000
E = 160000
DIN = 128
H = 64
G = 16
LATENT = 128
EPS = 1e-08


def _linear(x, W):
    # e3nn o3.Linear on k x 0e irreps == dense matmul with 1/sqrt(fan_in) path norm
    return (x @ W) / jnp.sqrt(float(W.shape[0]))


def _bilinear(h, y, W):
    # FullyConnectedTensorProduct(64x0e, 64x0e -> 64x0e):
    # out[n,k] = sum_ij h[n,i] y[n,j] W[i,j,k] / sqrt(64*64)
    A = (h @ W.reshape(H, H * H)).reshape(-1, H, H)
    return jnp.einsum('njk,nj->nk', A, y) / float(H)


def _layer(h, edge_index, edge_attr_tensor, W_msg_tp, W_msg_lin, W_upd_tp, W_upd_lin):
    row = edge_index[0]
    col = edge_index[1]
    dist = edge_attr_tensor[:, 3:4]
    # edge_attr_e3nn = cat([dist, r_vec]) with irreps 1x0e + 1x1o.
    # Hidden irreps are all 0e, so only the (0e x 0e -> 0e) path of the
    # FullyConnectedTensorProduct survives; the 1o (r_vec) part has no output path.
    h_col = h[col]
    msg_tp = ((h_col * dist) @ W_msg_tp) / jnp.sqrt(float(H))
    msg_dir = _linear(h_col, W_msg_lin)
    messages = msg_tp + msg_dir
    agg = jax.ops.segment_sum(messages, row, num_segments=N)
    upd_tp = _bilinear(h, agg, W_upd_tp)
    upd_dir = _linear(h, W_upd_lin)
    return h + upd_tp + upd_dir


def _forward(x, pos, edge_index, batch, W_init, layer_ws, W_final):
    h = _linear(x, W_init)
    row = edge_index[0]
    col = edge_index[1]
    r_vec = pos[row] - pos[col]
    dist = jnp.sqrt(jnp.sum(r_vec ** 2, axis=-1, keepdims=True) + 1e-12)
    nrv = r_vec / jnp.clip(dist, EPS, None)
    edge_attr_tensor = jnp.concatenate([nrv, dist], axis=-1)
    for (wa, wb, wc, wd) in layer_ws:
        h = _layer(h, edge_index, edge_attr_tensor, wa, wb, wc, wd)
    # hidden irreps are all l=0 -> invariant scalar features are all of h
    sums = jax.ops.segment_sum(h, batch, num_segments=G)
    counts = jax.ops.segment_sum(jnp.ones((h.shape[0], 1), h.dtype), batch, num_segments=G)
    mean = sums / jnp.clip(counts, 1.0, None)
    return _linear(mean, W_final)


def setup_inputs(seed: int = 0) -> dict:
    key = jax.random.key(seed)
    ks = jax.random.split(key, 20)
    inp = {}
    inp['x'] = jax.random.normal(ks[0], (N, DIN), jnp.float32)
    inp['pos'] = jax.random.normal(ks[1], (N, 3), jnp.float32)
    inp['edge_index'] = jax.random.randint(ks[2], (2, E), 0, N, dtype=jnp.int32)
    inp['batch'] = jnp.sort(jax.random.randint(ks[3], (N,), 0, G, dtype=jnp.int32))
    inp['W_init'] = jax.random.normal(ks[4], (DIN, H), jnp.float32)
    for l in range(2):
        inp['W_msg_tp_%d' % l] = jax.random.normal(ks[5 + 4 * l], (H, H), jnp.float32)
        inp['W_msg_lin_%d' % l] = jax.random.normal(ks[6 + 4 * l], (H, H), jnp.float32)
        inp['W_upd_tp_%d' % l] = jax.random.normal(ks[7 + 4 * l], (H, H, H), jnp.float32)
        inp['W_upd_lin_%d' % l] = jax.random.normal(ks[8 + 4 * l], (H, H), jnp.float32)
    inp['W_final'] = jax.random.normal(ks[13], (H, LATENT), jnp.float32)
    return inp


def reference(x, pos, edge_index, batch, W_init, W_msg_tp_0, W_msg_lin_0, W_upd_tp_0, W_upd_lin_0, W_msg_tp_1, W_msg_lin_1, W_upd_tp_1, W_upd_lin_1, W_final):
    layer_ws = [
        (W_msg_tp_0, W_msg_lin_0, W_upd_tp_0, W_upd_lin_0),
        (W_msg_tp_1, W_msg_lin_1, W_upd_tp_1, W_upd_lin_1),
    ]
    return _forward(x, pos, edge_index, batch, W_init, layer_ws, W_final)

if __name__ == "__main__":
    import jax
    _d = setup_inputs()
    print(jax.jit(kernel)(*tuple(_d.values())))

</pallas_src>

<mosaic_0001>
#map = affine_map<(d0, d1) -> (0, 0)>
#map1 = affine_map<(d0, d1) -> (0)>
module attributes {stable_mosaic.version = 14 : i64} {
  func.func @_dist_kernel(%arg0: i32, %arg1: i32, %arg2: memref<10000x128xf32, #tpu.memory_space<hbm>>, %arg3: memref<160000xi32, #tpu.memory_space<hbm>>, %arg4: memref<160000xi32, #tpu.memory_space<hbm>>, %arg5: memref<160000x16xf32, #tpu.memory_space<hbm>>, %arg6: memref<40xi32, #tpu.memory_space<vmem>>, %arg7: memref<40xi32, #tpu.memory_space<vmem>>, %arg8: memref<40x128xf32, #tpu.memory_space<vmem>>, %arg9: memref<40x128xf32, #tpu.memory_space<vmem>>, %arg10: memref<40x16xf32, #tpu.memory_space<vmem>>, %arg11: memref<!tpu.dma_semaphore, #tpu.memory_space<semaphore_mem>>) attributes {dimension_semantics = [#tpu.dimension_semantics<core_parallel>, #tpu.dimension_semantics<subcore_parallel>], iteration_bounds = array<i64: 2, 16>, scalar_prefetch = 0 : i64, scratch_operands = 6 : i64, tpu.core_type = #tpu.core_type<sc_vector_subcore>, window_params = [{transform_indices = #map}, {transform_indices = #map1}, {transform_indices = #map1}, {transform_indices = #map}]} {
    %mul3A = arith.constant 80000 : i32
    %mul3A_0 = arith.muli %arg0, %mul3A : i32
    %mul3A_1 = arith.constant 5000 : i32
    %mul3A_2 = arith.muli %arg1, %mul3A_1 : i32
    %add3A = arith.addi %mul3A_0, %mul3A_2 : i32
    %scan3A = arith.constant 0 : i32
    %scan3A_3 = arith.constant 0 : i32
    %scan3A_4 = arith.constant 125 : i32
    %scan3A_5 = arith.addi %scan3A_3, %scan3A_4 : i32
    %scan3A_6 = arith.constant 1 : i32
    scf.for %scan3A_8 = %scan3A_3 to %scan3A_5 step %scan3A_6  : i32 {
      %mul3A_9 = arith.constant 40 : i32
      %mul3A_10 = arith.muli %scan3A_8, %mul3A_9 : i32
      %add3A_11 = arith.addi %add3A, %mul3A_10 : i32
      "tpu.region"() ({
        %run_scoped3A = tpu.sem_alloc : memref<!tpu.dma_semaphore, #tpu.memory_space<semaphore_mem>>
        %dma_start3A_28 = tpu.memref_slice %arg3[%add3A_11] : memref<160000xi32, #tpu.memory_space<hbm>> -> memref<40xi32, #tpu.memory_space<hbm>>
        %dma_start3A_29 = tpu.memref_slice %arg3[%add3A_11] : memref<160000xi32, #tpu.memory_space<hbm>> -> memref<40xi32, #tpu.memory_space<hbm>>
        tpu.enqueue_dma source(%dma_start3A_29 : memref<40xi32, #tpu.memory_space<hbm>>) target(%arg6 : memref<40xi32, #tpu.memory_space<vmem>>) target_semaphore(%run_scoped3A : memref<!tpu.dma_semaphore, #tpu.memory_space<semaphore_mem>>)
        %dma_wait3A_30 = tpu.memref_slice %arg3[%add3A_11] : memref<160000xi32, #tpu.memory_space<hbm>> -> memref<40xi32, #tpu.memory_space<hbm>>
        %dma_wait3A_31 = tpu.memref_slice %arg3[%add3A_11] : memref<160000xi32, #tpu.memory_space<hbm>> -> memref<40xi32, #tpu.memory_space<hbm>>
        tpu.wait_dma2 semaphore(%run_scoped3A : memref<!tpu.dma_semaphore, #tpu.memory_space<semaphore_mem>>) src(%dma_wait3A_31 : memref<40xi32, #tpu.memory_space<hbm>>) dst(%arg6 : memref<40xi32, #tpu.memory_space<vmem>>)
        tpu.yield
      }) : () -> ()
      "tpu.region"() ({
        %run_scoped3A = tpu.sem_alloc : memref<!tpu.dma_semaphore, #tpu.memory_space<semaphore_mem>>
        %dma_start3A_28 = tpu.memref_slice %arg4[%add3A_11] : memref<160000xi32, #tpu.memory_space<hbm>> -> memref<40xi32, #tpu.memory_space<hbm>>
        %dma_start3A_29 = tpu.memref_slice %arg4[%add3A_11] : memref<160000xi32, #tpu.memory_space<hbm>> -> memref<40xi32, #tpu.memory_space<hbm>>
        tpu.enqueue_dma source(%dma_start3A_29 : memref<40xi32, #tpu.memory_space<hbm>>) target(%arg7 : memref<40xi32, #tpu.memory_space<vmem>>) target_semaphore(%run_scoped3A : memref<!tpu.dma_semaphore, #tpu.memory_space<semaphore_mem>>)
        %dma_wait3A_30 = tpu.memref_slice %arg4[%add3A_11] : memref<160000xi32, #tpu.memory_space<hbm>> -> memref<40xi32, #tpu.memory_space<hbm>>
        %dma_wait3A_31 = tpu.memref_slice %arg4[%add3A_11] : memref<160000xi32, #tpu.memory_space<hbm>> -> memref<40xi32, #tpu.memory_space<hbm>>
        tpu.wait_dma2 semaphore(%run_scoped3A : memref<!tpu.dma_semaphore, #tpu.memory_space<semaphore_mem>>) src(%dma_wait3A_31 : memref<40xi32, #tpu.memory_space<hbm>>) dst(%arg7 : memref<40xi32, #tpu.memory_space<vmem>>)
        tpu.yield
      }) : () -> ()
      %dma_start3A = arith.constant 0 : i32
      %dma_start3A_12 = arith.constant 0 : i32
      %dma_start3A_13 = tpu.memref_slice %arg2[%dma_start3A, %dma_start3A_12] : memref<10000x128xf32, #tpu.memory_space<hbm>> -> memref<10000x128xf32, #tpu.memory_space<hbm>>
      tpu.enqueue_indirect_dma source(%dma_start3A_13 : memref<10000x128xf32, #tpu.memory_space<hbm>>) target(%arg8 : memref<40x128xf32, #tpu.memory_space<vmem>>) offsets(%arg6 : memref<40xi32, #tpu.memory_space<vmem>>) semaphore(%arg11 : memref<!tpu.dma_semaphore, #tpu.memory_space<semaphore_mem>>)
      %dma_start3A_14 = arith.constant 0 : i32
      %dma_start3A_15 = arith.constant 0 : i32
      %dma_start3A_16 = tpu.memref_slice %arg2[%dma_start3A_14, %dma_start3A_15] : memref<10000x128xf32, #tpu.memory_space<hbm>> -> memref<10000x128xf32, #tpu.memory_space<hbm>>
      tpu.enqueue_indirect_dma source(%dma_start3A_16 : memref<10000x128xf32, #tpu.memory_space<hbm>>) target(%arg9 : memref<40x128xf32, #tpu.memory_space<vmem>>) offsets(%arg7 : memref<40xi32, #tpu.memory_space<vmem>>) semaphore(%arg11 : memref<!tpu.dma_semaphore, #tpu.memory_space<semaphore_mem>>)
      %dma_wait3A = arith.constant 0 : i32
      %dma_wait3A_17 = arith.constant 0 : i32
      %dma_wait3A_18 = tpu.memref_slice %arg2[%dma_wait3A, %dma_wait3A_17] : memref<10000x128xf32, #tpu.memory_space<hbm>> -> memref<10000x128xf32, #tpu.memory_space<hbm>>
      tpu.wait_indirect_dma semaphore(%arg11 : memref<!tpu.dma_semaphore, #tpu.memory_space<semaphore_mem>>) src(%dma_wait3A_18 : memref<10000x128xf32, #tpu.memory_space<hbm>>) dst(%arg8 : memref<40x128xf32, #tpu.memory_space<vmem>>)
      %dma_wait3A_19 = arith.constant 0 : i32
      %dma_wait3A_20 = arith.constant 0 : i32
      %dma_wait3A_21 = tpu.memref_slice %arg2[%dma_wait3A_19, %dma_wait3A_20] : memref<10000x128xf32, #tpu.memory_space<hbm>> -> memref<10000x128xf32, #tpu.memory_space<hbm>>
      tpu.wait_indirect_dma semaphore(%arg11 : memref<!tpu.dma_semaphore, #tpu.memory_space<semaphore_mem>>) src(%dma_wait3A_21 : memref<10000x128xf32, #tpu.memory_space<hbm>>) dst(%arg9 : memref<40x128xf32, #tpu.memory_space<vmem>>)
      %scan3A_22 = arith.constant 0 : i32
      %scan3A_23 = arith.constant 0 : i32
      %scan3A_24 = arith.constant 40 : i32
      %scan3A_25 = arith.addi %scan3A_23, %scan3A_24 : i32
      %scan3A_26 = arith.constant 1 : i32
      scf.for %scan3A_28 = %scan3A_23 to %scan3A_25 step %scan3A_26  : i32 {
        %get3A = arith.index_cast %scan3A_28 : i32 to index
        %get3A_29 = arith.constant 0 : index
        %get3A_30 = tpu.vector_load %arg8[%get3A, %get3A_29] {strides = array<i32>} : memref<40x128xf32, #tpu.memory_space<vmem>>, vector<1x16xf32>,
        %get3A_31 = vector.shape_cast %get3A_30 : vector<1x16xf32> to vector<16xf32>
        %get3A_32 = arith.index_cast %scan3A_28 : i32 to index
        %get3A_33 = arith.constant 0 : index
        %get3A_34 = tpu.vector_load %arg9[%get3A_32, %get3A_33] {strides = array<i32>} : memref<40x128xf32, #tpu.memory_space<vmem>>, vector<1x16xf32>,
        %get3A_35 = vector.shape_cast %get3A_34 : vector<1x16xf32> to vector<16xf32>
        %sub3A = arith.subf %get3A_31, %get3A_35 : vector<16xf32>
        %get3A_36 = arith.index_cast %scan3A_28 : i32 to index
        %get3A_37 = arith.constant 16 : index
        %get3A_38 = tpu.vector_load %arg8[%get3A_36, %get3A_37] {strides = array<i32>} : memref<40x128xf32, #tpu.memory_space<vmem>>, vector<1x16xf32>,
        %get3A_39 = vector.shape_cast %get3A_38 : vector<1x16xf32> to vector<16xf32>
        %get3A_40 = arith.index_cast %scan3A_28 : i32 to index
        %get3A_41 = arith.constant 16 : index
        %get3A_42 = tpu.vector_load %arg9[%get3A_40, %get3A_41] {strides = array<i32>} : memref<40x128xf32, #tpu.memory_space<vmem>>, vector<1x16xf32>,
        %get3A_43 = vector.shape_cast %get3A_42 : vector<1x16xf32> to vector<16xf32>
        %sub3A_44 = arith.subf %get3A_39, %get3A_43 : vector<16xf32>
        %get3A_45 = arith.index_cast %scan3A_28 : i32 to index
        %get3A_46 = arith.constant 32 : index
        %get3A_47 = tpu.vector_load %arg8[%get3A_45, %get3A_46] {strides = array<i32>} : memref<40x128xf32, #tpu.memory_space<vmem>>, vector<1x16xf32>,
        %get3A_48 = vector.shape_cast %get3A_47 : vector<1x16xf32> to vector<16xf32>
        %get3A_49 = arith.index_cast %scan3A_28 : i32 to index
        %get3A_50 = arith.constant 32 : index
        %get3A_51 = tpu.vector_load %arg9[%get3A_49, %get3A_50] {strides = array<i32>} : memref<40x128xf32, #tpu.memory_space<vmem>>, vector<1x16xf32>,
        %get3A_52 = vector.shape_cast %get3A_51 : vector<1x16xf32> to vector<16xf32>
        %sub3A_53 = arith.subf %get3A_48, %get3A_52 : vector<16xf32>
        %mul3A_54 = arith.mulf %sub3A, %sub3A : vector<16xf32>
        %mul3A_55 = arith.mulf %sub3A_44, %sub3A_44 : vector<16xf32>
        %add3A_56 = arith.addf %mul3A_54, %mul3A_55 : vector<16xf32>
        %mul3A_57 = arith.mulf %sub3A_53, %sub3A_53 : vector<16xf32>
        %add3A_58 = arith.addf %add3A_56, %mul3A_57 : vector<16xf32>
        %add3A_59 = arith.constant 9.99999996E-13 : f32
        %add3A_60 = vector.broadcast %add3A_59 : f32 to vector<16xf32>
        %add3A_61 = arith.addf %add3A_58, %add3A_60 : vector<16xf32>
        %swap3A = arith.index_cast %scan3A_28 : i32 to index
        %swap3A_62 = arith.constant 0 : index
        %swap3A_63 = tpu.vector_load %arg10[%swap3A, %swap3A_62] {strides = array<i32>} : memref<40x16xf32, #tpu.memory_space<vmem>>, vector<1x16xf32>,
        %swap3A_64 = vector.shape_cast %swap3A_63 : vector<1x16xf32> to vector<16xf32>
        %swap3A_65 = vector.shape_cast %add3A_61 : vector<16xf32> to vector<1x16xf32>
        tpu.vector_store %arg10[%swap3A, %swap3A_62], %swap3A_65 {strides = array<i32>} : memref<40x16xf32, #tpu.memory_space<vmem>>, vector<1x16xf32>,
      }
      %scan3A_27 = arith.constant 40 : i32
      "tpu.region"() ({
        %run_scoped3A = tpu.sem_alloc : memref<!tpu.dma_semaphore, #tpu.memory_space<semaphore_mem>>
        %dma_start3A_28 = arith.constant 0 : i32
        %dma_start3A_29 = tpu.memref_slice %arg5[%add3A_11, %dma_start3A_28] : memref<160000x16xf32, #tpu.memory_space<hbm>> -> memref<40x16xf32, #tpu.memory_space<hbm>>
        %dma_start3A_30 = arith.constant 0 : i32
        %dma_start3A_31 = tpu.memref_slice %arg5[%add3A_11, %dma_start3A_30] : memref<160000x16xf32, #tpu.memory_space<hbm>> -> memref<40x16xf32, #tpu.memory_space<hbm>>
        tpu.enqueue_dma source(%arg10 : memref<40x16xf32, #tpu.memory_space<vmem>>) target(%dma_start3A_31 : memref<40x16xf32, #tpu.memory_space<hbm>>) target_semaphore(%run_scoped3A : memref<!tpu.dma_semaphore, #tpu.memory_space<semaphore_mem>>)
        %dma_wait3A_32 = arith.constant 0 : i32
        %dma_wait3A_33 = tpu.memref_slice %arg5[%add3A_11, %dma_wait3A_32] : memref<160000x16xf32, #tpu.memory_space<hbm>> -> memref<40x16xf32, #tpu.memory_space<hbm>>
        %dma_wait3A_34 = arith.constant 0 : i32
        %dma_wait3A_35 = tpu.memref_slice %arg5[%add3A_11, %dma_wait3A_34] : memref<160000x16xf32, #tpu.memory_space<hbm>> -> memref<40x16xf32, #tpu.memory_space<hbm>>
        tpu.wait_dma2 semaphore(%run_scoped3A : memref<!tpu.dma_semaphore, #tpu.memory_space<semaphore_mem>>) src(%arg10 : memref<40x16xf32, #tpu.memory_space<vmem>>) dst(%dma_wait3A_35 : memref<40x16xf32, #tpu.memory_space<hbm>>)
        tpu.yield
      }) : () -> ()
    }
    %scan3A_7 = arith.constant 125 : i32
    return
  }
}

#map = affine_map<(d0, d1) -> (0, 0)>
#map1 = affine_map<(d0, d1) -> (0)>
module attributes {stable_mosaic.version = 14 : i64} {
  func.func @_edge_kernel(%arg0: i32, %arg1: i32, %arg2: memref<10000x128xf32, #tpu.memory_space<hbm>>, %arg3: memref<160000xi32, #tpu.memory_space<hbm>>, %arg4: memref<160000xi32, #tpu.memory_space<hbm>>, %arg5: memref<160000x16xf32, #tpu.memory_space<hbm>>, %arg6: memref<10000x128xf32, #tpu.memory_space<hbm>>, %arg7: memref<20000x128xf32, #tpu.memory_space<hbm>>, %arg8: memref<1x40xi32, #tpu.memory_space<vmem>>, %arg9: memref<40xi32, #tpu.memory_space<vmem>>, %arg10: memref<40x16xf32, #tpu.memory_space<vmem>>, %arg11: memref<40x128xf32, #tpu.memory_space<vmem>>, %arg12: memref<40x128xf32, #tpu.memory_space<vmem>>, %arg13: memref<10000x128xf32, #tpu.memory_space<vmem_shared>>, %arg14: memref<!tpu.dma_semaphore, #tpu.memory_space<semaphore_mem>>) attributes {dimension_semantics = [#tpu.dimension_semantics<core_parallel>, #tpu.dimension_semantics<subcore_parallel>], iteration_bounds = array<i64: 2, 16>, scalar_prefetch = 0 : i64, scratch_operands = 7 : i64, tpu.core_type = #tpu.core_type<sc_vector_subcore>, window_params = [{transform_indices = #map}, {transform_indices = #map1}, {transform_indices = #map1}, {transform_indices = #map}, {transform_indices = #map}, {transform_indices = #map}]} {
    %mul3A = arith.constant 80000 : i32
    %mul3A_0 = arith.muli %arg0, %mul3A : i32
    %mul3A_1 = arith.constant 5000 : i32
    %mul3A_2 = arith.muli %arg1, %mul3A_1 : i32
    %add3A = arith.addi %mul3A_0, %mul3A_2 : i32
    %lt3A = arith.constant 15 : i32
    %lt3A_3 = arith.cmpi slt, %arg1, %lt3A : i32
    %convert_element_type3A = arith.extui %lt3A_3 : i1 to i32
    %cond3A = arith.constant 0 : i32
    %cond3A_4 = arith.cmpi ne, %convert_element_type3A, %cond3A : i32
    scf.if %cond3A_4 {
      %mul3A_25 = arith.constant 640 : i32
      %mul3A_26 = arith.muli %arg1, %mul3A_25 : i32
      %mul3A_27 = arith.constant 640 : i32
      %mul3A_28 = arith.muli %arg1, %mul3A_27 : i32
      "tpu.region"() ({
        %run_scoped3A = tpu.sem_alloc : memref<!tpu.dma_semaphore, #tpu.memory_space<semaphore_mem>>
        %dma_start3A = arith.constant 0 : i32
        %dma_start3A_29 = tpu.memref_slice %arg13[%mul3A_28, %dma_start3A] : memref<10000x128xf32, #tpu.memory_space<vmem_shared>> -> memref<640x128xf32, #tpu.memory_space<vmem_shared>>
        %dma_start3A_30 = arith.constant 0 : i32
        %dma_start3A_31 = tpu.memref_slice %arg6[%mul3A_26, %dma_start3A_30] : memref<10000x128xf32, #tpu.memory_space<hbm>> -> memref<640x128xf32, #tpu.memory_space<hbm>>
        tpu.enqueue_dma source(%dma_start3A_31 : memref<640x128xf32, #tpu.memory_space<hbm>>) target(%dma_start3A_29 : memref<640x128xf32, #tpu.memory_space<vmem_shared>>) target_semaphore(%run_scoped3A : memref<!tpu.dma_semaphore, #tpu.memory_space<semaphore_mem>>)
        %dma_wait3A = arith.constant 0 : i32
        %dma_wait3A_32 = tpu.memref_slice %arg13[%mul3A_28, %dma_wait3A] : memref<10000x128xf32, #tpu.memory_space<vmem_shared>> -> memref<640x128xf32, #tpu.memory_space<vmem_shared>>
        %dma_wait3A_33 = arith.constant 0 : i32
        %dma_wait3A_34 = tpu.memref_slice %arg6[%mul3A_26, %dma_wait3A_33] : memref<10000x128xf32, #tpu.memory_space<hbm>> -> memref<640x128xf32, #tpu.memory_space<hbm>>
        tpu.wait_dma2 semaphore(%run_scoped3A : memref<!tpu.dma_semaphore, #tpu.memory_space<semaphore_mem>>) src(%dma_wait3A_34 : memref<640x128xf32, #tpu.memory_space<hbm>>) dst(%dma_wait3A_32 : memref<640x128xf32, #tpu.memory_space<vmem_shared>>)
        tpu.yield
      }) : () -> ()
    } else {
    }
    %eq3A = arith.constant 15 : i32
    %eq3A_5 = arith.cmpi eq, %arg1, %eq3A : i32
    %convert_element_type3A_6 = arith.extui %eq3A_5 : i1 to i32
    %cond3A_7 = arith.constant 0 : i32
    %cond3A_8 = arith.cmpi ne, %convert_element_type3A_6, %cond3A_7 : i32
    scf.if %cond3A_8 {
      "tpu.region"() ({
        %run_scoped3A = tpu.sem_alloc : memref<!tpu.dma_semaphore, #tpu.memory_space<semaphore_mem>>
        %dma_start3A = arith.constant 9600 : i32
        %dma_start3A_25 = arith.constant 0 : i32
        %dma_start3A_26 = tpu.memref_slice %arg13[%dma_start3A, %dma_start3A_25] : memref<10000x128xf32, #tpu.memory_space<vmem_shared>> -> memref<400x128xf32, #tpu.memory_space<vmem_shared>>
        %dma_start3A_27 = arith.constant 9600 : i32
        %dma_start3A_28 = arith.constant 0 : i32
        %dma_start3A_29 = tpu.memref_slice %arg6[%dma_start3A_27, %dma_start3A_28] : memref<10000x128xf32, #tpu.memory_space<hbm>> -> memref<400x128xf32, #tpu.memory_space<hbm>>
        tpu.enqueue_dma source(%dma_start3A_29 : memref<400x128xf32, #tpu.memory_space<hbm>>) target(%dma_start3A_26 : memref<400x128xf32, #tpu.memory_space<vmem_shared>>) target_semaphore(%run_scoped3A : memref<!tpu.dma_semaphore, #tpu.memory_space<semaphore_mem>>)
        %dma_wait3A = arith.constant 9600 : i32
        %dma_wait3A_30 = arith.constant 0 : i32
        %dma_wait3A_31 = tpu.memref_slice %arg13[%dma_wait3A, %dma_wait3A_30] : memref<10000x128xf32, #tpu.memory_space<vmem_shared>> -> memref<400x128xf32, #tpu.memory_space<vmem_shared>>
        %dma_wait3A_32 = arith.constant 9600 : i32
        %dma_wait3A_33 = arith.constant 0 : i32
        %dma_wait3A_34 = tpu.memref_slice %arg6[%dma_wait3A_32, %dma_wait3A_33] : memref<10000x128xf32, #tpu.memory_space<hbm>> -> memref<400x128xf32, #tpu.memory_space<hbm>>
        tpu.wait_dma2 semaphore(%run_scoped3A : memref<!tpu.dma_semaphore, #tpu.memory_space<semaphore_mem>>) src(%dma_wait3A_34 : memref<400x128xf32, #tpu.memory_space<hbm>>) dst(%dma_wait3A_31 : memref<400x128xf32, #tpu.memory_space<vmem_shared>>)
        tpu.yield
      }) : () -> ()
    } else {
    }
    %barrier3A = arith.constant 0 : index
    tpu.barrier barrier_id(%barrier3A)
    %scan3A = arith.constant 0 : i32
    %scan3A_9 = arith.constant 0 : i32
    %scan3A_10 = arith.constant 125 : i32
    %scan3A_11 = arith.addi %scan3A_9, %scan3A_10 : i32
    %scan3A_12 = arith.constant 1 : i32
    scf.for %scan3A_25 = %scan3A_9 to %scan3A_11 step %scan3A_12  : i32 {
      %mul3A_26 = arith.constant 40 : i32
      %mul3A_27 = arith.muli %scan3A_25, %mul3A_26 : i32
      %add3A_28 = arith.addi %add3A, %mul3A_27 : i32
      "tpu.region"() ({
        %run_scoped3A_40 = tpu.sem_alloc : memref<!tpu.dma_semaphore, #tpu.memory_space<semaphore_mem>>
        %dma_start3A_41 = tpu.memref_slice %arg4[%add3A_28] : memref<160000xi32, #tpu.memory_space<hbm>> -> memref<40xi32, #tpu.memory_space<hbm>>
        %dma_start3A_42 = tpu.memref_slice %arg4[%add3A_28] : memref<160000xi32, #tpu.memory_space<hbm>> -> memref<40xi32, #tpu.memory_space<hbm>>
        tpu.enqueue_dma source(%dma_start3A_42 : memref<40xi32, #tpu.memory_space<hbm>>) target(%arg9 : memref<40xi32, #tpu.memory_space<vmem>>) target_semaphore(%run_scoped3A_40 : memref<!tpu.dma_semaphore, #tpu.memory_space<semaphore_mem>>)
        %dma_wait3A_43 = tpu.memref_slice %arg4[%add3A_28] : memref<160000xi32, #tpu.memory_space<hbm>> -> memref<40xi32, #tpu.memory_space<hbm>>
        %dma_wait3A_44 = tpu.memref_slice %arg4[%add3A_28] : memref<160000xi32, #tpu.memory_space<hbm>> -> memref<40xi32, #tpu.memory_space<hbm>>
        tpu.wait_dma2 semaphore(%run_scoped3A_40 : memref<!tpu.dma_semaphore, #tpu.memory_space<semaphore_mem>>) src(%dma_wait3A_44 : memref<40xi32, #tpu.memory_space<hbm>>) dst(%arg9 : memref<40xi32, #tpu.memory_space<vmem>>)
        tpu.yield
      }) : () -> ()
      %dma_start3A = arith.constant 0 : i32
      %dma_start3A_29 = arith.constant 0 : i32
      %dma_start3A_30 = tpu.memref_slice %arg2[%dma_start3A, %dma_start3A_29] : memref<10000x128xf32, #tpu.memory_space<hbm>> -> memref<10000x128xf32, #tpu.memory_space<hbm>>
      tpu.enqueue_indirect_dma source(%dma_start3A_30 : memref<10000x128xf32, #tpu.memory_space<hbm>>) target(%arg11 : memref<40x128xf32, #tpu.memory_space<vmem>>) offsets(%arg9 : memref<40xi32, #tpu.memory_space<vmem>>) semaphore(%arg14 : memref<!tpu.dma_semaphore, #tpu.memory_space<semaphore_mem>>)
      %run_scoped3A = arith.constant 0 : i32
      "tpu.region"() ({
        %run_scoped3A_40 = tpu.sem_alloc : memref<!tpu.dma_semaphore, #tpu.memory_space<semaphore_mem>>
        %dma_start3A_41 = arith.constant 0 : i32
        %dma_start3A_42 = tpu.memref_slice %arg8[%run_scoped3A, %dma_start3A_41] : memref<1x40xi32, #tpu.memory_space<vmem>> -> memref<1x40xi32, #tpu.memory_space<vmem>>
        %dma_start3A_43 = tpu.memref_squeeze %dma_start3A_42 : memref<1x40xi32, #tpu.memory_space<vmem>> -> memref<40xi32, #tpu.memory_space<vmem>>
        %dma_start3A_44 = tpu.memref_slice %arg3[%add3A_28] : memref<160000xi32, #tpu.memory_space<hbm>> -> memref<40xi32, #tpu.memory_space<hbm>>
        %dma_start3A_45 = arith.constant 0 : i32
        %dma_start3A_46 = tpu.memref_slice %arg8[%run_scoped3A, %dma_start3A_45] : memref<1x40xi32, #tpu.memory_space<vmem>> -> memref<1x40xi32, #tpu.memory_space<vmem>>
        %dma_start3A_47 = tpu.memref_squeeze %dma_start3A_46 : memref<1x40xi32, #tpu.memory_space<vmem>> -> memref<40xi32, #tpu.memory_space<vmem>>
        %dma_start3A_48 = tpu.memref_slice %arg3[%add3A_28] : memref<160000xi32, #tpu.memory_space<hbm>> -> memref<40xi32, #tpu.memory_space<hbm>>
        tpu.enqueue_dma source(%dma_start3A_48 : memref<40xi32, #tpu.memory_space<hbm>>) target(%dma_start3A_47 : memref<40xi32, #tpu.memory_space<vmem>>) target_semaphore(%run_scoped3A_40 : memref<!tpu.dma_semaphore, #tpu.memory_space<semaphore_mem>>)
        %dma_wait3A_49 = arith.constant 0 : i32
        %dma_wait3A_50 = tpu.memref_slice %arg8[%run_scoped3A, %dma_wait3A_49] : memref<1x40xi32, #tpu.memory_space<vmem>> -> memref<1x40xi32, #tpu.memory_space<vmem>>
        %dma_wait3A_51 = tpu.memref_squeeze %dma_wait3A_50 : memref<1x40xi32, #tpu.memory_space<vmem>> -> memref<40xi32, #tpu.memory_space<vmem>>
        %dma_wait3A_52 = tpu.memref_slice %arg3[%add3A_28] : memref<160000xi32, #tpu.memory_space<hbm>> -> memref<40xi32, #tpu.memory_space<hbm>>
        %dma_wait3A_53 = arith.constant 0 : i32
        %dma_wait3A_54 = tpu.memref_slice %arg8[%run_scoped3A, %dma_wait3A_53] : memref<1x40xi32, #tpu.memory_space<vmem>> -> memref<1x40xi32, #tpu.memory_space<vmem>>
        %dma_wait3A_55 = tpu.memref_squeeze %dma_wait3A_54 : memref<1x40xi32, #tpu.memory_space<vmem>> -> memref<40xi32, #tpu.memory_space<vmem>>
        %dma_wait3A_56 = tpu.memref_slice %arg3[%add3A_28] : memref<160000xi32, #tpu.memory_space<hbm>> -> memref<40xi32, #tpu.memory_space<hbm>>
        tpu.wait_dma2 semaphore(%run_scoped3A_40 : memref<!tpu.dma_semaphore, #tpu.memory_space<semaphore_mem>>) src(%dma_wait3A_56 : memref<40xi32, #tpu.memory_space<hbm>>) dst(%dma_wait3A_55 : memref<40xi32, #tpu.memory_space<vmem>>)
        tpu.yield
      }) : () -> ()
      "tpu.region"() ({
        %run_scoped3A_40 = tpu.sem_alloc : memref<!tpu.dma_semaphore, #tpu.memory_space<semaphore_mem>>
        %dma_start3A_41 = arith.constant 0 : i32
        %dma_start3A_42 = tpu.memref_slice %arg5[%add3A_28, %dma_start3A_41] : memref<160000x16xf32, #tpu.memory_space<hbm>> -> memref<40x16xf32, #tpu.memory_space<hbm>>
        %dma_start3A_43 = arith.constant 0 : i32
        %dma_start3A_44 = tpu.memref_slice %arg5[%add3A_28, %dma_start3A_43] : memref<160000x16xf32, #tpu.memory_space<hbm>> -> memref<40x16xf32, #tpu.memory_space<hbm>>
        tpu.enqueue_dma source(%dma_start3A_44 : memref<40x16xf32, #tpu.memory_space<hbm>>) target(%arg10 : memref<40x16xf32, #tpu.memory_space<vmem>>) target_semaphore(%run_scoped3A_40 : memref<!tpu.dma_semaphore, #tpu.memory_space<semaphore_mem>>)
        %dma_wait3A_45 = arith.constant 0 : i32
        %dma_wait3A_46 = tpu.memref_slice %arg5[%add3A_28, %dma_wait3A_45] : memref<160000x16xf32, #tpu.memory_space<hbm>> -> memref<40x16xf32, #tpu.memory_space<hbm>>
        %dma_wait3A_47 = arith.constant 0 : i32
        %dma_wait3A_48 = tpu.memref_slice %arg5[%add3A_28, %dma_wait3A_47] : memref<160000x16xf32, #tpu.memory_space<hbm>> -> memref<40x16xf32, #tpu.memory_space<hbm>>
        tpu.wait_dma2 semaphore(%run_scoped3A_40 : memref<!tpu.dma_semaphore, #tpu.memory_space<semaphore_mem>>) src(%dma_wait3A_48 : memref<40x16xf32, #tpu.memory_space<hbm>>) dst(%arg10 : memref<40x16xf32, #tpu.memory_space<vmem>>)
        tpu.yield
      }) : () -> ()
      %dma_wait3A = arith.constant 0 : i32
      %dma_wait3A_31 = arith.constant 0 : i32
      %dma_wait3A_32 = tpu.memref_slice %arg2[%dma_wait3A, %dma_wait3A_31] : memref<10000x128xf32, #tpu.memory_space<hbm>> -> memref<10000x128xf32, #tpu.memory_space<hbm>>
      tpu.wait_indirect_dma semaphore(%arg14 : memref<!tpu.dma_semaphore, #tpu.memory_space<semaphore_mem>>) src(%dma_wait3A_32 : memref<10000x128xf32, #tpu.memory_space<hbm>>) dst(%arg11 : memref<40x128xf32, #tpu.memory_space<vmem>>)
      %scan3A_33 = arith.constant 0 : i32
      %scan3A_34 = arith.constant 0 : i32
      %scan3A_35 = arith.constant 40 : i32
      %scan3A_36 = arith.addi %scan3A_34, %scan3A_35 : i32
      %scan3A_37 = arith.constant 1 : i32
      scf.for %scan3A_40 = %scan3A_34 to %scan3A_36 step %scan3A_37  : i32 {
        %get3A = arith.index_cast %scan3A_40 : i32 to index
        %get3A_41 = arith.constant 0 : index
        %get3A_42 = tpu.vector_load %arg10[%get3A, %get3A_41] {strides = array<i32>} : memref<40x16xf32, #tpu.memory_space<vmem>>, vector<1x16xf32>,
        %get3A_43 = vector.shape_cast %get3A_42 : vector<1x16xf32> to vector<16xf32>
        %get3A_44 = arith.index_cast %scan3A_40 : i32 to index
        %get3A_45 = arith.constant 0 : index
        %get3A_46 = tpu.vector_load %arg11[%get3A_44, %get3A_45] {strides = array<i32>} : memref<40x128xf32, #tpu.memory_space<vmem>>, vector<1x16xf32>,
        %get3A_47 = vector.shape_cast %get3A_46 : vector<1x16xf32> to vector<16xf32>
        %get3A_48 = arith.index_cast %scan3A_40 : i32 to index
        %get3A_49 = arith.constant 64 : index
        %get3A_50 = tpu.vector_load %arg11[%get3A_48, %get3A_49] {strides = array<i32>} : memref<40x128xf32, #tpu.memory_space<vmem>>, vector<1x16xf32>,
        %get3A_51 = vector.shape_cast %get3A_50 : vector<1x16xf32> to vector<16xf32>
        %mul3A_52 = arith.mulf %get3A_43, %get3A_47 : vector<16xf32>
        %add3A_53 = arith.addf %mul3A_52, %get3A_51 : vector<16xf32>
        %swap3A = arith.index_cast %scan3A_40 : i32 to index
        %swap3A_54 = arith.constant 0 : index
        %swap3A_55 = tpu.vector_load %arg12[%swap3A, %swap3A_54] {strides = array<i32>} : memref<40x128xf32, #tpu.memory_space<vmem>>, vector<1x16xf32>,
        %swap3A_56 = vector.shape_cast %swap3A_55 : vector<1x16xf32> to vector<16xf32>
        %swap3A_57 = vector.shape_cast %add3A_53 : vector<16xf32> to vector<1x16xf32>
        tpu.vector_store %arg12[%swap3A, %swap3A_54], %swap3A_57 {strides = array<i32>} : memref<40x128xf32, #tpu.memory_space<vmem>>, vector<1x16xf32>,
        %get3A_58 = arith.index_cast %scan3A_40 : i32 to index
        %get3A_59 = arith.constant 16 : index
        %get3A_60 = tpu.vector_load %arg11[%get3A_58, %get3A_59] {strides = array<i32>} : memref<40x128xf32, #tpu.memory_space<vmem>>, vector<1x16xf32>,
        %get3A_61 = vector.shape_cast %get3A_60 : vector<1x16xf32> to vector<16xf32>
        %get3A_62 = arith.index_cast %scan3A_40 : i32 to index
        %get3A_63 = arith.constant 80 : index
        %get3A_64 = tpu.vector_load %arg11[%get3A_62, %get3A_63] {strides = array<i32>} : memref<40x128xf32, #tpu.memory_space<vmem>>, vector<1x16xf32>,
        %get3A_65 = vector.shape_cast %get3A_64 : vector<1x16xf32> to vector<16xf32>
        %mul3A_66 = arith.mulf %get3A_43, %get3A_61 : vector<16xf32>
        %add3A_67 = arith.addf %mul3A_66, %get3A_65 : vector<16xf32>
        %swap3A_68 = arith.index_cast %scan3A_40 : i32 to index
        %swap3A_69 = arith.constant 16 : index
        %swap3A_70 = tpu.vector_load %arg12[%swap3A_68, %swap3A_69] {strides = array<i32>} : memref<40x128xf32, #tpu.memory_space<vmem>>, vector<1x16xf32>,
        %swap3A_71 = vector.shape_cast %swap3A_70 : vector<1x16xf32> to vector<16xf32>
        %swap3A_72 = vector.shape_cast %add3A_67 : vector<16xf32> to vector<1x16xf32>
        tpu.vector_store %arg12[%swap3A_68, %swap3A_69], %swap3A_72 {strides = array<i32>} : memref<40x128xf32, #tpu.memory_space<vmem>>, vector<1x16xf32>,
        %get3A_73 = arith.index_cast %scan3A_40 : i32 to index
        %get3A_74 = arith.constant 32 : index
        %get3A_75 = tpu.vector_load %arg11[%get3A_73, %get3A_74] {strides = array<i32>} : memref<40x128xf32, #tpu.memory_space<vmem>>, vector<1x16xf32>,
        %get3A_76 = vector.shape_cast %get3A_75 : vector<1x16xf32> to vector<16xf32>
        %get3A_77 = arith.index_cast %scan3A_40 : i32 to index
        %get3A_78 = arith.constant 96 : index
        %get3A_79 = tpu.vector_load %arg11[%get3A_77, %get3A_78] {strides = array<i32>} : memref<40x128xf32, #tpu.memory_space<vmem>>, vector<1x16xf32>,
        %get3A_80 = vector.shape_cast %get3A_79 : vector<1x16xf32> to vector<16xf32>
        %mul3A_81 = arith.mulf %get3A_43, %get3A_76 : vector<16xf32>
        %add3A_82 = arith.addf %mul3A_81, %get3A_80 : vector<16xf32>
        %swap3A_83 = arith.index_cast %scan3A_40 : i32 to index
        %swap3A_84 = arith.constant 32 : index
        %swap3A_85 = tpu.vector_load %arg12[%swap3A_83, %swap3A_84] {strides = array<i32>} : memref<40x128xf32, #tpu.memory_space<vmem>>, vector<1x16xf32>,
        %swap3A_86 = vector.shape_cast %swap3A_85 : vector<1x16xf32> to vector<16xf32>
        %swap3A_87 = vector.shape_cast %add3A_82 : vector<16xf32> to vector<1x16xf32>
        tpu.vector_store %arg12[%swap3A_83, %swap3A_84], %swap3A_87 {strides = array<i32>} : memref<40x128xf32, #tpu.memory_space<vmem>>, vector<1x16xf32>,
        %get3A_88 = arith.index_cast %scan3A_40 : i32 to index
        %get3A_89 = arith.constant 48 : index
        %get3A_90 = tpu.vector_load %arg11[%get3A_88, %get3A_89] {strides = array<i32>} : memref<40x128xf32, #tpu.memory_space<vmem>>, vector<1x16xf32>,
        %get3A_91 = vector.shape_cast %get3A_90 : vector<1x16xf32> to vector<16xf32>
        %get3A_92 = arith.index_cast %scan3A_40 : i32 to index
        %get3A_93 = arith.constant 112 : index
        %get3A_94 = tpu.vector_load %arg11[%get3A_92, %get3A_93] {strides = array<i32>} : memref<40x128xf32, #tpu.memory_space<vmem>>, vector<1x16xf32>,
        %get3A_95 = vector.shape_cast %get3A_94 : vector<1x16xf32> to vector<16xf32>
        %mul3A_96 = arith.mulf %get3A_43, %get3A_91 : vector<16xf32>
        %add3A_97 = arith.addf %mul3A_96, %get3A_95 : vector<16xf32>
        %swap3A_98 = arith.index_cast %scan3A_40 : i32 to index
        %swap3A_99 = arith.constant 48 : index
        %swap3A_100 = tpu.vector_load %arg12[%swap3A_98, %swap3A_99] {strides = array<i32>} : memref<40x128xf32, #tpu.memory_space<vmem>>, vector<1x16xf32>,
        %swap3A_101 = vector.shape_cast %swap3A_100 : vector<1x16xf32> to vector<16xf32>
        %swap3A_102 = vector.shape_cast %add3A_97 : vector<16xf32> to vector<1x16xf32>
        tpu.vector_store %arg12[%swap3A_98, %swap3A_99], %swap3A_102 {strides = array<i32>} : memref<40x128xf32, #tpu.memory_space<vmem>>, vector<1x16xf32>,
      }
      %scan3A_38 = arith.constant 40 : i32
      %run_scoped3A_39 = arith.constant 0 : i32
      "tpu.region"() ({
        %run_scoped3A_40 = tpu.sem_alloc : memref<!tpu.dma_semaphore, #tpu.memory_space<semaphore_mem>>
        %dma_start3A_41 = arith.constant 0 : i32
        %dma_start3A_42 = tpu.memref_slice %arg8[%run_scoped3A_39, %dma_start3A_41] : memref<1x40xi32, #tpu.memory_space<vmem>> -> memref<1x40xi32, #tpu.memory_space<vmem>>
        %dma_start3A_43 = tpu.memref_squeeze %dma_start3A_42 : memref<1x40xi32, #tpu.memory_space<vmem>> -> memref<40xi32, #tpu.memory_space<vmem>>
        %dma_start3A_44 = arith.constant 0 : i32
        %dma_start3A_45 = arith.constant 0 : i32
        %dma_start3A_46 = tpu.memref_slice %arg13[%dma_start3A_44, %dma_start3A_45] : memref<10000x128xf32, #tpu.memory_space<vmem_shared>> -> memref<10000x128xf32, #tpu.memory_space<vmem_shared>>
        tpu.enqueue_indirect_dma source(%arg12 : memref<40x128xf32, #tpu.memory_space<vmem>>) target(%dma_start3A_46 : memref<10000x128xf32, #tpu.memory_space<vmem_shared>>) offsets(%dma_start3A_43 : memref<40xi32, #tpu.memory_space<vmem>>) semaphore(%run_scoped3A_40 : memref<!tpu.dma_semaphore, #tpu.memory_space<semaphore_mem>>) {add = true}
        %dma_wait3A_47 = arith.constant 0 : i32
        %dma_wait3A_48 = tpu.memref_slice %arg8[%run_scoped3A_39, %dma_wait3A_47] : memref<1x40xi32, #tpu.memory_space<vmem>> -> memref<1x40xi32, #tpu.memory_space<vmem>>
        %dma_wait3A_49 = tpu.memref_squeeze %dma_wait3A_48 : memref<1x40xi32, #tpu.memory_space<vmem>> -> memref<40xi32, #tpu.memory_space<vmem>>
        %dma_wait3A_50 = arith.constant 0 : i32
        %dma_wait3A_51 = arith.constant 0 : i32
        %dma_wait3A_52 = tpu.memref_slice %arg13[%dma_wait3A_50, %dma_wait3A_51] : memref<10000x128xf32, #tpu.memory_space<vmem_shared>> -> memref<10000x128xf32, #tpu.memory_space<vmem_shared>>
        tpu.wait_indirect_dma semaphore(%run_scoped3A_40 : memref<!tpu.dma_semaphore, #tpu.memory_space<semaphore_mem>>) src(%arg12 : memref<40x128xf32, #tpu.memory_space<vmem>>) dst(%dma_wait3A_52 : memref<10000x128xf32, #tpu.memory_space<vmem_shared>>)
        tpu.yield
      }) : () -> ()
    }
    %scan3A_13 = arith.constant 125 : i32
    %barrier3A_14 = arith.constant 0 : index
    tpu.barrier barrier_id(%barrier3A_14)
    %lt3A_15 = arith.constant 15 : i32
    %lt3A_16 = arith.cmpi slt, %arg1, %lt3A_15 : i32
    %convert_element_type3A_17 = arith.extui %lt3A_16 : i1 to i32
    %cond3A_18 = arith.constant 0 : i32
    %cond3A_19 = arith.cmpi ne, %convert_element_type3A_17, %cond3A_18 : i32
    scf.if %cond3A_19 {
      %mul3A_25 = arith.constant 640 : i32
      %mul3A_26 = arith.muli %arg1, %mul3A_25 : i32
      %mul3A_27 = arith.constant 10000 : i32
      %mul3A_28 = arith.muli %arg0, %mul3A_27 : i32
      %mul3A_29 = arith.constant 640 : i32
      %mul3A_30 = arith.muli %arg1, %mul3A_29 : i32
      %add3A_31 = arith.addi %mul3A_28, %mul3A_30 : i32
      "tpu.region"() ({
        %run_scoped3A = tpu.sem_alloc : memref<!tpu.dma_semaphore, #tpu.memory_space<semaphore_mem>>
        %dma_start3A = arith.constant 0 : i32
        %dma_start3A_32 = tpu.memref_slice %arg7[%add3A_31, %dma_start3A] : memref<20000x128xf32, #tpu.memory_space<hbm>> -> memref<640x128xf32, #tpu.memory_space<hbm>>
        %dma_start3A_33 = arith.constant 0 : i32
        %dma_start3A_34 = tpu.memref_slice %arg13[%mul3A_26, %dma_start3A_33] : memref<10000x128xf32, #tpu.memory_space<vmem_shared>> -> memref<640x128xf32, #tpu.memory_space<vmem_shared>>
        tpu.enqueue_dma source(%dma_start3A_34 : memref<640x128xf32, #tpu.memory_space<vmem_shared>>) target(%dma_start3A_32 : memref<640x128xf32, #tpu.memory_space<hbm>>) target_semaphore(%run_scoped3A : memref<!tpu.dma_semaphore, #tpu.memory_space<semaphore_mem>>)
        %dma_wait3A = arith.constant 0 : i32
        %dma_wait3A_35 = tpu.memref_slice %arg7[%add3A_31, %dma_wait3A] : memref<20000x128xf32, #tpu.memory_space<hbm>> -> memref<640x128xf32, #tpu.memory_space<hbm>>
        %dma_wait3A_36 = arith.constant 0 : i32
        %dma_wait3A_37 = tpu.memref_slice %arg13[%mul3A_26, %dma_wait3A_36] : memref<10000x128xf32, #tpu.memory_space<vmem_shared>> -> memref<640x128xf32, #tpu.memory_space<vmem_shared>>
        tpu.wait_dma2 semaphore(%run_scoped3A : memref<!tpu.dma_semaphore, #tpu.memory_space<semaphore_mem>>) src(%dma_wait3A_37 : memref<640x128xf32, #tpu.memory_space<vmem_shared>>) dst(%dma_wait3A_35 : memref<640x128xf32, #tpu.memory_space<hbm>>)
        tpu.yield
      }) : () -> ()
    } else {
    }
    %eq3A_20 = arith.constant 15 : i32
    %eq3A_21 = arith.cmpi eq, %arg1, %eq3A_20 : i32
    %convert_element_type3A_22 = arith.extui %eq3A_21 : i1 to i32
    %cond3A_23 = arith.constant 0 : i32
    %cond3A_24 = arith.cmpi ne, %convert_element_type3A_22, %cond3A_23 : i32
    scf.if %cond3A_24 {
      %mul3A_25 = arith.constant 10000 : i32
      %mul3A_26 = arith.muli %arg0, %mul3A_25 : i32
      %add3A_27 = arith.constant 9600 : i32
      %add3A_28 = arith.addi %mul3A_26, %add3A_27 : i32
      "tpu.region"() ({
        %run_scoped3A = tpu.sem_alloc : memref<!tpu.dma_semaphore, #tpu.memory_space<semaphore_mem>>
        %dma_start3A = arith.constant 0 : i32
        %dma_start3A_29 = tpu.memref_slice %arg7[%add3A_28, %dma_start3A] : memref<20000x128xf32, #tpu.memory_space<hbm>> -> memref<400x128xf32, #tpu.memory_space<hbm>>
        %dma_start3A_30 = arith.constant 9600 : i32
        %dma_start3A_31 = arith.constant 0 : i32
        %dma_start3A_32 = tpu.memref_slice %arg13[%dma_start3A_30, %dma_start3A_31] : memref<10000x128xf32, #tpu.memory_space<vmem_shared>> -> memref<400x128xf32, #tpu.memory_space<vmem_shared>>
        tpu.enqueue_dma source(%dma_start3A_32 : memref<400x128xf32, #tpu.memory_space<vmem_shared>>) target(%dma_start3A_29 : memref<400x128xf32, #tpu.memory_space<hbm>>) target_semaphore(%run_scoped3A : memref<!tpu.dma_semaphore, #tpu.memory_space<semaphore_mem>>)
        %dma_wait3A = arith.constant 0 : i32
        %dma_wait3A_33 = tpu.memref_slice %arg7[%add3A_28, %dma_wait3A] : memref<20000x128xf32, #tpu.memory_space<hbm>> -> memref<400x128xf32, #tpu.memory_space<hbm>>
        %dma_wait3A_34 = arith.constant 9600 : i32
        %dma_wait3A_35 = arith.constant 0 : i32
        %dma_wait3A_36 = tpu.memref_slice %arg13[%dma_wait3A_34, %dma_wait3A_35] : memref<10000x128xf32, #tpu.memory_space<vmem_shared>> -> memref<400x128xf32, #tpu.memory_space<vmem_shared>>
        tpu.wait_dma2 semaphore(%run_scoped3A : memref<!tpu.dma_semaphore, #tpu.memory_space<semaphore_mem>>) src(%dma_wait3A_36 : memref<400x128xf32, #tpu.memory_space<vmem_shared>>) dst(%dma_wait3A_33 : memref<400x128xf32, #tpu.memory_space<hbm>>)
        tpu.yield
      }) : () -> ()
    } else {
    }
    return
  }
}

#map = affine_map<(d0, d1) -> (0, 0)>
#map1 = affine_map<(d0, d1) -> (0)>
module attributes {stable_mosaic.version = 14 : i64} {
  func.func @_edge_kernel(%arg0: i32, %arg1: i32, %arg2: memref<10000x128xf32, #tpu.memory_space<hbm>>, %arg3: memref<160000xi32, #tpu.memory_space<hbm>>, %arg4: memref<160000xi32, #tpu.memory_space<hbm>>, %arg5: memref<160000x16xf32, #tpu.memory_space<hbm>>, %arg6: memref<10000x128xf32, #tpu.memory_space<hbm>>, %arg7: memref<20000x128xf32, #tpu.memory_space<hbm>>, %arg8: memref<1x40xi32, #tpu.memory_space<vmem>>, %arg9: memref<40xi32, #tpu.memory_space<vmem>>, %arg10: memref<40x16xf32, #tpu.memory_space<vmem>>, %arg11: memref<40x128xf32, #tpu.memory_space<vmem>>, %arg12: memref<40x128xf32, #tpu.memory_space<vmem>>, %arg13: memref<10000x128xf32, #tpu.memory_space<vmem_shared>>, %arg14: memref<!tpu.dma_semaphore, #tpu.memory_space<semaphore_mem>>) attributes {dimension_semantics = [#tpu.dimension_semantics<core_parallel>, #tpu.dimension_semantics<subcore_parallel>], iteration_bounds = array<i64: 2, 16>, scalar_prefetch = 0 : i64, scratch_operands = 7 : i64, tpu.core_type = #tpu.core_type<sc_vector_subcore>, window_params = [{transform_indices = #map}, {transform_indices = #map1}, {transform_indices = #map1}, {transform_indices = #map}, {transform_indices = #map}, {transform_indices = #map}]} {
    %mul3A = arith.constant 80000 : i32
    %mul3A_0 = arith.muli %arg0, %mul3A : i32
    %mul3A_1 = arith.constant 5000 : i32
    %mul3A_2 = arith.muli %arg1, %mul3A_1 : i32
    %add3A = arith.addi %mul3A_0, %mul3A_2 : i32
    %lt3A = arith.constant 15 : i32
    %lt3A_3 = arith.cmpi slt, %arg1, %lt3A : i32
    %convert_element_type3A = arith.extui %lt3A_3 : i1 to i32
    %cond3A = arith.constant 0 : i32
    %cond3A_4 = arith.cmpi ne, %convert_element_type3A, %cond3A : i32
    scf.if %cond3A_4 {
      %mul3A_25 = arith.constant 640 : i32
      %mul3A_26 = arith.muli %arg1, %mul3A_25 : i32
      %mul3A_27 = arith.constant 640 : i32
      %mul3A_28 = arith.muli %arg1, %mul3A_27 : i32
      "tpu.region"() ({
        %run_scoped3A = tpu.sem_alloc : memref<!tpu.dma_semaphore, #tpu.memory_space<semaphore_mem>>
        %dma_start3A = arith.constant 0 : i32
        %dma_start3A_29 = tpu.memref_slice %arg13[%mul3A_28, %dma_start3A] : memref<10000x128xf32, #tpu.memory_space<vmem_shared>> -> memref<640x128xf32, #tpu.memory_space<vmem_shared>>
        %dma_start3A_30 = arith.constant 0 : i32
        %dma_start3A_31 = tpu.memref_slice %arg6[%mul3A_26, %dma_start3A_30] : memref<10000x128xf32, #tpu.memory_space<hbm>> -> memref<640x128xf32, #tpu.memory_space<hbm>>
        tpu.enqueue_dma source(%dma_start3A_31 : memref<640x128xf32, #tpu.memory_space<hbm>>) target(%dma_start3A_29 : memref<640x128xf32, #tpu.memory_space<vmem_shared>>) target_semaphore(%run_scoped3A : memref<!tpu.dma_semaphore, #tpu.memory_space<semaphore_mem>>)
        %dma_wait3A = arith.constant 0 : i32
        %dma_wait3A_32 = tpu.memref_slice %arg13[%mul3A_28, %dma_wait3A] : memref<10000x128xf32, #tpu.memory_space<vmem_shared>> -> memref<640x128xf32, #tpu.memory_space<vmem_shared>>
        %dma_wait3A_33 = arith.constant 0 : i32
        %dma_wait3A_34 = tpu.memref_slice %arg6[%mul3A_26, %dma_wait3A_33] : memref<10000x128xf32, #tpu.memory_space<hbm>> -> memref<640x128xf32, #tpu.memory_space<hbm>>
        tpu.wait_dma2 semaphore(%run_scoped3A : memref<!tpu.dma_semaphore, #tpu.memory_space<semaphore_mem>>) src(%dma_wait3A_34 : memref<640x128xf32, #tpu.memory_space<hbm>>) dst(%dma_wait3A_32 : memref<640x128xf32, #tpu.memory_space<vmem_shared>>)
        tpu.yield
      }) : () -> ()
    } else {
    }
    %eq3A = arith.constant 15 : i32
    %eq3A_5 = arith.cmpi eq, %arg1, %eq3A : i32
    %convert_element_type3A_6 = arith.extui %eq3A_5 : i1 to i32
    %cond3A_7 = arith.constant 0 : i32
    %cond3A_8 = arith.cmpi ne, %convert_element_type3A_6, %cond3A_7 : i32
    scf.if %cond3A_8 {
      "tpu.region"() ({
        %run_scoped3A = tpu.sem_alloc : memref<!tpu.dma_semaphore, #tpu.memory_space<semaphore_mem>>
        %dma_start3A = arith.constant 9600 : i32
        %dma_start3A_25 = arith.constant 0 : i32
        %dma_start3A_26 = tpu.memref_slice %arg13[%dma_start3A, %dma_start3A_25] : memref<10000x128xf32, #tpu.memory_space<vmem_shared>> -> memref<400x128xf32, #tpu.memory_space<vmem_shared>>
        %dma_start3A_27 = arith.constant 9600 : i32
        %dma_start3A_28 = arith.constant 0 : i32
        %dma_start3A_29 = tpu.memref_slice %arg6[%dma_start3A_27, %dma_start3A_28] : memref<10000x128xf32, #tpu.memory_space<hbm>> -> memref<400x128xf32, #tpu.memory_space<hbm>>
        tpu.enqueue_dma source(%dma_start3A_29 : memref<400x128xf32, #tpu.memory_space<hbm>>) target(%dma_start3A_26 : memref<400x128xf32, #tpu.memory_space<vmem_shared>>) target_semaphore(%run_scoped3A : memref<!tpu.dma_semaphore, #tpu.memory_space<semaphore_mem>>)
        %dma_wait3A = arith.constant 9600 : i32
        %dma_wait3A_30 = arith.constant 0 : i32
        %dma_wait3A_31 = tpu.memref_slice %arg13[%dma_wait3A, %dma_wait3A_30] : memref<10000x128xf32, #tpu.memory_space<vmem_shared>> -> memref<400x128xf32, #tpu.memory_space<vmem_shared>>
        %dma_wait3A_32 = arith.constant 9600 : i32
        %dma_wait3A_33 = arith.constant 0 : i32
        %dma_wait3A_34 = tpu.memref_slice %arg6[%dma_wait3A_32, %dma_wait3A_33] : memref<10000x128xf32, #tpu.memory_space<hbm>> -> memref<400x128xf32, #tpu.memory_space<hbm>>
        tpu.wait_dma2 semaphore(%run_scoped3A : memref<!tpu.dma_semaphore, #tpu.memory_space<semaphore_mem>>) src(%dma_wait3A_34 : memref<400x128xf32, #tpu.memory_space<hbm>>) dst(%dma_wait3A_31 : memref<400x128xf32, #tpu.memory_space<vmem_shared>>)
        tpu.yield
      }) : () -> ()
    } else {
    }
    %barrier3A = arith.constant 0 : index
    tpu.barrier barrier_id(%barrier3A)
    %scan3A = arith.constant 0 : i32
    %scan3A_9 = arith.constant 0 : i32
    %scan3A_10 = arith.constant 125 : i32
    %scan3A_11 = arith.addi %scan3A_9, %scan3A_10 : i32
    %scan3A_12 = arith.constant 1 : i32
    scf.for %scan3A_25 = %scan3A_9 to %scan3A_11 step %scan3A_12  : i32 {
      %mul3A_26 = arith.constant 40 : i32
      %mul3A_27 = arith.muli %scan3A_25, %mul3A_26 : i32
      %add3A_28 = arith.addi %add3A, %mul3A_27 : i32
      "tpu.region"() ({
        %run_scoped3A_40 = tpu.sem_alloc : memref<!tpu.dma_semaphore, #tpu.memory_space<semaphore_mem>>
        %dma_start3A_41 = tpu.memref_slice %arg4[%add3A_28] : memref<160000xi32, #tpu.memory_space<hbm>> -> memref<40xi32, #tpu.memory_space<hbm>>
        %dma_start3A_42 = tpu.memref_slice %arg4[%add3A_28] : memref<160000xi32, #tpu.memory_space<hbm>> -> memref<40xi32, #tpu.memory_space<hbm>>
        tpu.enqueue_dma source(%dma_start3A_42 : memref<40xi32, #tpu.memory_space<hbm>>) target(%arg9 : memref<40xi32, #tpu.memory_space<vmem>>) target_semaphore(%run_scoped3A_40 : memref<!tpu.dma_semaphore, #tpu.memory_space<semaphore_mem>>)
        %dma_wait3A_43 = tpu.memref_slice %arg4[%add3A_28] : memref<160000xi32, #tpu.memory_space<hbm>> -> memref<40xi32, #tpu.memory_space<hbm>>
        %dma_wait3A_44 = tpu.memref_slice %arg4[%add3A_28] : memref<160000xi32, #tpu.memory_space<hbm>> -> memref<40xi32, #tpu.memory_space<hbm>>
        tpu.wait_dma2 semaphore(%run_scoped3A_40 : memref<!tpu.dma_semaphore, #tpu.memory_space<semaphore_mem>>) src(%dma_wait3A_44 : memref<40xi32, #tpu.memory_space<hbm>>) dst(%arg9 : memref<40xi32, #tpu.memory_space<vmem>>)
        tpu.yield
      }) : () -> ()
      %dma_start3A = arith.constant 0 : i32
      %dma_start3A_29 = arith.constant 0 : i32
      %dma_start3A_30 = tpu.memref_slice %arg2[%dma_start3A, %dma_start3A_29] : memref<10000x128xf32, #tpu.memory_space<hbm>> -> memref<10000x128xf32, #tpu.memory_space<hbm>>
      tpu.enqueue_indirect_dma source(%dma_start3A_30 : memref<10000x128xf32, #tpu.memory_space<hbm>>) target(%arg11 : memref<40x128xf32, #tpu.memory_space<vmem>>) offsets(%arg9 : memref<40xi32, #tpu.memory_space<vmem>>) semaphore(%arg14 : memref<!tpu.dma_semaphore, #tpu.memory_space<semaphore_mem>>)
      %run_scoped3A = arith.constant 0 : i32
      "tpu.region"() ({
        %run_scoped3A_40 = tpu.sem_alloc : memref<!tpu.dma_semaphore, #tpu.memory_space<semaphore_mem>>
        %dma_start3A_41 = arith.constant 0 : i32
        %dma_start3A_42 = tpu.memref_slice %arg8[%run_scoped3A, %dma_start3A_41] : memref<1x40xi32, #tpu.memory_space<vmem>> -> memref<1x40xi32, #tpu.memory_space<vmem>>
        %dma_start3A_43 = tpu.memref_squeeze %dma_start3A_42 : memref<1x40xi32, #tpu.memory_space<vmem>> -> memref<40xi32, #tpu.memory_space<vmem>>
        %dma_start3A_44 = tpu.memref_slice %arg3[%add3A_28] : memref<160000xi32, #tpu.memory_space<hbm>> -> memref<40xi32, #tpu.memory_space<hbm>>
        %dma_start3A_45 = arith.constant 0 : i32
        %dma_start3A_46 = tpu.memref_slice %arg8[%run_scoped3A, %dma_start3A_45] : memref<1x40xi32, #tpu.memory_space<vmem>> -> memref<1x40xi32, #tpu.memory_space<vmem>>
        %dma_start3A_47 = tpu.memref_squeeze %dma_start3A_46 : memref<1x40xi32, #tpu.memory_space<vmem>> -> memref<40xi32, #tpu.memory_space<vmem>>
        %dma_start3A_48 = tpu.memref_slice %arg3[%add3A_28] : memref<160000xi32, #tpu.memory_space<hbm>> -> memref<40xi32, #tpu.memory_space<hbm>>
        tpu.enqueue_dma source(%dma_start3A_48 : memref<40xi32, #tpu.memory_space<hbm>>) target(%dma_start3A_47 : memref<40xi32, #tpu.memory_space<vmem>>) target_semaphore(%run_scoped3A_40 : memref<!tpu.dma_semaphore, #tpu.memory_space<semaphore_mem>>)
        %dma_wait3A_49 = arith.constant 0 : i32
        %dma_wait3A_50 = tpu.memref_slice %arg8[%run_scoped3A, %dma_wait3A_49] : memref<1x40xi32, #tpu.memory_space<vmem>> -> memref<1x40xi32, #tpu.memory_space<vmem>>
        %dma_wait3A_51 = tpu.memref_squeeze %dma_wait3A_50 : memref<1x40xi32, #tpu.memory_space<vmem>> -> memref<40xi32, #tpu.memory_space<vmem>>
        %dma_wait3A_52 = tpu.memref_slice %arg3[%add3A_28] : memref<160000xi32, #tpu.memory_space<hbm>> -> memref<40xi32, #tpu.memory_space<hbm>>
        %dma_wait3A_53 = arith.constant 0 : i32
        %dma_wait3A_54 = tpu.memref_slice %arg8[%run_scoped3A, %dma_wait3A_53] : memref<1x40xi32, #tpu.memory_space<vmem>> -> memref<1x40xi32, #tpu.memory_space<vmem>>
        %dma_wait3A_55 = tpu.memref_squeeze %dma_wait3A_54 : memref<1x40xi32, #tpu.memory_space<vmem>> -> memref<40xi32, #tpu.memory_space<vmem>>
        %dma_wait3A_56 = tpu.memref_slice %arg3[%add3A_28] : memref<160000xi32, #tpu.memory_space<hbm>> -> memref<40xi32, #tpu.memory_space<hbm>>
        tpu.wait_dma2 semaphore(%run_scoped3A_40 : memref<!tpu.dma_semaphore, #tpu.memory_space<semaphore_mem>>) src(%dma_wait3A_56 : memref<40xi32, #tpu.memory_space<hbm>>) dst(%dma_wait3A_55 : memref<40xi32, #tpu.memory_space<vmem>>)
        tpu.yield
      }) : () -> ()
      "tpu.region"() ({
        %run_scoped3A_40 = tpu.sem_alloc : memref<!tpu.dma_semaphore, #tpu.memory_space<semaphore_mem>>
        %dma_start3A_41 = arith.constant 0 : i32
        %dma_start3A_42 = tpu.memref_slice %arg5[%add3A_28, %dma_start3A_41] : memref<160000x16xf32, #tpu.memory_space<hbm>> -> memref<40x16xf32, #tpu.memory_space<hbm>>
        %dma_start3A_43 = arith.constant 0 : i32
        %dma_start3A_44 = tpu.memref_slice %arg5[%add3A_28, %dma_start3A_43] : memref<160000x16xf32, #tpu.memory_space<hbm>> -> memref<40x16xf32, #tpu.memory_space<hbm>>
        tpu.enqueue_dma source(%dma_start3A_44 : memref<40x16xf32, #tpu.memory_space<hbm>>) target(%arg10 : memref<40x16xf32, #tpu.memory_space<vmem>>) target_semaphore(%run_scoped3A_40 : memref<!tpu.dma_semaphore, #tpu.memory_space<semaphore_mem>>)
        %dma_wait3A_45 = arith.constant 0 : i32
        %dma_wait3A_46 = tpu.memref_slice %arg5[%add3A_28, %dma_wait3A_45] : memref<160000x16xf32, #tpu.memory_space<hbm>> -> memref<40x16xf32, #tpu.memory_space<hbm>>
        %dma_wait3A_47 = arith.constant 0 : i32
        %dma_wait3A_48 = tpu.memref_slice %arg5[%add3A_28, %dma_wait3A_47] : memref<160000x16xf32, #tpu.memory_space<hbm>> -> memref<40x16xf32, #tpu.memory_space<hbm>>
        tpu.wait_dma2 semaphore(%run_scoped3A_40 : memref<!tpu.dma_semaphore, #tpu.memory_space<semaphore_mem>>) src(%dma_wait3A_48 : memref<40x16xf32, #tpu.memory_space<hbm>>) dst(%arg10 : memref<40x16xf32, #tpu.memory_space<vmem>>)
        tpu.yield
      }) : () -> ()
      %dma_wait3A = arith.constant 0 : i32
      %dma_wait3A_31 = arith.constant 0 : i32
      %dma_wait3A_32 = tpu.memref_slice %arg2[%dma_wait3A, %dma_wait3A_31] : memref<10000x128xf32, #tpu.memory_space<hbm>> -> memref<10000x128xf32, #tpu.memory_space<hbm>>
      tpu.wait_indirect_dma semaphore(%arg14 : memref<!tpu.dma_semaphore, #tpu.memory_space<semaphore_mem>>) src(%dma_wait3A_32 : memref<10000x128xf32, #tpu.memory_space<hbm>>) dst(%arg11 : memref<40x128xf32, #tpu.memory_space<vmem>>)
      %scan3A_33 = arith.constant 0 : i32
      %scan3A_34 = arith.constant 0 : i32
      %scan3A_35 = arith.constant 40 : i32
      %scan3A_36 = arith.addi %scan3A_34, %scan3A_35 : i32
      %scan3A_37 = arith.constant 1 : i32
      scf.for %scan3A_40 = %scan3A_34 to %scan3A_36 step %scan3A_37  : i32 {
        %get3A = arith.index_cast %scan3A_40 : i32 to index
        %get3A_41 = arith.constant 0 : index
        %get3A_42 = tpu.vector_load %arg10[%get3A, %get3A_41] {strides = array<i32>} : memref<40x16xf32, #tpu.memory_space<vmem>>, vector<1x16xf32>,
        %get3A_43 = vector.shape_cast %get3A_42 : vector<1x16xf32> to vector<16xf32>
        %get3A_44 = arith.index_cast %scan3A_40 : i32 to index
        %get3A_45 = arith.constant 0 : index
        %get3A_46 = tpu.vector_load %arg11[%get3A_44, %get3A_45] {strides = array<i32>} : memref<40x128xf32, #tpu.memory_space<vmem>>, vector<1x16xf32>,
        %get3A_47 = vector.shape_cast %get3A_46 : vector<1x16xf32> to vector<16xf32>
        %get3A_48 = arith.index_cast %scan3A_40 : i32 to index
        %get3A_49 = arith.constant 64 : index
        %get3A_50 = tpu.vector_load %arg11[%get3A_48, %get3A_49] {strides = array<i32>} : memref<40x128xf32, #tpu.memory_space<vmem>>, vector<1x16xf32>,
        %get3A_51 = vector.shape_cast %get3A_50 : vector<1x16xf32> to vector<16xf32>
        %mul3A_52 = arith.mulf %get3A_43, %get3A_47 : vector<16xf32>
        %add3A_53 = arith.addf %mul3A_52, %get3A_51 : vector<16xf32>
        %swap3A = arith.index_cast %scan3A_40 : i32 to index
        %swap3A_54 = arith.constant 0 : index
        %swap3A_55 = tpu.vector_load %arg12[%swap3A, %swap3A_54] {strides = array<i32>} : memref<40x128xf32, #tpu.memory_space<vmem>>, vector<1x16xf32>,
        %swap3A_56 = vector.shape_cast %swap3A_55 : vector<1x16xf32> to vector<16xf32>
        %swap3A_57 = vector.shape_cast %add3A_53 : vector<16xf32> to vector<1x16xf32>
        tpu.vector_store %arg12[%swap3A, %swap3A_54], %swap3A_57 {strides = array<i32>} : memref<40x128xf32, #tpu.memory_space<vmem>>, vector<1x16xf32>,
        %get3A_58 = arith.index_cast %scan3A_40 : i32 to index
        %get3A_59 = arith.constant 16 : index
        %get3A_60 = tpu.vector_load %arg11[%get3A_58, %get3A_59] {strides = array<i32>} : memref<40x128xf32, #tpu.memory_space<vmem>>, vector<1x16xf32>,
        %get3A_61 = vector.shape_cast %get3A_60 : vector<1x16xf32> to vector<16xf32>
        %get3A_62 = arith.index_cast %scan3A_40 : i32 to index
        %get3A_63 = arith.constant 80 : index
        %get3A_64 = tpu.vector_load %arg11[%get3A_62, %get3A_63] {strides = array<i32>} : memref<40x128xf32, #tpu.memory_space<vmem>>, vector<1x16xf32>,
        %get3A_65 = vector.shape_cast %get3A_64 : vector<1x16xf32> to vector<16xf32>
        %mul3A_66 = arith.mulf %get3A_43, %get3A_61 : vector<16xf32>
        %add3A_67 = arith.addf %mul3A_66, %get3A_65 : vector<16xf32>
        %swap3A_68 = arith.index_cast %scan3A_40 : i32 to index
        %swap3A_69 = arith.constant 16 : index
        %swap3A_70 = tpu.vector_load %arg12[%swap3A_68, %swap3A_69] {strides = array<i32>} : memref<40x128xf32, #tpu.memory_space<vmem>>, vector<1x16xf32>,
        %swap3A_71 = vector.shape_cast %swap3A_70 : vector<1x16xf32> to vector<16xf32>
        %swap3A_72 = vector.shape_cast %add3A_67 : vector<16xf32> to vector<1x16xf32>
        tpu.vector_store %arg12[%swap3A_68, %swap3A_69], %swap3A_72 {strides = array<i32>} : memref<40x128xf32, #tpu.memory_space<vmem>>, vector<1x16xf32>,
        %get3A_73 = arith.index_cast %scan3A_40 : i32 to index
        %get3A_74 = arith.constant 32 : index
        %get3A_75 = tpu.vector_load %arg11[%get3A_73, %get3A_74] {strides = array<i32>} : memref<40x128xf32, #tpu.memory_space<vmem>>, vector<1x16xf32>,
        %get3A_76 = vector.shape_cast %get3A_75 : vector<1x16xf32> to vector<16xf32>
        %get3A_77 = arith.index_cast %scan3A_40 : i32 to index
        %get3A_78 = arith.constant 96 : index
        %get3A_79 = tpu.vector_load %arg11[%get3A_77, %get3A_78] {strides = array<i32>} : memref<40x128xf32, #tpu.memory_space<vmem>>, vector<1x16xf32>,
        %get3A_80 = vector.shape_cast %get3A_79 : vector<1x16xf32> to vector<16xf32>
        %mul3A_81 = arith.mulf %get3A_43, %get3A_76 : vector<16xf32>
        %add3A_82 = arith.addf %mul3A_81, %get3A_80 : vector<16xf32>
        %swap3A_83 = arith.index_cast %scan3A_40 : i32 to index
        %swap3A_84 = arith.constant 32 : index
        %swap3A_85 = tpu.vector_load %arg12[%swap3A_83, %swap3A_84] {strides = array<i32>} : memref<40x128xf32, #tpu.memory_space<vmem>>, vector<1x16xf32>,
        %swap3A_86 = vector.shape_cast %swap3A_85 : vector<1x16xf32> to vector<16xf32>
        %swap3A_87 = vector.shape_cast %add3A_82 : vector<16xf32> to vector<1x16xf32>
        tpu.vector_store %arg12[%swap3A_83, %swap3A_84], %swap3A_87 {strides = array<i32>} : memref<40x128xf32, #tpu.memory_space<vmem>>, vector<1x16xf32>,
        %get3A_88 = arith.index_cast %scan3A_40 : i32 to index
        %get3A_89 = arith.constant 48 : index
        %get3A_90 = tpu.vector_load %arg11[%get3A_88, %get3A_89] {strides = array<i32>} : memref<40x128xf32, #tpu.memory_space<vmem>>, vector<1x16xf32>,
        %get3A_91 = vector.shape_cast %get3A_90 : vector<1x16xf32> to vector<16xf32>
        %get3A_92 = arith.index_cast %scan3A_40 : i32 to index
        %get3A_93 = arith.constant 112 : index
        %get3A_94 = tpu.vector_load %arg11[%get3A_92, %get3A_93] {strides = array<i32>} : memref<40x128xf32, #tpu.memory_space<vmem>>, vector<1x16xf32>,
        %get3A_95 = vector.shape_cast %get3A_94 : vector<1x16xf32> to vector<16xf32>
        %mul3A_96 = arith.mulf %get3A_43, %get3A_91 : vector<16xf32>
        %add3A_97 = arith.addf %mul3A_96, %get3A_95 : vector<16xf32>
        %swap3A_98 = arith.index_cast %scan3A_40 : i32 to index
        %swap3A_99 = arith.constant 48 : index
        %swap3A_100 = tpu.vector_load %arg12[%swap3A_98, %swap3A_99] {strides = array<i32>} : memref<40x128xf32, #tpu.memory_space<vmem>>, vector<1x16xf32>,
        %swap3A_101 = vector.shape_cast %swap3A_100 : vector<1x16xf32> to vector<16xf32>
        %swap3A_102 = vector.shape_cast %add3A_97 : vector<16xf32> to vector<1x16xf32>
        tpu.vector_store %arg12[%swap3A_98, %swap3A_99], %swap3A_102 {strides = array<i32>} : memref<40x128xf32, #tpu.memory_space<vmem>>, vector<1x16xf32>,
      }
      %scan3A_38 = arith.constant 40 : i32
      %run_scoped3A_39 = arith.constant 0 : i32
      "tpu.region"() ({
        %run_scoped3A_40 = tpu.sem_alloc : memref<!tpu.dma_semaphore, #tpu.memory_space<semaphore_mem>>
        %dma_start3A_41 = arith.constant 0 : i32
        %dma_start3A_42 = tpu.memref_slice %arg8[%run_scoped3A_39, %dma_start3A_41] : memref<1x40xi32, #tpu.memory_space<vmem>> -> memref<1x40xi32, #tpu.memory_space<vmem>>
        %dma_start3A_43 = tpu.memref_squeeze %dma_start3A_42 : memref<1x40xi32, #tpu.memory_space<vmem>> -> memref<40xi32, #tpu.memory_space<vmem>>
        %dma_start3A_44 = arith.constant 0 : i32
        %dma_start3A_45 = arith.constant 0 : i32
        %dma_start3A_46 = tpu.memref_slice %arg13[%dma_start3A_44, %dma_start3A_45] : memref<10000x128xf32, #tpu.memory_space<vmem_shared>> -> memref<10000x128xf32, #tpu.memory_space<vmem_shared>>
        tpu.enqueue_indirect_dma source(%arg12 : memref<40x128xf32, #tpu.memory_space<vmem>>) target(%dma_start3A_46 : memref<10000x128xf32, #tpu.memory_space<vmem_shared>>) offsets(%dma_start3A_43 : memref<40xi32, #tpu.memory_space<vmem>>) semaphore(%run_scoped3A_40 : memref<!tpu.dma_semaphore, #tpu.memory_space<semaphore_mem>>) {add = true}
        %dma_wait3A_47 = arith.constant 0 : i32
        %dma_wait3A_48 = tpu.memref_slice %arg8[%run_scoped3A_39, %dma_wait3A_47] : memref<1x40xi32, #tpu.memory_space<vmem>> -> memref<1x40xi32, #tpu.memory_space<vmem>>
        %dma_wait3A_49 = tpu.memref_squeeze %dma_wait3A_48 : memref<1x40xi32, #tpu.memory_space<vmem>> -> memref<40xi32, #tpu.memory_space<vmem>>
        %dma_wait3A_50 = arith.constant 0 : i32
        %dma_wait3A_51 = arith.constant 0 : i32
        %dma_wait3A_52 = tpu.memref_slice %arg13[%dma_wait3A_50, %dma_wait3A_51] : memref<10000x128xf32, #tpu.memory_space<vmem_shared>> -> memref<10000x128xf32, #tpu.memory_space<vmem_shared>>
        tpu.wait_indirect_dma semaphore(%run_scoped3A_40 : memref<!tpu.dma_semaphore, #tpu.memory_space<semaphore_mem>>) src(%arg12 : memref<40x128xf32, #tpu.memory_space<vmem>>) dst(%dma_wait3A_52 : memref<10000x128xf32, #tpu.memory_space<vmem_shared>>)
        tpu.yield
      }) : () -> ()
    }
    %scan3A_13 = arith.constant 125 : i32
    %barrier3A_14 = arith.constant 0 : index
    tpu.barrier barrier_id(%barrier3A_14)
    %lt3A_15 = arith.constant 15 : i32
    %lt3A_16 = arith.cmpi slt, %arg1, %lt3A_15 : i32
    %convert_element_type3A_17 = arith.extui %lt3A_16 : i1 to i32
    %cond3A_18 = arith.constant 0 : i32
    %cond3A_19 = arith.cmpi ne, %convert_element_type3A_17, %cond3A_18 : i32
    scf.if %cond3A_19 {
      %mul3A_25 = arith.constant 640 : i32
      %mul3A_26 = arith.muli %arg1, %mul3A_25 : i32
      %mul3A_27 = arith.constant 10000 : i32
      %mul3A_28 = arith.muli %arg0, %mul3A_27 : i32
      %mul3A_29 = arith.constant 640 : i32
      %mul3A_30 = arith.muli %arg1, %mul3A_29 : i32
      %add3A_31 = arith.addi %mul3A_28, %mul3A_30 : i32
      "tpu.region"() ({
        %run_scoped3A = tpu.sem_alloc : memref<!tpu.dma_semaphore, #tpu.memory_space<semaphore_mem>>
        %dma_start3A = arith.constant 0 : i32
        %dma_start3A_32 = tpu.memref_slice %arg7[%add3A_31, %dma_start3A] : memref<20000x128xf32, #tpu.memory_space<hbm>> -> memref<640x128xf32, #tpu.memory_space<hbm>>
        %dma_start3A_33 = arith.constant 0 : i32
        %dma_start3A_34 = tpu.memref_slice %arg13[%mul3A_26, %dma_start3A_33] : memref<10000x128xf32, #tpu.memory_space<vmem_shared>> -> memref<640x128xf32, #tpu.memory_space<vmem_shared>>
        tpu.enqueue_dma source(%dma_start3A_34 : memref<640x128xf32, #tpu.memory_space<vmem_shared>>) target(%dma_start3A_32 : memref<640x128xf32, #tpu.memory_space<hbm>>) target_semaphore(%run_scoped3A : memref<!tpu.dma_semaphore, #tpu.memory_space<semaphore_mem>>)
        %dma_wait3A = arith.constant 0 : i32
        %dma_wait3A_35 = tpu.memref_slice %arg7[%add3A_31, %dma_wait3A] : memref<20000x128xf32, #tpu.memory_space<hbm>> -> memref<640x128xf32, #tpu.memory_space<hbm>>
        %dma_wait3A_36 = arith.constant 0 : i32
        %dma_wait3A_37 = tpu.memref_slice %arg13[%mul3A_26, %dma_wait3A_36] : memref<10000x128xf32, #tpu.memory_space<vmem_shared>> -> memref<640x128xf32, #tpu.memory_space<vmem_shared>>
        tpu.wait_dma2 semaphore(%run_scoped3A : memref<!tpu.dma_semaphore, #tpu.memory_space<semaphore_mem>>) src(%dma_wait3A_37 : memref<640x128xf32, #tpu.memory_space<vmem_shared>>) dst(%dma_wait3A_35 : memref<640x128xf32, #tpu.memory_space<hbm>>)
        tpu.yield
      }) : () -> ()
    } else {
    }
    %eq3A_20 = arith.constant 15 : i32
    %eq3A_21 = arith.cmpi eq, %arg1, %eq3A_20 : i32
    %convert_element_type3A_22 = arith.extui %eq3A_21 : i1 to i32
    %cond3A_23 = arith.constant 0 : i32
    %cond3A_24 = arith.cmpi ne, %convert_element_type3A_22, %cond3A_23 : i32
    scf.if %cond3A_24 {
      %mul3A_25 = arith.constant 10000 : i32
      %mul3A_26 = arith.muli %arg0, %mul3A_25 : i32
      %add3A_27 = arith.constant 9600 : i32
      %add3A_28 = arith.addi %mul3A_26, %add3A_27 : i32
      "tpu.region"() ({
        %run_scoped3A = tpu.sem_alloc : memref<!tpu.dma_semaphore, #tpu.memory_space<semaphore_mem>>
        %dma_start3A = arith.constant 0 : i32
        %dma_start3A_29 = tpu.memref_slice %arg7[%add3A_28, %dma_start3A] : memref<20000x128xf32, #tpu.memory_space<hbm>> -> memref<400x128xf32, #tpu.memory_space<hbm>>
        %dma_start3A_30 = arith.constant 9600 : i32
        %dma_start3A_31 = arith.constant 0 : i32
        %dma_start3A_32 = tpu.memref_slice %arg13[%dma_start3A_30, %dma_start3A_31] : memref<10000x128xf32, #tpu.memory_space<vmem_shared>> -> memref<400x128xf32, #tpu.memory_space<vmem_shared>>
        tpu.enqueue_dma source(%dma_start3A_32 : memref<400x128xf32, #tpu.memory_space<vmem_shared>>) target(%dma_start3A_29 : memref<400x128xf32, #tpu.memory_space<hbm>>) target_semaphore(%run_scoped3A : memref<!tpu.dma_semaphore, #tpu.memory_space<semaphore_mem>>)
        %dma_wait3A = arith.constant 0 : i32
        %dma_wait3A_33 = tpu.memref_slice %arg7[%add3A_28, %dma_wait3A] : memref<20000x128xf32, #tpu.memory_space<hbm>> -> memref<400x128xf32, #tpu.memory_space<hbm>>
        %dma_wait3A_34 = arith.constant 9600 : i32
        %dma_wait3A_35 = arith.constant 0 : i32
        %dma_wait3A_36 = tpu.memref_slice %arg13[%dma_wait3A_34, %dma_wait3A_35] : memref<10000x128xf32, #tpu.memory_space<vmem_shared>> -> memref<400x128xf32, #tpu.memory_space<vmem_shared>>
        tpu.wait_dma2 semaphore(%run_scoped3A : memref<!tpu.dma_semaphore, #tpu.memory_space<semaphore_mem>>) src(%dma_wait3A_36 : memref<400x128xf32, #tpu.memory_space<vmem_shared>>) dst(%dma_wait3A_33 : memref<400x128xf32, #tpu.memory_space<hbm>>)
        tpu.yield
      }) : () -> ()
    } else {
    }
    return
  }
}

module attributes {stable_mosaic.version = 14 : i64} {
  func.func @_init_body(%arg0: memref<10000x128xf32, #tpu.memory_space<vmem>>, %arg1: memref<128x64xf32, #tpu.memory_space<vmem>>, %arg2: memref<10000x64xf32, #tpu.memory_space<vmem>>) attributes {dimension_semantics = [], scalar_prefetch = 0 : i64, scratch_operands = 0 : i64, tpu.core_type = #tpu.core_type<tc>} {
    %get3A = arith.constant 0 : index
    %get3A_0 = arith.constant 0 : index
    %get3A_1 = vector.load %arg0[%get3A, %get3A_0] : memref<10000x128xf32, #tpu.memory_space<vmem>>, vector<10000x128xf32>
    %get3A_2 = arith.constant 0 : index
    %get3A_3 = arith.constant 0 : index
    %get3A_4 = vector.load %arg1[%get3A_2, %get3A_3] : memref<128x64xf32, #tpu.memory_space<vmem>>, vector<128x64xf32>
    %dot_general3A = arith.constant dense<0.000000e+00> : vector<10000x64xf32>
    %dot_general3A_5 = tpu.matmul %get3A_1, %get3A_4, %dot_general3A {dimension_numbers = #tpu.dot_dimension_numbers<[1], [0], [0], [1], [0, 0, 1, 1], [], []>, transpose_lhs_hint = false} : vector<10000x128xf32>, vector<128x64xf32>, vector<10000x64xf32> -> vector<10000x64xf32>
    %sqrt3A = arith.constant 1.280000e+02 : f32
    %sqrt3A_6 = math.sqrt %sqrt3A : f32
    %div3A = vector.broadcast %sqrt3A_6 : f32 to vector<10000x64xf32>
    %div3A_7 = arith.divf %dot_general3A_5, %div3A : vector<10000x64xf32>
    %swap3A = arith.constant 0 : index
    %swap3A_8 = arith.constant 0 : index
    %swap3A_9 = vector.load %arg2[%swap3A, %swap3A_8] : memref<10000x64xf32, #tpu.memory_space<vmem>>, vector<10000x64xf32>
    tpu.vector_store %arg2[%swap3A, %swap3A_8], %div3A_7 {strides = array<i32>} : memref<10000x64xf32, #tpu.memory_space<vmem>>, vector<10000x64xf32>,
    return
  }
}

module attributes {stable_mosaic.version = 14 : i64} {
  func.func @_pq_body(%arg0: memref<10000x64xf32, #tpu.memory_space<vmem>>, %arg1: memref<64x64xf32, #tpu.memory_space<vmem>>, %arg2: memref<64x64xf32, #tpu.memory_space<vmem>>, %arg3: memref<10000x128xf32, #tpu.memory_space<vmem>>) attributes {dimension_semantics = [], scalar_prefetch = 0 : i64, scratch_operands = 0 : i64, tpu.core_type = #tpu.core_type<tc>} {
    %get3A = arith.constant 0 : index
    %get3A_0 = arith.constant 0 : index
    %get3A_1 = vector.load %arg0[%get3A, %get3A_0] : memref<10000x64xf32, #tpu.memory_space<vmem>>, vector<10000x64xf32>
    %get3A_2 = arith.constant 0 : index
    %get3A_3 = arith.constant 0 : index
    %get3A_4 = vector.load %arg1[%get3A_2, %get3A_3] : memref<64x64xf32, #tpu.memory_space<vmem>>, vector<64x64xf32>
    %dot_general3A = arith.constant dense<0.000000e+00> : vector<10000x64xf32>
    %dot_general3A_5 = tpu.matmul %get3A_1, %get3A_4, %dot_general3A {dimension_numbers = #tpu.dot_dimension_numbers<[1], [0], [0], [1], [0, 0, 1, 1], [], []>, transpose_lhs_hint = false} : vector<10000x64xf32>, vector<64x64xf32>, vector<10000x64xf32> -> vector<10000x64xf32>
    %div3A = arith.constant 8.000000e+00 : f32
    %div3A_6 = vector.broadcast %div3A : f32 to vector<10000x64xf32>
    %div3A_7 = arith.divf %dot_general3A_5, %div3A_6 : vector<10000x64xf32>
    %get3A_8 = arith.constant 0 : index
    %get3A_9 = arith.constant 0 : index
    %get3A_10 = vector.load %arg2[%get3A_8, %get3A_9] : memref<64x64xf32, #tpu.memory_space<vmem>>, vector<64x64xf32>
    %dot_general3A_11 = arith.constant dense<0.000000e+00> : vector<10000x64xf32>
    %dot_general3A_12 = tpu.matmul %get3A_1, %get3A_10, %dot_general3A_11 {dimension_numbers = #tpu.dot_dimension_numbers<[1], [0], [0], [1], [0, 0, 1, 1], [], []>, transpose_lhs_hint = false} : vector<10000x64xf32>, vector<64x64xf32>, vector<10000x64xf32> -> vector<10000x64xf32>
    %div3A_13 = arith.constant 8.000000e+00 : f32
    %div3A_14 = vector.broadcast %div3A_13 : f32 to vector<10000x64xf32>
    %div3A_15 = arith.divf %dot_general3A_12, %div3A_14 : vector<10000x64xf32>
    %concatenate3A = tpu.concatenate %div3A_7, %div3A_15 in 1 : vector<10000x64xf32>, vector<10000x64xf32> -> vector<10000x128xf32>
    %swap3A = arith.constant 0 : index
    %swap3A_16 = arith.constant 0 : index
    %swap3A_17 = vector.load %arg3[%swap3A, %swap3A_16] : memref<10000x128xf32, #tpu.memory_space<vmem>>, vector<10000x128xf32>
    tpu.vector_store %arg3[%swap3A, %swap3A_16], %concatenate3A {strides = array<i32>} : memref<10000x128xf32, #tpu.memory_space<vmem>>, vector<10000x128xf32>,
    return
  }
}

module attributes {stable_mosaic.version = 14 : i64} {
  func.func @_sqrt_body(%arg0: i32, %arg1: memref<8000x16xf32, #tpu.memory_space<vmem>>, %arg2: memref<8000x16xf32, #tpu.memory_space<vmem>>) attributes {dimension_semantics = [#tpu.dimension_semantics<arbitrary>], iteration_bounds = array<i64: 20>, scalar_prefetch = 0 : i64, scratch_operands = 0 : i64, tpu.core_type = #tpu.core_type<tc>, window_params = [{transform_indices = @transform_0, window_bounds = array<i64: 8000, 16>}, {transform_indices = @transform_1, window_bounds = array<i64: 8000, 16>}]} {
    %get3A = arith.constant 0 : index
    %get3A_0 = arith.constant 0 : index
    %get3A_1 = vector.load %arg1[%get3A, %get3A_0] : memref<8000x16xf32, #tpu.memory_space<vmem>>, vector<8000x16xf32>
    %sqrt3A = math.sqrt %get3A_1 : vector<8000x16xf32>
    %swap3A = arith.constant 0 : index
    %swap3A_2 = arith.constant 0 : index
    %swap3A_3 = vector.load %arg2[%swap3A, %swap3A_2] : memref<8000x16xf32, #tpu.memory_space<vmem>>, vector<8000x16xf32>
    tpu.vector_store %arg2[%swap3A, %swap3A_2], %sqrt3A {strides = array<i32>} : memref<8000x16xf32, #tpu.memory_space<vmem>>, vector<8000x16xf32>,
    return
  }
  func.func @transform_0(%arg0: i32) -> (i32, i32) {
    %c0_i32 = arith.constant 0 : i32
    %c0_i32_0 = arith.constant 0 : i32
    return %arg0, %c0_i32 : i32, i32
  }
  func.func @transform_1(%arg0: i32) -> (i32, i32) {
    %c0_i32 = arith.constant 0 : i32
    %c0_i32_0 = arith.constant 0 : i32
    return %arg0, %c0_i32 : i32, i32
  }
}

module attributes {stable_mosaic.version = 14 : i64} {
  func.func @_upd_body(%arg0: i32, %arg1: memref<2000x64xf32, #tpu.memory_space<vmem>>, %arg2: memref<2x2000x128xf32, #tpu.memory_space<vmem>>, %arg3: memref<64x64x64xf32, #tpu.memory_space<vmem>>, %arg4: memref<64x64xf32, #tpu.memory_space<vmem>>, %arg5: memref<2000x64xf32, #tpu.memory_space<vmem>>) attributes {dimension_semantics = [#tpu.dimension_semantics<arbitrary>], iteration_bounds = array<i64: 5>, scalar_prefetch = 0 : i64, scratch_operands = 0 : i64, tpu.core_type = #tpu.core_type<tc>, window_params = [{transform_indices = @transform_0, window_bounds = array<i64: 2000, 64>}, {transform_indices = @transform_1, window_bounds = array<i64: 2, 2000, 128>}, {pipeline_mode = #tpu.pipeline_mode<synchronous>, transform_indices = @transform_2, window_bounds = array<i64: 64, 64, 64>}, {pipeline_mode = #tpu.pipeline_mode<synchronous>, transform_indices = @transform_3, window_bounds = array<i64: 64, 64>}, {transform_indices = @transform_4, window_bounds = array<i64: 2000, 64>}]} {
    %get3A = arith.constant 0 : index
    %get3A_0 = arith.constant 0 : index
    %get3A_1 = vector.load %arg1[%get3A, %get3A_0] : memref<2000x64xf32, #tpu.memory_space<vmem>>, vector<2000x64xf32>
    %get3A_2 = arith.constant 0 : index
    %get3A_3 = arith.constant 0 : index
    %get3A_4 = arith.constant 0 : index
    %get3A_5 = vector.load %arg2[%get3A_2, %get3A_3, %get3A_4] : memref<2x2000x128xf32, #tpu.memory_space<vmem>>, vector<1x2000x128xf32>
    %get3A_6 = vector.shape_cast %get3A_5 : vector<1x2000x128xf32> to vector<2000x128xf32>
    %slice3A = vector.extract_strided_slice %get3A_6 {offsets = [0, 0], sizes = [2000, 64], strides = [1, 1]} : vector<2000x128xf32> to vector<2000x64xf32>
    %get3A_7 = arith.constant 1 : index
    %get3A_8 = arith.constant 0 : index
    %get3A_9 = arith.constant 0 : index
    %get3A_10 = vector.load %arg2[%get3A_7, %get3A_8, %get3A_9] : memref<2x2000x128xf32, #tpu.memory_space<vmem>>, vector<1x2000x128xf32>
    %get3A_11 = vector.shape_cast %get3A_10 : vector<1x2000x128xf32> to vector<2000x128xf32>
    %slice3A_12 = vector.extract_strided_slice %get3A_11 {offsets = [0, 0], sizes = [2000, 64], strides = [1, 1]} : vector<2000x128xf32> to vector<2000x64xf32>
    %add3A = arith.addf %slice3A, %slice3A_12 : vector<2000x64xf32>
    %get3A_13 = arith.constant 0 : index
    %get3A_14 = arith.constant 0 : index
    %get3A_15 = vector.load %arg4[%get3A_13, %get3A_14] : memref<64x64xf32, #tpu.memory_space<vmem>>, vector<64x64xf32>
    %dot_general3A = arith.constant dense<0.000000e+00> : vector<2000x64xf32>
    %dot_general3A_16 = tpu.matmul %get3A_1, %get3A_15, %dot_general3A {dimension_numbers = #tpu.dot_dimension_numbers<[1], [0], [0], [1], [0, 0, 1, 1], [], []>, transpose_lhs_hint = false} : vector<2000x64xf32>, vector<64x64xf32>, vector<2000x64xf32> -> vector<2000x64xf32>
    %div3A = arith.constant 8.000000e+00 : f32
    %div3A_17 = vector.broadcast %div3A : f32 to vector<2000x64xf32>
    %div3A_18 = arith.divf %dot_general3A_16, %div3A_17 : vector<2000x64xf32>
    %add3A_19 = arith.addf %get3A_1, %div3A_18 : vector<2000x64xf32>
    %div3A_20 = arith.constant 6.400000e+01 : f32
    %div3A_21 = vector.broadcast %div3A_20 : f32 to vector<2000x64xf32>
    %div3A_22 = arith.divf %add3A, %div3A_21 : vector<2000x64xf32>
    %get3A_23 = arith.constant 0 : index
    %get3A_24 = arith.constant 0 : index
    %get3A_25 = arith.constant 0 : index
    %get3A_26 = vector.load %arg3[%get3A_23, %get3A_24, %get3A_25] : memref<64x64x64xf32, #tpu.memory_space<vmem>>, vector<1x64x64xf32>
    %get3A_27 = vector.shape_cast %get3A_26 : vector<1x64x64xf32> to vector<64x64xf32>
    %dot_general3A_28 = arith.constant dense<0.000000e+00> : vector<2000x64xf32>
    %dot_general3A_29 = tpu.matmul %get3A_1, %get3A_27, %dot_general3A_28 {dimension_numbers = #tpu.dot_dimension_numbers<[1], [0], [0], [1], [0, 0, 1, 1], [], []>, transpose_lhs_hint = false} : vector<2000x64xf32>, vector<64x64xf32>, vector<2000x64xf32> -> vector<2000x64xf32>
    %slice3A_30 = vector.extract_strided_slice %div3A_22 {offsets = [0, 0], sizes = [2000, 1], strides = [1, 1]} : vector<2000x64xf32> to vector<2000x1xf32>
    %mul3A = vector.broadcast %slice3A_30 : vector<2000x1xf32> to vector<2000x64xf32>
    %mul3A_31 = arith.mulf %mul3A, %dot_general3A_29 : vector<2000x64xf32>
    %add3A_32 = arith.addf %add3A_19, %mul3A_31 : vector<2000x64xf32>
    %get3A_33 = arith.constant 1 : index
    %get3A_34 = arith.constant 0 : index
    %get3A_35 = arith.constant 0 : index
    %get3A_36 = vector.load %arg3[%get3A_33, %get3A_34, %get3A_35] : memref<64x64x64xf32, #tpu.memory_space<vmem>>, vector<1x64x64xf32>
    %get3A_37 = vector.shape_cast %get3A_36 : vector<1x64x64xf32> to vector<64x64xf32>
    %dot_general3A_38 = arith.constant dense<0.000000e+00> : vector<2000x64xf32>
    %dot_general3A_39 = tpu.matmul %get3A_1, %get3A_37, %dot_general3A_38 {dimension_numbers = #tpu.dot_dimension_numbers<[1], [0], [0], [1], [0, 0, 1, 1], [], []>, transpose_lhs_hint = false} : vector<2000x64xf32>, vector<64x64xf32>, vector<2000x64xf32> -> vector<2000x64xf32>
    %slice3A_40 = vector.extract_strided_slice %div3A_22 {offsets = [0, 1], sizes = [2000, 1], strides = [1, 1]} : vector<2000x64xf32> to vector<2000x1xf32>
    %mul3A_41 = vector.broadcast %slice3A_40 : vector<2000x1xf32> to vector<2000x64xf32>
    %mul3A_42 = arith.mulf %mul3A_41, %dot_general3A_39 : vector<2000x64xf32>
    %add3A_43 = arith.addf %add3A_32, %mul3A_42 : vector<2000x64xf32>
    %get3A_44 = arith.constant 2 : index
    %get3A_45 = arith.constant 0 : index
    %get3A_46 = arith.constant 0 : index
    %get3A_47 = vector.load %arg3[%get3A_44, %get3A_45, %get3A_46] : memref<64x64x64xf32, #tpu.memory_space<vmem>>, vector<1x64x64xf32>
    %get3A_48 = vector.shape_cast %get3A_47 : vector<1x64x64xf32> to vector<64x64xf32>
    %dot_general3A_49 = arith.constant dense<0.000000e+00> : vector<2000x64xf32>
    %dot_general3A_50 = tpu.matmul %get3A_1, %get3A_48, %dot_general3A_49 {dimension_numbers = #tpu.dot_dimension_numbers<[1], [0], [0], [1], [0, 0, 1, 1], [], []>, transpose_lhs_hint = false} : vector<2000x64xf32>, vector<64x64xf32>, vector<2000x64xf32> -> vector<2000x64xf32>
    %slice3A_51 = vector.extract_strided_slice %div3A_22 {offsets = [0, 2], sizes = [2000, 1], strides = [1, 1]} : vector<2000x64xf32> to vector<2000x1xf32>
    %mul3A_52 = vector.broadcast %slice3A_51 : vector<2000x1xf32> to vector<2000x64xf32>
    %mul3A_53 = arith.mulf %mul3A_52, %dot_general3A_50 : vector<2000x64xf32>
    %add3A_54 = arith.addf %add3A_43, %mul3A_53 : vector<2000x64xf32>
    %get3A_55 = arith.constant 3 : index
    %get3A_56 = arith.constant 0 : index
    %get3A_57 = arith.constant 0 : index
    %get3A_58 = vector.load %arg3[%get3A_55, %get3A_56, %get3A_57] : memref<64x64x64xf32, #tpu.memory_space<vmem>>, vector<1x64x64xf32>
    %get3A_59 = vector.shape_cast %get3A_58 : vector<1x64x64xf32> to vector<64x64xf32>
    %dot_general3A_60 = arith.constant dense<0.000000e+00> : vector<2000x64xf32>
    %dot_general3A_61 = tpu.matmul %get3A_1, %get3A_59, %dot_general3A_60 {dimension_numbers = #tpu.dot_dimension_numbers<[1], [0], [0], [1], [0, 0, 1, 1], [], []>, transpose_lhs_hint = false} : vector<2000x64xf32>, vector<64x64xf32>, vector<2000x64xf32> -> vector<2000x64xf32>
    %slice3A_62 = vector.extract_strided_slice %div3A_22 {offsets = [0, 3], sizes = [2000, 1], strides = [1, 1]} : vector<2000x64xf32> to vector<2000x1xf32>
    %mul3A_63 = vector.broadcast %slice3A_62 : vector<2000x1xf32> to vector<2000x64xf32>
    %mul3A_64 = arith.mulf %mul3A_63, %dot_general3A_61 : vector<2000x64xf32>
    %add3A_65 = arith.addf %add3A_54, %mul3A_64 : vector<2000x64xf32>
    %get3A_66 = arith.constant 4 : index
    %get3A_67 = arith.constant 0 : index
    %get3A_68 = arith.constant 0 : index
    %get3A_69 = vector.load %arg3[%get3A_66, %get3A_67, %get3A_68] : memref<64x64x64xf32, #tpu.memory_space<vmem>>, vector<1x64x64xf32>
    %get3A_70 = vector.shape_cast %get3A_69 : vector<1x64x64xf32> to vector<64x64xf32>
    %dot_general3A_71 = arith.constant dense<0.000000e+00> : vector<2000x64xf32>
    %dot_general3A_72 = tpu.matmul %get3A_1, %get3A_70, %dot_general3A_71 {dimension_numbers = #tpu.dot_dimension_numbers<[1], [0], [0], [1], [0, 0, 1, 1], [], []>, transpose_lhs_hint = false} : vector<2000x64xf32>, vector<64x64xf32>, vector<2000x64xf32> -> vector<2000x64xf32>
    %slice3A_73 = vector.extract_strided_slice %div3A_22 {offsets = [0, 4], sizes = [2000, 1], strides = [1, 1]} : vector<2000x64xf32> to vector<2000x1xf32>
    %mul3A_74 = vector.broadcast %slice3A_73 : vector<2000x1xf32> to vector<2000x64xf32>
    %mul3A_75 = arith.mulf %mul3A_74, %dot_general3A_72 : vector<2000x64xf32>
    %add3A_76 = arith.addf %add3A_65, %mul3A_75 : vector<2000x64xf32>
    %get3A_77 = arith.constant 5 : index
    %get3A_78 = arith.constant 0 : index
    %get3A_79 = arith.constant 0 : index
    %get3A_80 = vector.load %arg3[%get3A_77, %get3A_78, %get3A_79] : memref<64x64x64xf32, #tpu.memory_space<vmem>>, vector<1x64x64xf32>
    %get3A_81 = vector.shape_cast %get3A_80 : vector<1x64x64xf32> to vector<64x64xf32>
    %dot_general3A_82 = arith.constant dense<0.000000e+00> : vector<2000x64xf32>
    %dot_general3A_83 = tpu.matmul %get3A_1, %get3A_81, %dot_general3A_82 {dimension_numbers = #tpu.dot_dimension_numbers<[1], [0], [0], [1], [0, 0, 1, 1], [], []>, transpose_lhs_hint = false} : vector<2000x64xf32>, vector<64x64xf32>, vector<2000x64xf32> -> vector<2000x64xf32>
    %slice3A_84 = vector.extract_strided_slice %div3A_22 {offsets = [0, 5], sizes = [2000, 1], strides = [1, 1]} : vector<2000x64xf32> to vector<2000x1xf32>
    %mul3A_85 = vector.broadcast %slice3A_84 : vector<2000x1xf32> to vector<2000x64xf32>
    %mul3A_86 = arith.mulf %mul3A_85, %dot_general3A_83 : vector<2000x64xf32>
    %add3A_87 = arith.addf %add3A_76, %mul3A_86 : vector<2000x64xf32>
    %get3A_88 = arith.constant 6 : index
    %get3A_89 = arith.constant 0 : index
    %get3A_90 = arith.constant 0 : index
    %get3A_91 = vector.load %arg3[%get3A_88, %get3A_89, %get3A_90] : memref<64x64x64xf32, #tpu.memory_space<vmem>>, vector<1x64x64xf32>
    %get3A_92 = vector.shape_cast %get3A_91 : vector<1x64x64xf32> to vector<64x64xf32>
    %dot_general3A_93 = arith.constant dense<0.000000e+00> : vector<2000x64xf32>
    %dot_general3A_94 = tpu.matmul %get3A_1, %get3A_92, %dot_general3A_93 {dimension_numbers = #tpu.dot_dimension_numbers<[1], [0], [0], [1], [0, 0, 1, 1], [], []>, transpose_lhs_hint = false} : vector<2000x64xf32>, vector<64x64xf32>, vector<2000x64xf32> -> vector<2000x64xf32>
    %slice3A_95 = vector.extract_strided_slice %div3A_22 {offsets = [0, 6], sizes = [2000, 1], strides = [1, 1]} : vector<2000x64xf32> to vector<2000x1xf32>
    %mul3A_96 = vector.broadcast %slice3A_95 : vector<2000x1xf32> to vector<2000x64xf32>
    %mul3A_97 = arith.mulf %mul3A_96, %dot_general3A_94 : vector<2000x64xf32>
    %add3A_98 = arith.addf %add3A_87, %mul3A_97 : vector<2000x64xf32>
    %get3A_99 = arith.constant 7 : index
    %get3A_100 = arith.constant 0 : index
    %get3A_101 = arith.constant 0 : index
    %get3A_102 = vector.load %arg3[%get3A_99, %get3A_100, %get3A_101] : memref<64x64x64xf32, #tpu.memory_space<vmem>>, vector<1x64x64xf32>
    %get3A_103 = vector.shape_cast %get3A_102 : vector<1x64x64xf32> to vector<64x64xf32>
    %dot_general3A_104 = arith.constant dense<0.000000e+00> : vector<2000x64xf32>
    %dot_general3A_105 = tpu.matmul %get3A_1, %get3A_103, %dot_general3A_104 {dimension_numbers = #tpu.dot_dimension_numbers<[1], [0], [0], [1], [0, 0, 1, 1], [], []>, transpose_lhs_hint = false} : vector<2000x64xf32>, vector<64x64xf32>, vector<2000x64xf32> -> vector<2000x64xf32>
    %slice3A_106 = vector.extract_strided_slice %div3A_22 {offsets = [0, 7], sizes = [2000, 1], strides = [1, 1]} : vector<2000x64xf32> to vector<2000x1xf32>
    %mul3A_107 = vector.broadcast %slice3A_106 : vector<2000x1xf32> to vector<2000x64xf32>
    %mul3A_108 = arith.mulf %mul3A_107, %dot_general3A_105 : vector<2000x64xf32>
    %add3A_109 = arith.addf %add3A_98, %mul3A_108 : vector<2000x64xf32>
    %get3A_110 = arith.constant 8 : index
    %get3A_111 = arith.constant 0 : index
    %get3A_112 = arith.constant 0 : index
    %get3A_113 = vector.load %arg3[%get3A_110, %get3A_111, %get3A_112] : memref<64x64x64xf32, #tpu.memory_space<vmem>>, vector<1x64x64xf32>
    %get3A_114 = vector.shape_cast %get3A_113 : vector<1x64x64xf32> to vector<64x64xf32>
    %dot_general3A_115 = arith.constant dense<0.000000e+00> : vector<2000x64xf32>
    %dot_general3A_116 = tpu.matmul %get3A_1, %get3A_114, %dot_general3A_115 {dimension_numbers = #tpu.dot_dimension_numbers<[1], [0], [0], [1], [0, 0, 1, 1], [], []>, transpose_lhs_hint = false} : vector<2000x64xf32>, vector<64x64xf32>, vector<2000x64xf32> -> vector<2000x64xf32>
    %slice3A_117 = vector.extract_strided_slice %div3A_22 {offsets = [0, 8], sizes = [2000, 1], strides = [1, 1]} : vector<2000x64xf32> to vector<2000x1xf32>
    %mul3A_118 = vector.broadcast %slice3A_117 : vector<2000x1xf32> to vector<2000x64xf32>
    %mul3A_119 = arith.mulf %mul3A_118, %dot_general3A_116 : vector<2000x64xf32>
    %add3A_120 = arith.addf %add3A_109, %mul3A_119 : vector<2000x64xf32>
    %get3A_121 = arith.constant 9 : index
    %get3A_122 = arith.constant 0 : index
    %get3A_123 = arith.constant 0 : index
    %get3A_124 = vector.load %arg3[%get3A_121, %get3A_122, %get3A_123] : memref<64x64x64xf32, #tpu.memory_space<vmem>>, vector<1x64x64xf32>
    %get3A_125 = vector.shape_cast %get3A_124 : vector<1x64x64xf32> to vector<64x64xf32>
    %dot_general3A_126 = arith.constant dense<0.000000e+00> : vector<2000x64xf32>
    %dot_general3A_127 = tpu.matmul %get3A_1, %get3A_125, %dot_general3A_126 {dimension_numbers = #tpu.dot_dimension_numbers<[1], [0], [0], [1], [0, 0, 1, 1], [], []>, transpose_lhs_hint = false} : vector<2000x64xf32>, vector<64x64xf32>, vector<2000x64xf32> -> vector<2000x64xf32>
    %slice3A_128 = vector.extract_strided_slice %div3A_22 {offsets = [0, 9], sizes = [2000, 1], strides = [1, 1]} : vector<2000x64xf32> to vector<2000x1xf32>
    %mul3A_129 = vector.broadcast %slice3A_128 : vector<2000x1xf32> to vector<2000x64xf32>
    %mul3A_130 = arith.mulf %mul3A_129, %dot_general3A_127 : vector<2000x64xf32>
    %add3A_131 = arith.addf %add3A_120, %mul3A_130 : vector<2000x64xf32>
    %get3A_132 = arith.constant 10 : index
    %get3A_133 = arith.constant 0 : index
    %get3A_134 = arith.constant 0 : index
    %get3A_135 = vector.load %arg3[%get3A_132, %get3A_133, %get3A_134] : memref<64x64x64xf32, #tpu.memory_space<vmem>>, vector<1x64x64xf32>
    %get3A_136 = vector.shape_cast %get3A_135 : vector<1x64x64xf32> to vector<64x64xf32>
    %dot_general3A_137 = arith.constant dense<0.000000e+00> : vector<2000x64xf32>
    %dot_general3A_138 = tpu.matmul %get3A_1, %get3A_136, %dot_general3A_137 {dimension_numbers = #tpu.dot_dimension_numbers<[1], [0], [0], [1], [0, 0, 1, 1], [], []>, transpose_lhs_hint = false} : vector<2000x64xf32>, vector<64x64xf32>, vector<2000x64xf32> -> vector<2000x64xf32>
    %slice3A_139 = vector.extract_strided_slice %div3A_22 {offsets = [0, 10], sizes = [2000, 1], strides = [1, 1]} : vector<2000x64xf32> to vector<2000x1xf32>
    %mul3A_140 = vector.broadcast %slice3A_139 : vector<2000x1xf32> to vector<2000x64xf32>
    %mul3A_141 = arith.mulf %mul3A_140, %dot_general3A_138 : vector<2000x64xf32>
    %add3A_142 = arith.addf %add3A_131, %mul3A_141 : vector<2000x64xf32>
    %get3A_143 = arith.constant 11 : index
    %get3A_144 = arith.constant 0 : index
    %get3A_145 = arith.constant 0 : index
    %get3A_146 = vector.load %arg3[%get3A_143, %get3A_144, %get3A_145] : memref<64x64x64xf32, #tpu.memory_space<vmem>>, vector<1x64x64xf32>
    %get3A_147 = vector.shape_cast %get3A_146 : vector<1x64x64xf32> to vector<64x64xf32>
    %dot_general3A_148 = arith.constant dense<0.000000e+00> : vector<2000x64xf32>
    %dot_general3A_149 = tpu.matmul %get3A_1, %get3A_147, %dot_general3A_148 {dimension_numbers = #tpu.dot_dimension_numbers<[1], [0], [0], [1], [0, 0, 1, 1], [], []>, transpose_lhs_hint = false} : vector<2000x64xf32>, vector<64x64xf32>, vector<2000x64xf32> -> vector<2000x64xf32>
    %slice3A_150 = vector.extract_strided_slice %div3A_22 {offsets = [0, 11], sizes = [2000, 1], strides = [1, 1]} : vector<2000x64xf32> to vector<2000x1xf32>
    %mul3A_151 = vector.broadcast %slice3A_150 : vector<2000x1xf32> to vector<2000x64xf32>
    %mul3A_152 = arith.mulf %mul3A_151, %dot_general3A_149 : vector<2000x64xf32>
    %add3A_153 = arith.addf %add3A_142, %mul3A_152 : vector<2000x64xf32>
    %get3A_154 = arith.constant 12 : index
    %get3A_155 = arith.constant 0 : index
    %get3A_156 = arith.constant 0 : index
    %get3A_157 = vector.load %arg3[%get3A_154, %get3A_155, %get3A_156] : memref<64x64x64xf32, #tpu.memory_space<vmem>>, vector<1x64x64xf32>
    %get3A_158 = vector.shape_cast %get3A_157 : vector<1x64x64xf32> to vector<64x64xf32>
    %dot_general3A_159 = arith.constant dense<0.000000e+00> : vector<2000x64xf32>
    %dot_general3A_160 = tpu.matmul %get3A_1, %get3A_158, %dot_general3A_159 {dimension_numbers = #tpu.dot_dimension_numbers<[1], [0], [0], [1], [0, 0, 1, 1], [], []>, transpose_lhs_hint = false} : vector<2000x64xf32>, vector<64x64xf32>, vector<2000x64xf32> -> vector<2000x64xf32>
    %slice3A_161 = vector.extract_strided_slice %div3A_22 {offsets = [0, 12], sizes = [2000, 1], strides = [1, 1]} : vector<2000x64xf32> to vector<2000x1xf32>
    %mul3A_162 = vector.broadcast %slice3A_161 : vector<2000x1xf32> to vector<2000x64xf32>
    %mul3A_163 = arith.mulf %mul3A_162, %dot_general3A_160 : vector<2000x64xf32>
    %add3A_164 = arith.addf %add3A_153, %mul3A_163 : vector<2000x64xf32>
    %get3A_165 = arith.constant 13 : index
    %get3A_166 = arith.constant 0 : index
    %get3A_167 = arith.constant 0 : index
    %get3A_168 = vector.load %arg3[%get3A_165, %get3A_166, %get3A_167] : memref<64x64x64xf32, #tpu.memory_space<vmem>>, vector<1x64x64xf32>
    %get3A_169 = vector.shape_cast %get3A_168 : vector<1x64x64xf32> to vector<64x64xf32>
    %dot_general3A_170 = arith.constant dense<0.000000e+00> : vector<2000x64xf32>
    %dot_general3A_171 = tpu.matmul %get3A_1, %get3A_169, %dot_general3A_170 {dimension_numbers = #tpu.dot_dimension_numbers<[1], [0], [0], [1], [0, 0, 1, 1], [], []>, transpose_lhs_hint = false} : vector<2000x64xf32>, vector<64x64xf32>, vector<2000x64xf32> -> vector<2000x64xf32>
    %slice3A_172 = vector.extract_strided_slice %div3A_22 {offsets = [0, 13], sizes = [2000, 1], strides = [1, 1]} : vector<2000x64xf32> to vector<2000x1xf32>
    %mul3A_173 = vector.broadcast %slice3A_172 : vector<2000x1xf32> to vector<2000x64xf32>
    %mul3A_174 = arith.mulf %mul3A_173, %dot_general3A_171 : vector<2000x64xf32>
    %add3A_175 = arith.addf %add3A_164, %mul3A_174 : vector<2000x64xf32>
    %get3A_176 = arith.constant 14 : index
    %get3A_177 = arith.constant 0 : index
    %get3A_178 = arith.constant 0 : index
    %get3A_179 = vector.load %arg3[%get3A_176, %get3A_177, %get3A_178] : memref<64x64x64xf32, #tpu.memory_space<vmem>>, vector<1x64x64xf32>
    %get3A_180 = vector.shape_cast %get3A_179 : vector<1x64x64xf32> to vector<64x64xf32>
    %dot_general3A_181 = arith.constant dense<0.000000e+00> : vector<2000x64xf32>
    %dot_general3A_182 = tpu.matmul %get3A_1, %get3A_180, %dot_general3A_181 {dimension_numbers = #tpu.dot_dimension_numbers<[1], [0], [0], [1], [0, 0, 1, 1], [], []>, transpose_lhs_hint = false} : vector<2000x64xf32>, vector<64x64xf32>, vector<2000x64xf32> -> vector<2000x64xf32>
    %slice3A_183 = vector.extract_strided_slice %div3A_22 {offsets = [0, 14], sizes = [2000, 1], strides = [1, 1]} : vector<2000x64xf32> to vector<2000x1xf32>
    %mul3A_184 = vector.broadcast %slice3A_183 : vector<2000x1xf32> to vector<2000x64xf32>
    %mul3A_185 = arith.mulf %mul3A_184, %dot_general3A_182 : vector<2000x64xf32>
    %add3A_186 = arith.addf %add3A_175, %mul3A_185 : vector<2000x64xf32>
    %get3A_187 = arith.constant 15 : index
    %get3A_188 = arith.constant 0 : index
    %get3A_189 = arith.constant 0 : index
    %get3A_190 = vector.load %arg3[%get3A_187, %get3A_188, %get3A_189] : memref<64x64x64xf32, #tpu.memory_space<vmem>>, vector<1x64x64xf32>
    %get3A_191 = vector.shape_cast %get3A_190 : vector<1x64x64xf32> to vector<64x64xf32>
    %dot_general3A_192 = arith.constant dense<0.000000e+00> : vector<2000x64xf32>
    %dot_general3A_193 = tpu.matmul %get3A_1, %get3A_191, %dot_general3A_192 {dimension_numbers = #tpu.dot_dimension_numbers<[1], [0], [0], [1], [0, 0, 1, 1], [], []>, transpose_lhs_hint = false} : vector<2000x64xf32>, vector<64x64xf32>, vector<2000x64xf32> -> vector<2000x64xf32>
    %slice3A_194 = vector.extract_strided_slice %div3A_22 {offsets = [0, 15], sizes = [2000, 1], strides = [1, 1]} : vector<2000x64xf32> to vector<2000x1xf32>
    %mul3A_195 = vector.broadcast %slice3A_194 : vector<2000x1xf32> to vector<2000x64xf32>
    %mul3A_196 = arith.mulf %mul3A_195, %dot_general3A_193 : vector<2000x64xf32>
    %add3A_197 = arith.addf %add3A_186, %mul3A_196 : vector<2000x64xf32>
    %get3A_198 = arith.constant 16 : index
    %get3A_199 = arith.constant 0 : index
    %get3A_200 = arith.constant 0 : index
    %get3A_201 = vector.load %arg3[%get3A_198, %get3A_199, %get3A_200] : memref<64x64x64xf32, #tpu.memory_space<vmem>>, vector<1x64x64xf32>
    %get3A_202 = vector.shape_cast %get3A_201 : vector<1x64x64xf32> to vector<64x64xf32>
    %dot_general3A_203 = arith.constant dense<0.000000e+00> : vector<2000x64xf32>
    %dot_general3A_204 = tpu.matmul %get3A_1, %get3A_202, %dot_general3A_203 {dimension_numbers = #tpu.dot_dimension_numbers<[1], [0], [0], [1], [0, 0, 1, 1], [], []>, transpose_lhs_hint = false} : vector<2000x64xf32>, vector<64x64xf32>, vector<2000x64xf32> -> vector<2000x64xf32>
    %slice3A_205 = vector.extract_strided_slice %div3A_22 {offsets = [0, 16], sizes = [2000, 1], strides = [1, 1]} : vector<2000x64xf32> to vector<2000x1xf32>
    %mul3A_206 = vector.broadcast %slice3A_205 : vector<2000x1xf32> to vector<2000x64xf32>
    %mul3A_207 = arith.mulf %mul3A_206, %dot_general3A_204 : vector<2000x64xf32>
    %add3A_208 = arith.addf %add3A_197, %mul3A_207 : vector<2000x64xf32>
    %get3A_209 = arith.constant 17 : index
    %get3A_210 = arith.constant 0 : index
    %get3A_211 = arith.constant 0 : index
    %get3A_212 = vector.load %arg3[%get3A_209, %get3A_210, %get3A_211] : memref<64x64x64xf32, #tpu.memory_space<vmem>>, vector<1x64x64xf32>
    %get3A_213 = vector.shape_cast %get3A_212 : vector<1x64x64xf32> to vector<64x64xf32>
    %dot_general3A_214 = arith.constant dense<0.000000e+00> : vector<2000x64xf32>
    %dot_general3A_215 = tpu.matmul %get3A_1, %get3A_213, %dot_general3A_214 {dimension_numbers = #tpu.dot_dimension_numbers<[1], [0], [0], [1], [0, 0, 1, 1], [], []>, transpose_lhs_hint = false} : vector<2000x64xf32>, vector<64x64xf32>, vector<2000x64xf32> -> vector<2000x64xf32>
    %slice3A_216 = vector.extract_strided_slice %div3A_22 {offsets = [0, 17], sizes = [2000, 1], strides = [1, 1]} : vector<2000x64xf32> to vector<2000x1xf32>
    %mul3A_217 = vector.broadcast %slice3A_216 : vector<2000x1xf32> to vector<2000x64xf32>
    %mul3A_218 = arith.mulf %mul3A_217, %dot_general3A_215 : vector<2000x64xf32>
    %add3A_219 = arith.addf %add3A_208, %mul3A_218 : vector<2000x64xf32>
    %get3A_220 = arith.constant 18 : index
    %get3A_221 = arith.constant 0 : index
    %get3A_222 = arith.constant 0 : index
    %get3A_223 = vector.load %arg3[%get3A_220, %get3A_221, %get3A_222] : memref<64x64x64xf32, #tpu.memory_space<vmem>>, vector<1x64x64xf32>
    %get3A_224 = vector.shape_cast %get3A_223 : vector<1x64x64xf32> to vector<64x64xf32>
    %dot_general3A_225 = arith.constant dense<0.000000e+00> : vector<2000x64xf32>
    %dot_general3A_226 = tpu.matmul %get3A_1, %get3A_224, %dot_general3A_225 {dimension_numbers = #tpu.dot_dimension_numbers<[1], [0], [0], [1], [0, 0, 1, 1], [], []>, transpose_lhs_hint = false} : vector<2000x64xf32>, vector<64x64xf32>, vector<2000x64xf32> -> vector<2000x64xf32>
    %slice3A_227 = vector.extract_strided_slice %div3A_22 {offsets = [0, 18], sizes = [2000, 1], strides = [1, 1]} : vector<2000x64xf32> to vector<2000x1xf32>
    %mul3A_228 = vector.broadcast %slice3A_227 : vector<2000x1xf32> to vector<2000x64xf32>
    %mul3A_229 = arith.mulf %mul3A_228, %dot_general3A_226 : vector<2000x64xf32>
    %add3A_230 = arith.addf %add3A_219, %mul3A_229 : vector<2000x64xf32>
    %get3A_231 = arith.constant 19 : index
    %get3A_232 = arith.constant 0 : index
    %get3A_233 = arith.constant 0 : index
    %get3A_234 = vector.load %arg3[%get3A_231, %get3A_232, %get3A_233] : memref<64x64x64xf32, #tpu.memory_space<vmem>>, vector<1x64x64xf32>
    %get3A_235 = vector.shape_cast %get3A_234 : vector<1x64x64xf32> to vector<64x64xf32>
    %dot_general3A_236 = arith.constant dense<0.000000e+00> : vector<2000x64xf32>
    %dot_general3A_237 = tpu.matmul %get3A_1, %get3A_235, %dot_general3A_236 {dimension_numbers = #tpu.dot_dimension_numbers<[1], [0], [0], [1], [0, 0, 1, 1], [], []>, transpose_lhs_hint = false} : vector<2000x64xf32>, vector<64x64xf32>, vector<2000x64xf32> -> vector<2000x64xf32>
    %slice3A_238 = vector.extract_strided_slice %div3A_22 {offsets = [0, 19], sizes = [2000, 1], strides = [1, 1]} : vector<2000x64xf32> to vector<2000x1xf32>
    %mul3A_239 = vector.broadcast %slice3A_238 : vector<2000x1xf32> to vector<2000x64xf32>
    %mul3A_240 = arith.mulf %mul3A_239, %dot_general3A_237 : vector<2000x64xf32>
    %add3A_241 = arith.addf %add3A_230, %mul3A_240 : vector<2000x64xf32>
    %get3A_242 = arith.constant 20 : index
    %get3A_243 = arith.constant 0 : index
    %get3A_244 = arith.constant 0 : index
    %get3A_245 = vector.load %arg3[%get3A_242, %get3A_243, %get3A_244] : memref<64x64x64xf32, #tpu.memory_space<vmem>>, vector<1x64x64xf32>
    %get3A_246 = vector.shape_cast %get3A_245 : vector<1x64x64xf32> to vector<64x64xf32>
    %dot_general3A_247 = arith.constant dense<0.000000e+00> : vector<2000x64xf32>
    %dot_general3A_248 = tpu.matmul %get3A_1, %get3A_246, %dot_general3A_247 {dimension_numbers = #tpu.dot_dimension_numbers<[1], [0], [0], [1], [0, 0, 1, 1], [], []>, transpose_lhs_hint = false} : vector<2000x64xf32>, vector<64x64xf32>, vector<2000x64xf32> -> vector<2000x64xf32>
    %slice3A_249 = vector.extract_strided_slice %div3A_22 {offsets = [0, 20], sizes = [2000, 1], strides = [1, 1]} : vector<2000x64xf32> to vector<2000x1xf32>
    %mul3A_250 = vector.broadcast %slice3A_249 : vector<2000x1xf32> to vector<2000x64xf32>
    %mul3A_251 = arith.mulf %mul3A_250, %dot_general3A_248 : vector<2000x64xf32>
    %add3A_252 = arith.addf %add3A_241, %mul3A_251 : vector<2000x64xf32>
    %get3A_253 = arith.constant 21 : index
    %get3A_254 = arith.constant 0 : index
    %get3A_255 = arith.constant 0 : index
    %get3A_256 = vector.load %arg3[%get3A_253, %get3A_254, %get3A_255] : memref<64x64x64xf32, #tpu.memory_space<vmem>>, vector<1x64x64xf32>
    %get3A_257 = vector.shape_cast %get3A_256 : vector<1x64x64xf32> to vector<64x64xf32>
    %dot_general3A_258 = arith.constant dense<0.000000e+00> : vector<2000x64xf32>
    %dot_general3A_259 = tpu.matmul %get3A_1, %get3A_257, %dot_general3A_258 {dimension_numbers = #tpu.dot_dimension_numbers<[1], [0], [0], [1], [0, 0, 1, 1], [], []>, transpose_lhs_hint = false} : vector<2000x64xf32>, vector<64x64xf32>, vector<2000x64xf32> -> vector<2000x64xf32>
    %slice3A_260 = vector.extract_strided_slice %div3A_22 {offsets = [0, 21], sizes = [2000, 1], strides = [1, 1]} : vector<2000x64xf32> to vector<2000x1xf32>
    %mul3A_261 = vector.broadcast %slice3A_260 : vector<2000x1xf32> to vector<2000x64xf32>
    %mul3A_262 = arith.mulf %mul3A_261, %dot_general3A_259 : vector<2000x64xf32>
    %add3A_263 = arith.addf %add3A_252, %mul3A_262 : vector<2000x64xf32>
    %get3A_264 = arith.constant 22 : index
    %get3A_265 = arith.constant 0 : index
    %get3A_266 = arith.constant 0 : index
    %get3A_267 = vector.load %arg3[%get3A_264, %get3A_265, %get3A_266] : memref<64x64x64xf32, #tpu.memory_space<vmem>>, vector<1x64x64xf32>
    %get3A_268 = vector.shape_cast %get3A_267 : vector<1x64x64xf32> to vector<64x64xf32>
    %dot_general3A_269 = arith.constant dense<0.000000e+00> : vector<2000x64xf32>
    %dot_general3A_270 = tpu.matmul %get3A_1, %get3A_268, %dot_general3A_269 {dimension_numbers = #tpu.dot_dimension_numbers<[1], [0], [0], [1], [0, 0, 1, 1], [], []>, transpose_lhs_hint = false} : vector<2000x64xf32>, vector<64x64xf32>, vector<2000x64xf32> -> vector<2000x64xf32>
    %slice3A_271 = vector.extract_strided_slice %div3A_22 {offsets = [0, 22], sizes = [2000, 1], strides = [1, 1]} : vector<2000x64xf32> to vector<2000x1xf32>
    %mul3A_272 = vector.broadcast %slice3A_271 : vector<2000x1xf32> to vector<2000x64xf32>
    %mul3A_273 = arith.mulf %mul3A_272, %dot_general3A_270 : vector<2000x64xf32>
    %add3A_274 = arith.addf %add3A_263, %mul3A_273 : vector<2000x64xf32>
    %get3A_275 = arith.constant 23 : index
    %get3A_276 = arith.constant 0 : index
    %get3A_277 = arith.constant 0 : index
    %get3A_278 = vector.load %arg3[%get3A_275, %get3A_276, %get3A_277] : memref<64x64x64xf32, #tpu.memory_space<vmem>>, vector<1x64x64xf32>
    %get3A_279 = vector.shape_cast %get3A_278 : vector<1x64x64xf32> to vector<64x64xf32>
    %dot_general3A_280 = arith.constant dense<0.000000e+00> : vector<2000x64xf32>
    %dot_general3A_281 = tpu.matmul %get3A_1, %get3A_279, %dot_general3A_280 {dimension_numbers = #tpu.dot_dimension_numbers<[1], [0], [0], [1], [0, 0, 1, 1], [], []>, transpose_lhs_hint = false} : vector<2000x64xf32>, vector<64x64xf32>, vector<2000x64xf32> -> vector<2000x64xf32>
    %slice3A_282 = vector.extract_strided_slice %div3A_22 {offsets = [0, 23], sizes = [2000, 1], strides = [1, 1]} : vector<2000x64xf32> to vector<2000x1xf32>
    %mul3A_283 = vector.broadcast %slice3A_282 : vector<2000x1xf32> to vector<2000x64xf32>
    %mul3A_284 = arith.mulf %mul3A_283, %dot_general3A_281 : vector<2000x64xf32>
    %add3A_285 = arith.addf %add3A_274, %mul3A_284 : vector<2000x64xf32>
    %get3A_286 = arith.constant 24 : index
    %get3A_287 = arith.constant 0 : index
    %get3A_288 = arith.constant 0 : index
    %get3A_289 = vector.load %arg3[%get3A_286, %get3A_287, %get3A_288] : memref<64x64x64xf32, #tpu.memory_space<vmem>>, vector<1x64x64xf32>
    %get3A_290 = vector.shape_cast %get3A_289 : vector<1x64x64xf32> to vector<64x64xf32>
    %dot_general3A_291 = arith.constant dense<0.000000e+00> : vector<2000x64xf32>
    %dot_general3A_292 = tpu.matmul %get3A_1, %get3A_290, %dot_general3A_291 {dimension_numbers = #tpu.dot_dimension_numbers<[1], [0], [0], [1], [0, 0, 1, 1], [], []>, transpose_lhs_hint = false} : vector<2000x64xf32>, vector<64x64xf32>, vector<2000x64xf32> -> vector<2000x64xf32>
    %slice3A_293 = vector.extract_strided_slice %div3A_22 {offsets = [0, 24], sizes = [2000, 1], strides = [1, 1]} : vector<2000x64xf32> to vector<2000x1xf32>
    %mul3A_294 = vector.broadcast %slice3A_293 : vector<2000x1xf32> to vector<2000x64xf32>
    %mul3A_295 = arith.mulf %mul3A_294, %dot_general3A_292 : vector<2000x64xf32>
    %add3A_296 = arith.addf %add3A_285, %mul3A_295 : vector<2000x64xf32>
    %get3A_297 = arith.constant 25 : index
    %get3A_298 = arith.constant 0 : index
    %get3A_299 = arith.constant 0 : index
    %get3A_300 = vector.load %arg3[%get3A_297, %get3A_298, %get3A_299] : memref<64x64x64xf32, #tpu.memory_space<vmem>>, vector<1x64x64xf32>
    %get3A_301 = vector.shape_cast %get3A_300 : vector<1x64x64xf32> to vector<64x64xf32>
    %dot_general3A_302 = arith.constant dense<0.000000e+00> : vector<2000x64xf32>
    %dot_general3A_303 = tpu.matmul %get3A_1, %get3A_301, %dot_general3A_302 {dimension_numbers = #tpu.dot_dimension_numbers<[1], [0], [0], [1], [0, 0, 1, 1], [], []>, transpose_lhs_hint = false} : vector<2000x64xf32>, vector<64x64xf32>, vector<2000x64xf32> -> vector<2000x64xf32>
    %slice3A_304 = vector.extract_strided_slice %div3A_22 {offsets = [0, 25], sizes = [2000, 1], strides = [1, 1]} : vector<2000x64xf32> to vector<2000x1xf32>
    %mul3A_305 = vector.broadcast %slice3A_304 : vector<2000x1xf32> to vector<2000x64xf32>
    %mul3A_306 = arith.mulf %mul3A_305, %dot_general3A_303 : vector<2000x64xf32>
    %add3A_307 = arith.addf %add3A_296, %mul3A_306 : vector<2000x64xf32>
    %get3A_308 = arith.constant 26 : index
    %get3A_309 = arith.constant 0 : index
    %get3A_310 = arith.constant 0 : index
    %get3A_311 = vector.load %arg3[%get3A_308, %get3A_309, %get3A_310] : memref<64x64x64xf32, #tpu.memory_space<vmem>>, vector<1x64x64xf32>
    %get3A_312 = vector.shape_cast %get3A_311 : vector<1x64x64xf32> to vector<64x64xf32>
    %dot_general3A_313 = arith.constant dense<0.000000e+00> : vector<2000x64xf32>
    %dot_general3A_314 = tpu.matmul %get3A_1, %get3A_312, %dot_general3A_313 {dimension_numbers = #tpu.dot_dimension_numbers<[1], [0], [0], [1], [0, 0, 1, 1], [], []>, transpose_lhs_hint = false} : vector<2000x64xf32>, vector<64x64xf32>, vector<2000x64xf32> -> vector<2000x64xf32>
    %slice3A_315 = vector.extract_strided_slice %div3A_22 {offsets = [0, 26], sizes = [2000, 1], strides = [1, 1]} : vector<2000x64xf32> to vector<2000x1xf32>
    %mul3A_316 = vector.broadcast %slice3A_315 : vector<2000x1xf32> to vector<2000x64xf32>
    %mul3A_317 = arith.mulf %mul3A_316, %dot_general3A_314 : vector<2000x64xf32>
    %add3A_318 = arith.addf %add3A_307, %mul3A_317 : vector<2000x64xf32>
    %get3A_319 = arith.constant 27 : index
    %get3A_320 = arith.constant 0 : index
    %get3A_321 = arith.constant 0 : index
    %get3A_322 = vector.load %arg3[%get3A_319, %get3A_320, %get3A_321] : memref<64x64x64xf32, #tpu.memory_space<vmem>>, vector<1x64x64xf32>
    %get3A_323 = vector.shape_cast %get3A_322 : vector<1x64x64xf32> to vector<64x64xf32>
    %dot_general3A_324 = arith.constant dense<0.000000e+00> : vector<2000x64xf32>
    %dot_general3A_325 = tpu.matmul %get3A_1, %get3A_323, %dot_general3A_324 {dimension_numbers = #tpu.dot_dimension_numbers<[1], [0], [0], [1], [0, 0, 1, 1], [], []>, transpose_lhs_hint = false} : vector<2000x64xf32>, vector<64x64xf32>, vector<2000x64xf32> -> vector<2000x64xf32>
    %slice3A_326 = vector.extract_strided_slice %div3A_22 {offsets = [0, 27], sizes = [2000, 1], strides = [1, 1]} : vector<2000x64xf32> to vector<2000x1xf32>
    %mul3A_327 = vector.broadcast %slice3A_326 : vector<2000x1xf32> to vector<2000x64xf32>
    %mul3A_328 = arith.mulf %mul3A_327, %dot_general3A_325 : vector<2000x64xf32>
    %add3A_329 = arith.addf %add3A_318, %mul3A_328 : vector<2000x64xf32>
    %get3A_330 = arith.constant 28 : index
    %get3A_331 = arith.constant 0 : index
    %get3A_332 = arith.constant 0 : index
    %get3A_333 = vector.load %arg3[%get3A_330, %get3A_331, %get3A_332] : memref<64x64x64xf32, #tpu.memory_space<vmem>>, vector<1x64x64xf32>
    %get3A_334 = vector.shape_cast %get3A_333 : vector<1x64x64xf32> to vector<64x64xf32>
    %dot_general3A_335 = arith.constant dense<0.000000e+00> : vector<2000x64xf32>
    %dot_general3A_336 = tpu.matmul %get3A_1, %get3A_334, %dot_general3A_335 {dimension_numbers = #tpu.dot_dimension_numbers<[1], [0], [0], [1], [0, 0, 1, 1], [], []>, transpose_lhs_hint = false} : vector<2000x64xf32>, vector<64x64xf32>, vector<2000x64xf32> -> vector<2000x64xf32>
    %slice3A_337 = vector.extract_strided_slice %div3A_22 {offsets = [0, 28], sizes = [2000, 1], strides = [1, 1]} : vector<2000x64xf32> to vector<2000x1xf32>
    %mul3A_338 = vector.broadcast %slice3A_337 : vector<2000x1xf32> to vector<2000x64xf32>
    %mul3A_339 = arith.mulf %mul3A_338, %dot_general3A_336 : vector<2000x64xf32>
    %add3A_340 = arith.addf %add3A_329, %mul3A_339 : vector<2000x64xf32>
    %get3A_341 = arith.constant 29 : index
    %get3A_342 = arith.constant 0 : index
    %get3A_343 = arith.constant 0 : index
    %get3A_344 = vector.load %arg3[%get3A_341, %get3A_342, %get3A_343] : memref<64x64x64xf32, #tpu.memory_space<vmem>>, vector<1x64x64xf32>
    %get3A_345 = vector.shape_cast %get3A_344 : vector<1x64x64xf32> to vector<64x64xf32>
    %dot_general3A_346 = arith.constant dense<0.000000e+00> : vector<2000x64xf32>
    %dot_general3A_347 = tpu.matmul %get3A_1, %get3A_345, %dot_general3A_346 {dimension_numbers = #tpu.dot_dimension_numbers<[1], [0], [0], [1], [0, 0, 1, 1], [], []>, transpose_lhs_hint = false} : vector<2000x64xf32>, vector<64x64xf32>, vector<2000x64xf32> -> vector<2000x64xf32>
    %slice3A_348 = vector.extract_strided_slice %div3A_22 {offsets = [0, 29], sizes = [2000, 1], strides = [1, 1]} : vector<2000x64xf32> to vector<2000x1xf32>
    %mul3A_349 = vector.broadcast %slice3A_348 : vector<2000x1xf32> to vector<2000x64xf32>
    %mul3A_350 = arith.mulf %mul3A_349, %dot_general3A_347 : vector<2000x64xf32>
    %add3A_351 = arith.addf %add3A_340, %mul3A_350 : vector<2000x64xf32>
    %get3A_352 = arith.constant 30 : index
    %get3A_353 = arith.constant 0 : index
    %get3A_354 = arith.constant 0 : index
    %get3A_355 = vector.load %arg3[%get3A_352, %get3A_353, %get3A_354] : memref<64x64x64xf32, #tpu.memory_space<vmem>>, vector<1x64x64xf32>
    %get3A_356 = vector.shape_cast %get3A_355 : vector<1x64x64xf32> to vector<64x64xf32>
    %dot_general3A_357 = arith.constant dense<0.000000e+00> : vector<2000x64xf32>
    %dot_general3A_358 = tpu.matmul %get3A_1, %get3A_356, %dot_general3A_357 {dimension_numbers = #tpu.dot_dimension_numbers<[1], [0], [0], [1], [0, 0, 1, 1], [], []>, transpose_lhs_hint = false} : vector<2000x64xf32>, vector<64x64xf32>, vector<2000x64xf32> -> vector<2000x64xf32>
    %slice3A_359 = vector.extract_strided_slice %div3A_22 {offsets = [0, 30], sizes = [2000, 1], strides = [1, 1]} : vector<2000x64xf32> to vector<2000x1xf32>
    %mul3A_360 = vector.broadcast %slice3A_359 : vector<2000x1xf32> to vector<2000x64xf32>
    %mul3A_361 = arith.mulf %mul3A_360, %dot_general3A_358 : vector<2000x64xf32>
    %add3A_362 = arith.addf %add3A_351, %mul3A_361 : vector<2000x64xf32>
    %get3A_363 = arith.constant 31 : index
    %get3A_364 = arith.constant 0 : index
    %get3A_365 = arith.constant 0 : index
    %get3A_366 = vector.load %arg3[%get3A_363, %get3A_364, %get3A_365] : memref<64x64x64xf32, #tpu.memory_space<vmem>>, vector<1x64x64xf32>
    %get3A_367 = vector.shape_cast %get3A_366 : vector<1x64x64xf32> to vector<64x64xf32>
    %dot_general3A_368 = arith.constant dense<0.000000e+00> : vector<2000x64xf32>
    %dot_general3A_369 = tpu.matmul %get3A_1, %get3A_367, %dot_general3A_368 {dimension_numbers = #tpu.dot_dimension_numbers<[1], [0], [0], [1], [0, 0, 1, 1], [], []>, transpose_lhs_hint = false} : vector<2000x64xf32>, vector<64x64xf32>, vector<2000x64xf32> -> vector<2000x64xf32>
    %slice3A_370 = vector.extract_strided_slice %div3A_22 {offsets = [0, 31], sizes = [2000, 1], strides = [1, 1]} : vector<2000x64xf32> to vector<2000x1xf32>
    %mul3A_371 = vector.broadcast %slice3A_370 : vector<2000x1xf32> to vector<2000x64xf32>
    %mul3A_372 = arith.mulf %mul3A_371, %dot_general3A_369 : vector<2000x64xf32>
    %add3A_373 = arith.addf %add3A_362, %mul3A_372 : vector<2000x64xf32>
    %get3A_374 = arith.constant 32 : index
    %get3A_375 = arith.constant 0 : index
    %get3A_376 = arith.constant 0 : index
    %get3A_377 = vector.load %arg3[%get3A_374, %get3A_375, %get3A_376] : memref<64x64x64xf32, #tpu.memory_space<vmem>>, vector<1x64x64xf32>
    %get3A_378 = vector.shape_cast %get3A_377 : vector<1x64x64xf32> to vector<64x64xf32>
    %dot_general3A_379 = arith.constant dense<0.000000e+00> : vector<2000x64xf32>
    %dot_general3A_380 = tpu.matmul %get3A_1, %get3A_378, %dot_general3A_379 {dimension_numbers = #tpu.dot_dimension_numbers<[1], [0], [0], [1], [0, 0, 1, 1], [], []>, transpose_lhs_hint = false} : vector<2000x64xf32>, vector<64x64xf32>, vector<2000x64xf32> -> vector<2000x64xf32>
    %slice3A_381 = vector.extract_strided_slice %div3A_22 {offsets = [0, 32], sizes = [2000, 1], strides = [1, 1]} : vector<2000x64xf32> to vector<2000x1xf32>
    %mul3A_382 = vector.broadcast %slice3A_381 : vector<2000x1xf32> to vector<2000x64xf32>
    %mul3A_383 = arith.mulf %mul3A_382, %dot_general3A_380 : vector<2000x64xf32>
    %add3A_384 = arith.addf %add3A_373, %mul3A_383 : vector<2000x64xf32>
    %get3A_385 = arith.constant 33 : index
    %get3A_386 = arith.constant 0 : index
    %get3A_387 = arith.constant 0 : index
    %get3A_388 = vector.load %arg3[%get3A_385, %get3A_386, %get3A_387] : memref<64x64x64xf32, #tpu.memory_space<vmem>>, vector<1x64x64xf32>
    %get3A_389 = vector.shape_cast %get3A_388 : vector<1x64x64xf32> to vector<64x64xf32>
    %dot_general3A_390 = arith.constant dense<0.000000e+00> : vector<2000x64xf32>
    %dot_general3A_391 = tpu.matmul %get3A_1, %get3A_389, %dot_general3A_390 {dimension_numbers = #tpu.dot_dimension_numbers<[1], [0], [0], [1], [0, 0, 1, 1], [], []>, transpose_lhs_hint = false} : vector<2000x64xf32>, vector<64x64xf32>, vector<2000x64xf32> -> vector<2000x64xf32>
    %slice3A_392 = vector.extract_strided_slice %div3A_22 {offsets = [0, 33], sizes = [2000, 1], strides = [1, 1]} : vector<2000x64xf32> to vector<2000x1xf32>
    %mul3A_393 = vector.broadcast %slice3A_392 : vector<2000x1xf32> to vector<2000x64xf32>
    %mul3A_394 = arith.mulf %mul3A_393, %dot_general3A_391 : vector<2000x64xf32>
    %add3A_395 = arith.addf %add3A_384, %mul3A_394 : vector<2000x64xf32>
    %get3A_396 = arith.constant 34 : index
    %get3A_397 = arith.constant 0 : index
    %get3A_398 = arith.constant 0 : index
    %get3A_399 = vector.load %arg3[%get3A_396, %get3A_397, %get3A_398] : memref<64x64x64xf32, #tpu.memory_space<vmem>>, vector<1x64x64xf32>
    %get3A_400 = vector.shape_cast %get3A_399 : vector<1x64x64xf32> to vector<64x64xf32>
    %dot_general3A_401 = arith.constant dense<0.000000e+00> : vector<2000x64xf32>
    %dot_general3A_402 = tpu.matmul %get3A_1, %get3A_400, %dot_general3A_401 {dimension_numbers = #tpu.dot_dimension_numbers<[1], [0], [0], [1], [0, 0, 1, 1], [], []>, transpose_lhs_hint = false} : vector<2000x64xf32>, vector<64x64xf32>, vector<2000x64xf32> -> vector<2000x64xf32>
    %slice3A_403 = vector.extract_strided_slice %div3A_22 {offsets = [0, 34], sizes = [2000, 1], strides = [1, 1]} : vector<2000x64xf32> to vector<2000x1xf32>
    %mul3A_404 = vector.broadcast %slice3A_403 : vector<2000x1xf32> to vector<2000x64xf32>
    %mul3A_405 = arith.mulf %mul3A_404, %dot_general3A_402 : vector<2000x64xf32>
    %add3A_406 = arith.addf %add3A_395, %mul3A_405 : vector<2000x64xf32>
    %get3A_407 = arith.constant 35 : index
    %get3A_408 = arith.constant 0 : index
    %get3A_409 = arith.constant 0 : index
    %get3A_410 = vector.load %arg3[%get3A_407, %get3A_408, %get3A_409] : memref<64x64x64xf32, #tpu.memory_space<vmem>>, vector<1x64x64xf32>
    %get3A_411 = vector.shape_cast %get3A_410 : vector<1x64x64xf32> to vector<64x64xf32>
    %dot_general3A_412 = arith.constant dense<0.000000e+00> : vector<2000x64xf32>
    %dot_general3A_413 = tpu.matmul %get3A_1, %get3A_411, %dot_general3A_412 {dimension_numbers = #tpu.dot_dimension_numbers<[1], [0], [0], [1], [0, 0, 1, 1], [], []>, transpose_lhs_hint = false} : vector<2000x64xf32>, vector<64x64xf32>, vector<2000x64xf32> -> vector<2000x64xf32>
    %slice3A_414 = vector.extract_strided_slice %div3A_22 {offsets = [0, 35], sizes = [2000, 1], strides = [1, 1]} : vector<2000x64xf32> to vector<2000x1xf32>
    %mul3A_415 = vector.broadcast %slice3A_414 : vector<2000x1xf32> to vector<2000x64xf32>
    %mul3A_416 = arith.mulf %mul3A_415, %dot_general3A_413 : vector<2000x64xf32>
    %add3A_417 = arith.addf %add3A_406, %mul3A_416 : vector<2000x64xf32>
    %get3A_418 = arith.constant 36 : index
    %get3A_419 = arith.constant 0 : index
    %get3A_420 = arith.constant 0 : index
    %get3A_421 = vector.load %arg3[%get3A_418, %get3A_419, %get3A_420] : memref<64x64x64xf32, #tpu.memory_space<vmem>>, vector<1x64x64xf32>
    %get3A_422 = vector.shape_cast %get3A_421 : vector<1x64x64xf32> to vector<64x64xf32>
    %dot_general3A_423 = arith.constant dense<0.000000e+00> : vector<2000x64xf32>
    %dot_general3A_424 = tpu.matmul %get3A_1, %get3A_422, %dot_general3A_423 {dimension_numbers = #tpu.dot_dimension_numbers<[1], [0], [0], [1], [0, 0, 1, 1], [], []>, transpose_lhs_hint = false} : vector<2000x64xf32>, vector<64x64xf32>, vector<2000x64xf32> -> vector<2000x64xf32>
    %slice3A_425 = vector.extract_strided_slice %div3A_22 {offsets = [0, 36], sizes = [2000, 1], strides = [1, 1]} : vector<2000x64xf32> to vector<2000x1xf32>
    %mul3A_426 = vector.broadcast %slice3A_425 : vector<2000x1xf32> to vector<2000x64xf32>
    %mul3A_427 = arith.mulf %mul3A_426, %dot_general3A_424 : vector<2000x64xf32>
    %add3A_428 = arith.addf %add3A_417, %mul3A_427 : vector<2000x64xf32>
    %get3A_429 = arith.constant 37 : index
    %get3A_430 = arith.constant 0 : index
    %get3A_431 = arith.constant 0 : index
    %get3A_432 = vector.load %arg3[%get3A_429, %get3A_430, %get3A_431] : memref<64x64x64xf32, #tpu.memory_space<vmem>>, vector<1x64x64xf32>
    %get3A_433 = vector.shape_cast %get3A_432 : vector<1x64x64xf32> to vector<64x64xf32>
    %dot_general3A_434 = arith.constant dense<0.000000e+00> : vector<2000x64xf32>
    %dot_general3A_435 = tpu.matmul %get3A_1, %get3A_433, %dot_general3A_434 {dimension_numbers = #tpu.dot_dimension_numbers<[1], [0], [0], [1], [0, 0, 1, 1], [], []>, transpose_lhs_hint = false} : vector<2000x64xf32>, vector<64x64xf32>, vector<2000x64xf32> -> vector<2000x64xf32>
    %slice3A_436 = vector.extract_strided_slice %div3A_22 {offsets = [0, 37], sizes = [2000, 1], strides = [1, 1]} : vector<2000x64xf32> to vector<2000x1xf32>
    %mul3A_437 = vector.broadcast %slice3A_436 : vector<2000x1xf32> to vector<2000x64xf32>
    %mul3A_438 = arith.mulf %mul3A_437, %dot_general3A_435 : vector<2000x64xf32>
    %add3A_439 = arith.addf %add3A_428, %mul3A_438 : vector<2000x64xf32>
    %get3A_440 = arith.constant 38 : index
    %get3A_441 = arith.constant 0 : index
    %get3A_442 = arith.constant 0 : index
    %get3A_443 = vector.load %arg3[%get3A_440, %get3A_441, %get3A_442] : memref<64x64x64xf32, #tpu.memory_space<vmem>>, vector<1x64x64xf32>
    %get3A_444 = vector.shape_cast %get3A_443 : vector<1x64x64xf32> to vector<64x64xf32>
    %dot_general3A_445 = arith.constant dense<0.000000e+00> : vector<2000x64xf32>
    %dot_general3A_446 = tpu.matmul %get3A_1, %get3A_444, %dot_general3A_445 {dimension_numbers = #tpu.dot_dimension_numbers<[1], [0], [0], [1], [0, 0, 1, 1], [], []>, transpose_lhs_hint = false} : vector<2000x64xf32>, vector<64x64xf32>, vector<2000x64xf32> -> vector<2000x64xf32>
    %slice3A_447 = vector.extract_strided_slice %div3A_22 {offsets = [0, 38], sizes = [2000, 1], strides = [1, 1]} : vector<2000x64xf32> to vector<2000x1xf32>
    %mul3A_448 = vector.broadcast %slice3A_447 : vector<2000x1xf32> to vector<2000x64xf32>
    %mul3A_449 = arith.mulf %mul3A_448, %dot_general3A_446 : vector<2000x64xf32>
    %add3A_450 = arith.addf %add3A_439, %mul3A_449 : vector<2000x64xf32>
    %get3A_451 = arith.constant 39 : index
    %get3A_452 = arith.constant 0 : index
    %get3A_453 = arith.constant 0 : index
    %get3A_454 = vector.load %arg3[%get3A_451, %get3A_452, %get3A_453] : memref<64x64x64xf32, #tpu.memory_space<vmem>>, vector<1x64x64xf32>
    %get3A_455 = vector.shape_cast %get3A_454 : vector<1x64x64xf32> to vector<64x64xf32>
    %dot_general3A_456 = arith.constant dense<0.000000e+00> : vector<2000x64xf32>
    %dot_general3A_457 = tpu.matmul %get3A_1, %get3A_455, %dot_general3A_456 {dimension_numbers = #tpu.dot_dimension_numbers<[1], [0], [0], [1], [0, 0, 1, 1], [], []>, transpose_lhs_hint = false} : vector<2000x64xf32>, vector<64x64xf32>, vector<2000x64xf32> -> vector<2000x64xf32>
    %slice3A_458 = vector.extract_strided_slice %div3A_22 {offsets = [0, 39], sizes = [2000, 1], strides = [1, 1]} : vector<2000x64xf32> to vector<2000x1xf32>
    %mul3A_459 = vector.broadcast %slice3A_458 : vector<2000x1xf32> to vector<2000x64xf32>
    %mul3A_460 = arith.mulf %mul3A_459, %dot_general3A_457 : vector<2000x64xf32>
    %add3A_461 = arith.addf %add3A_450, %mul3A_460 : vector<2000x64xf32>
    %get3A_462 = arith.constant 40 : index
    %get3A_463 = arith.constant 0 : index
    %get3A_464 = arith.constant 0 : index
    %get3A_465 = vector.load %arg3[%get3A_462, %get3A_463, %get3A_464] : memref<64x64x64xf32, #tpu.memory_space<vmem>>, vector<1x64x64xf32>
    %get3A_466 = vector.shape_cast %get3A_465 : vector<1x64x64xf32> to vector<64x64xf32>
    %dot_general3A_467 = arith.constant dense<0.000000e+00> : vector<2000x64xf32>
    %dot_general3A_468 = tpu.matmul %get3A_1, %get3A_466, %dot_general3A_467 {dimension_numbers = #tpu.dot_dimension_numbers<[1], [0], [0], [1], [0, 0, 1, 1], [], []>, transpose_lhs_hint = false} : vector<2000x64xf32>, vector<64x64xf32>, vector<2000x64xf32> -> vector<2000x64xf32>
    %slice3A_469 = vector.extract_strided_slice %div3A_22 {offsets = [0, 40], sizes = [2000, 1], strides = [1, 1]} : vector<2000x64xf32> to vector<2000x1xf32>
    %mul3A_470 = vector.broadcast %slice3A_469 : vector<2000x1xf32> to vector<2000x64xf32>
    %mul3A_471 = arith.mulf %mul3A_470, %dot_general3A_468 : vector<2000x64xf32>
    %add3A_472 = arith.addf %add3A_461, %mul3A_471 : vector<2000x64xf32>
    %get3A_473 = arith.constant 41 : index
    %get3A_474 = arith.constant 0 : index
    %get3A_475 = arith.constant 0 : index
    %get3A_476 = vector.load %arg3[%get3A_473, %get3A_474, %get3A_475] : memref<64x64x64xf32, #tpu.memory_space<vmem>>, vector<1x64x64xf32>
    %get3A_477 = vector.shape_cast %get3A_476 : vector<1x64x64xf32> to vector<64x64xf32>
    %dot_general3A_478 = arith.constant dense<0.000000e+00> : vector<2000x64xf32>
    %dot_general3A_479 = tpu.matmul %get3A_1, %get3A_477, %dot_general3A_478 {dimension_numbers = #tpu.dot_dimension_numbers<[1], [0], [0], [1], [0, 0, 1, 1], [], []>, transpose_lhs_hint = false} : vector<2000x64xf32>, vector<64x64xf32>, vector<2000x64xf32> -> vector<2000x64xf32>
    %slice3A_480 = vector.extract_strided_slice %div3A_22 {offsets = [0, 41], sizes = [2000, 1], strides = [1, 1]} : vector<2000x64xf32> to vector<2000x1xf32>
    %mul3A_481 = vector.broadcast %slice3A_480 : vector<2000x1xf32> to vector<2000x64xf32>
    %mul3A_482 = arith.mulf %mul3A_481, %dot_general3A_479 : vector<2000x64xf32>
    %add3A_483 = arith.addf %add3A_472, %mul3A_482 : vector<2000x64xf32>
    %get3A_484 = arith.constant 42 : index
    %get3A_485 = arith.constant 0 : index
    %get3A_486 = arith.constant 0 : index
    %get3A_487 = vector.load %arg3[%get3A_484, %get3A_485, %get3A_486] : memref<64x64x64xf32, #tpu.memory_space<vmem>>, vector<1x64x64xf32>
    %get3A_488 = vector.shape_cast %get3A_487 : vector<1x64x64xf32> to vector<64x64xf32>
    %dot_general3A_489 = arith.constant dense<0.000000e+00> : vector<2000x64xf32>
    %dot_general3A_490 = tpu.matmul %get3A_1, %get3A_488, %dot_general3A_489 {dimension_numbers = #tpu.dot_dimension_numbers<[1], [0], [0], [1], [0, 0, 1, 1], [], []>, transpose_lhs_hint = false} : vector<2000x64xf32>, vector<64x64xf32>, vector<2000x64xf32> -> vector<2000x64xf32>
    %slice3A_491 = vector.extract_strided_slice %div3A_22 {offsets = [0, 42], sizes = [2000, 1], strides = [1, 1]} : vector<2000x64xf32> to vector<2000x1xf32>
    %mul3A_492 = vector.broadcast %slice3A_491 : vector<2000x1xf32> to vector<2000x64xf32>
    %mul3A_493 = arith.mulf %mul3A_492, %dot_general3A_490 : vector<2000x64xf32>
    %add3A_494 = arith.addf %add3A_483, %mul3A_493 : vector<2000x64xf32>
    %get3A_495 = arith.constant 43 : index
    %get3A_496 = arith.constant 0 : index
    %get3A_497 = arith.constant 0 : index
    %get3A_498 = vector.load %arg3[%get3A_495, %get3A_496, %get3A_497] : memref<64x64x64xf32, #tpu.memory_space<vmem>>, vector<1x64x64xf32>
    %get3A_499 = vector.shape_cast %get3A_498 : vector<1x64x64xf32> to vector<64x64xf32>
    %dot_general3A_500 = arith.constant dense<0.000000e+00> : vector<2000x64xf32>
    %dot_general3A_501 = tpu.matmul %get3A_1, %get3A_499, %dot_general3A_500 {dimension_numbers = #tpu.dot_dimension_numbers<[1], [0], [0], [1], [0, 0, 1, 1], [], []>, transpose_lhs_hint = false} : vector<2000x64xf32>, vector<64x64xf32>, vector<2000x64xf32> -> vector<2000x64xf32>
    %slice3A_502 = vector.extract_strided_slice %div3A_22 {offsets = [0, 43], sizes = [2000, 1], strides = [1, 1]} : vector<2000x64xf32> to vector<2000x1xf32>
    %mul3A_503 = vector.broadcast %slice3A_502 : vector<2000x1xf32> to vector<2000x64xf32>
    %mul3A_504 = arith.mulf %mul3A_503, %dot_general3A_501 : vector<2000x64xf32>
    %add3A_505 = arith.addf %add3A_494, %mul3A_504 : vector<2000x64xf32>
    %get3A_506 = arith.constant 44 : index
    %get3A_507 = arith.constant 0 : index
    %get3A_508 = arith.constant 0 : index
    %get3A_509 = vector.load %arg3[%get3A_506, %get3A_507, %get3A_508] : memref<64x64x64xf32, #tpu.memory_space<vmem>>, vector<1x64x64xf32>
    %get3A_510 = vector.shape_cast %get3A_509 : vector<1x64x64xf32> to vector<64x64xf32>
    %dot_general3A_511 = arith.constant dense<0.000000e+00> : vector<2000x64xf32>
    %dot_general3A_512 = tpu.matmul %get3A_1, %get3A_510, %dot_general3A_511 {dimension_numbers = #tpu.dot_dimension_numbers<[1], [0], [0], [1], [0, 0, 1, 1], [], []>, transpose_lhs_hint = false} : vector<2000x64xf32>, vector<64x64xf32>, vector<2000x64xf32> -> vector<2000x64xf32>
    %slice3A_513 = vector.extract_strided_slice %div3A_22 {offsets = [0, 44], sizes = [2000, 1], strides = [1, 1]} : vector<2000x64xf32> to vector<2000x1xf32>
    %mul3A_514 = vector.broadcast %slice3A_513 : vector<2000x1xf32> to vector<2000x64xf32>
    %mul3A_515 = arith.mulf %mul3A_514, %dot_general3A_512 : vector<2000x64xf32>
    %add3A_516 = arith.addf %add3A_505, %mul3A_515 : vector<2000x64xf32>
    %get3A_517 = arith.constant 45 : index
    %get3A_518 = arith.constant 0 : index
    %get3A_519 = arith.constant 0 : index
    %get3A_520 = vector.load %arg3[%get3A_517, %get3A_518, %get3A_519] : memref<64x64x64xf32, #tpu.memory_space<vmem>>, vector<1x64x64xf32>
    %get3A_521 = vector.shape_cast %get3A_520 : vector<1x64x64xf32> to vector<64x64xf32>
    %dot_general3A_522 = arith.constant dense<0.000000e+00> : vector<2000x64xf32>
    %dot_general3A_523 = tpu.matmul %get3A_1, %get3A_521, %dot_general3A_522 {dimension_numbers = #tpu.dot_dimension_numbers<[1], [0], [0], [1], [0, 0, 1, 1], [], []>, transpose_lhs_hint = false} : vector<2000x64xf32>, vector<64x64xf32>, vector<2000x64xf32> -> vector<2000x64xf32>
    %slice3A_524 = vector.extract_strided_slice %div3A_22 {offsets = [0, 45], sizes = [2000, 1], strides = [1, 1]} : vector<2000x64xf32> to vector<2000x1xf32>
    %mul3A_525 = vector.broadcast %slice3A_524 : vector<2000x1xf32> to vector<2000x64xf32>
    %mul3A_526 = arith.mulf %mul3A_525, %dot_general3A_523 : vector<2000x64xf32>
    %add3A_527 = arith.addf %add3A_516, %mul3A_526 : vector<2000x64xf32>
    %get3A_528 = arith.constant 46 : index
    %get3A_529 = arith.constant 0 : index
    %get3A_530 = arith.constant 0 : index
    %get3A_531 = vector.load %arg3[%get3A_528, %get3A_529, %get3A_530] : memref<64x64x64xf32, #tpu.memory_space<vmem>>, vector<1x64x64xf32>
    %get3A_532 = vector.shape_cast %get3A_531 : vector<1x64x64xf32> to vector<64x64xf32>
    %dot_general3A_533 = arith.constant dense<0.000000e+00> : vector<2000x64xf32>
    %dot_general3A_534 = tpu.matmul %get3A_1, %get3A_532, %dot_general3A_533 {dimension_numbers = #tpu.dot_dimension_numbers<[1], [0], [0], [1], [0, 0, 1, 1], [], []>, transpose_lhs_hint = false} : vector<2000x64xf32>, vector<64x64xf32>, vector<2000x64xf32> -> vector<2000x64xf32>
    %slice3A_535 = vector.extract_strided_slice %div3A_22 {offsets = [0, 46], sizes = [2000, 1], strides = [1, 1]} : vector<2000x64xf32> to vector<2000x1xf32>
    %mul3A_536 = vector.broadcast %slice3A_535 : vector<2000x1xf32> to vector<2000x64xf32>
    %mul3A_537 = arith.mulf %mul3A_536, %dot_general3A_534 : vector<2000x64xf32>
    %add3A_538 = arith.addf %add3A_527, %mul3A_537 : vector<2000x64xf32>
    %get3A_539 = arith.constant 47 : index
    %get3A_540 = arith.constant 0 : index
    %get3A_541 = arith.constant 0 : index
    %get3A_542 = vector.load %arg3[%get3A_539, %get3A_540, %get3A_541] : memref<64x64x64xf32, #tpu.memory_space<vmem>>, vector<1x64x64xf32>
    %get3A_543 = vector.shape_cast %get3A_542 : vector<1x64x64xf32> to vector<64x64xf32>
    %dot_general3A_544 = arith.constant dense<0.000000e+00> : vector<2000x64xf32>
    %dot_general3A_545 = tpu.matmul %get3A_1, %get3A_543, %dot_general3A_544 {dimension_numbers = #tpu.dot_dimension_numbers<[1], [0], [0], [1], [0, 0, 1, 1], [], []>, transpose_lhs_hint = false} : vector<2000x64xf32>, vector<64x64xf32>, vector<2000x64xf32> -> vector<2000x64xf32>
    %slice3A_546 = vector.extract_strided_slice %div3A_22 {offsets = [0, 47], sizes = [2000, 1], strides = [1, 1]} : vector<2000x64xf32> to vector<2000x1xf32>
    %mul3A_547 = vector.broadcast %slice3A_546 : vector<2000x1xf32> to vector<2000x64xf32>
    %mul3A_548 = arith.mulf %mul3A_547, %dot_general3A_545 : vector<2000x64xf32>
    %add3A_549 = arith.addf %add3A_538, %mul3A_548 : vector<2000x64xf32>
    %get3A_550 = arith.constant 48 : index
    %get3A_551 = arith.constant 0 : index
    %get3A_552 = arith.constant 0 : index
    %get3A_553 = vector.load %arg3[%get3A_550, %get3A_551, %get3A_552] : memref<64x64x64xf32, #tpu.memory_space<vmem>>, vector<1x64x64xf32>
    %get3A_554 = vector.shape_cast %get3A_553 : vector<1x64x64xf32> to vector<64x64xf32>
    %dot_general3A_555 = arith.constant dense<0.000000e+00> : vector<2000x64xf32>
    %dot_general3A_556 = tpu.matmul %get3A_1, %get3A_554, %dot_general3A_555 {dimension_numbers = #tpu.dot_dimension_numbers<[1], [0], [0], [1], [0, 0, 1, 1], [], []>, transpose_lhs_hint = false} : vector<2000x64xf32>, vector<64x64xf32>, vector<2000x64xf32> -> vector<2000x64xf32>
    %slice3A_557 = vector.extract_strided_slice %div3A_22 {offsets = [0, 48], sizes = [2000, 1], strides = [1, 1]} : vector<2000x64xf32> to vector<2000x1xf32>
    %mul3A_558 = vector.broadcast %slice3A_557 : vector<2000x1xf32> to vector<2000x64xf32>
    %mul3A_559 = arith.mulf %mul3A_558, %dot_general3A_556 : vector<2000x64xf32>
    %add3A_560 = arith.addf %add3A_549, %mul3A_559 : vector<2000x64xf32>
    %get3A_561 = arith.constant 49 : index
    %get3A_562 = arith.constant 0 : index
    %get3A_563 = arith.constant 0 : index
    %get3A_564 = vector.load %arg3[%get3A_561, %get3A_562, %get3A_563] : memref<64x64x64xf32, #tpu.memory_space<vmem>>, vector<1x64x64xf32>
    %get3A_565 = vector.shape_cast %get3A_564 : vector<1x64x64xf32> to vector<64x64xf32>
    %dot_general3A_566 = arith.constant dense<0.000000e+00> : vector<2000x64xf32>
    %dot_general3A_567 = tpu.matmul %get3A_1, %get3A_565, %dot_general3A_566 {dimension_numbers = #tpu.dot_dimension_numbers<[1], [0], [0], [1], [0, 0, 1, 1], [], []>, transpose_lhs_hint = false} : vector<2000x64xf32>, vector<64x64xf32>, vector<2000x64xf32> -> vector<2000x64xf32>
    %slice3A_568 = vector.extract_strided_slice %div3A_22 {offsets = [0, 49], sizes = [2000, 1], strides = [1, 1]} : vector<2000x64xf32> to vector<2000x1xf32>
    %mul3A_569 = vector.broadcast %slice3A_568 : vector<2000x1xf32> to vector<2000x64xf32>
    %mul3A_570 = arith.mulf %mul3A_569, %dot_general3A_567 : vector<2000x64xf32>
    %add3A_571 = arith.addf %add3A_560, %mul3A_570 : vector<2000x64xf32>
    %get3A_572 = arith.constant 50 : index
    %get3A_573 = arith.constant 0 : index
    %get3A_574 = arith.constant 0 : index
    %get3A_575 = vector.load %arg3[%get3A_572, %get3A_573, %get3A_574] : memref<64x64x64xf32, #tpu.memory_space<vmem>>, vector<1x64x64xf32>
    %get3A_576 = vector.shape_cast %get3A_575 : vector<1x64x64xf32> to vector<64x64xf32>
    %dot_general3A_577 = arith.constant dense<0.000000e+00> : vector<2000x64xf32>
    %dot_general3A_578 = tpu.matmul %get3A_1, %get3A_576, %dot_general3A_577 {dimension_numbers = #tpu.dot_dimension_numbers<[1], [0], [0], [1], [0, 0, 1, 1], [], []>, transpose_lhs_hint = false} : vector<2000x64xf32>, vector<64x64xf32>, vector<2000x64xf32> -> vector<2000x64xf32>
    %slice3A_579 = vector.extract_strided_slice %div3A_22 {offsets = [0, 50], sizes = [2000, 1], strides = [1, 1]} : vector<2000x64xf32> to vector<2000x1xf32>
    %mul3A_580 = vector.broadcast %slice3A_579 : vector<2000x1xf32> to vector<2000x64xf32>
    %mul3A_581 = arith.mulf %mul3A_580, %dot_general3A_578 : vector<2000x64xf32>
    %add3A_582 = arith.addf %add3A_571, %mul3A_581 : vector<2000x64xf32>
    %get3A_583 = arith.constant 51 : index
    %get3A_584 = arith.constant 0 : index
    %get3A_585 = arith.constant 0 : index
    %get3A_586 = vector.load %arg3[%get3A_583, %get3A_584, %get3A_585] : memref<64x64x64xf32, #tpu.memory_space<vmem>>, vector<1x64x64xf32>
    %get3A_587 = vector.shape_cast %get3A_586 : vector<1x64x64xf32> to vector<64x64xf32>
    %dot_general3A_588 = arith.constant dense<0.000000e+00> : vector<2000x64xf32>
    %dot_general3A_589 = tpu.matmul %get3A_1, %get3A_587, %dot_general3A_588 {dimension_numbers = #tpu.dot_dimension_numbers<[1], [0], [0], [1], [0, 0, 1, 1], [], []>, transpose_lhs_hint = false} : vector<2000x64xf32>, vector<64x64xf32>, vector<2000x64xf32> -> vector<2000x64xf32>
    %slice3A_590 = vector.extract_strided_slice %div3A_22 {offsets = [0, 51], sizes = [2000, 1], strides = [1, 1]} : vector<2000x64xf32> to vector<2000x1xf32>
    %mul3A_591 = vector.broadcast %slice3A_590 : vector<2000x1xf32> to vector<2000x64xf32>
    %mul3A_592 = arith.mulf %mul3A_591, %dot_general3A_589 : vector<2000x64xf32>
    %add3A_593 = arith.addf %add3A_582, %mul3A_592 : vector<2000x64xf32>
    %get3A_594 = arith.constant 52 : index
    %get3A_595 = arith.constant 0 : index
    %get3A_596 = arith.constant 0 : index
    %get3A_597 = vector.load %arg3[%get3A_594, %get3A_595, %get3A_596] : memref<64x64x64xf32, #tpu.memory_space<vmem>>, vector<1x64x64xf32>
    %get3A_598 = vector.shape_cast %get3A_597 : vector<1x64x64xf32> to vector<64x64xf32>
    %dot_general3A_599 = arith.constant dense<0.000000e+00> : vector<2000x64xf32>
    %dot_general3A_600 = tpu.matmul %get3A_1, %get3A_598, %dot_general3A_599 {dimension_numbers = #tpu.dot_dimension_numbers<[1], [0], [0], [1], [0, 0, 1, 1], [], []>, transpose_lhs_hint = false} : vector<2000x64xf32>, vector<64x64xf32>, vector<2000x64xf32> -> vector<2000x64xf32>
    %slice3A_601 = vector.extract_strided_slice %div3A_22 {offsets = [0, 52], sizes = [2000, 1], strides = [1, 1]} : vector<2000x64xf32> to vector<2000x1xf32>
    %mul3A_602 = vector.broadcast %slice3A_601 : vector<2000x1xf32> to vector<2000x64xf32>
    %mul3A_603 = arith.mulf %mul3A_602, %dot_general3A_600 : vector<2000x64xf32>
    %add3A_604 = arith.addf %add3A_593, %mul3A_603 : vector<2000x64xf32>
    %get3A_605 = arith.constant 53 : index
    %get3A_606 = arith.constant 0 : index
    %get3A_607 = arith.constant 0 : index
    %get3A_608 = vector.load %arg3[%get3A_605, %get3A_606, %get3A_607] : memref<64x64x64xf32, #tpu.memory_space<vmem>>, vector<1x64x64xf32>
    %get3A_609 = vector.shape_cast %get3A_608 : vector<1x64x64xf32> to vector<64x64xf32>
    %dot_general3A_610 = arith.constant dense<0.000000e+00> : vector<2000x64xf32>
    %dot_general3A_611 = tpu.matmul %get3A_1, %get3A_609, %dot_general3A_610 {dimension_numbers = #tpu.dot_dimension_numbers<[1], [0], [0], [1], [0, 0, 1, 1], [], []>, transpose_lhs_hint = false} : vector<2000x64xf32>, vector<64x64xf32>, vector<2000x64xf32> -> vector<2000x64xf32>
    %slice3A_612 = vector.extract_strided_slice %div3A_22 {offsets = [0, 53], sizes = [2000, 1], strides = [1, 1]} : vector<2000x64xf32> to vector<2000x1xf32>
    %mul3A_613 = vector.broadcast %slice3A_612 : vector<2000x1xf32> to vector<2000x64xf32>
    %mul3A_614 = arith.mulf %mul3A_613, %dot_general3A_611 : vector<2000x64xf32>
    %add3A_615 = arith.addf %add3A_604, %mul3A_614 : vector<2000x64xf32>
    %get3A_616 = arith.constant 54 : index
    %get3A_617 = arith.constant 0 : index
    %get3A_618 = arith.constant 0 : index
    %get3A_619 = vector.load %arg3[%get3A_616, %get3A_617, %get3A_618] : memref<64x64x64xf32, #tpu.memory_space<vmem>>, vector<1x64x64xf32>
    %get3A_620 = vector.shape_cast %get3A_619 : vector<1x64x64xf32> to vector<64x64xf32>
    %dot_general3A_621 = arith.constant dense<0.000000e+00> : vector<2000x64xf32>
    %dot_general3A_622 = tpu.matmul %get3A_1, %get3A_620, %dot_general3A_621 {dimension_numbers = #tpu.dot_dimension_numbers<[1], [0], [0], [1], [0, 0, 1, 1], [], []>, transpose_lhs_hint = false} : vector<2000x64xf32>, vector<64x64xf32>, vector<2000x64xf32> -> vector<2000x64xf32>
    %slice3A_623 = vector.extract_strided_slice %div3A_22 {offsets = [0, 54], sizes = [2000, 1], strides = [1, 1]} : vector<2000x64xf32> to vector<2000x1xf32>
    %mul3A_624 = vector.broadcast %slice3A_623 : vector<2000x1xf32> to vector<2000x64xf32>
    %mul3A_625 = arith.mulf %mul3A_624, %dot_general3A_622 : vector<2000x64xf32>
    %add3A_626 = arith.addf %add3A_615, %mul3A_625 : vector<2000x64xf32>
    %get3A_627 = arith.constant 55 : index
    %get3A_628 = arith.constant 0 : index
    %get3A_629 = arith.constant 0 : index
    %get3A_630 = vector.load %arg3[%get3A_627, %get3A_628, %get3A_629] : memref<64x64x64xf32, #tpu.memory_space<vmem>>, vector<1x64x64xf32>
    %get3A_631 = vector.shape_cast %get3A_630 : vector<1x64x64xf32> to vector<64x64xf32>
    %dot_general3A_632 = arith.constant dense<0.000000e+00> : vector<2000x64xf32>
    %dot_general3A_633 = tpu.matmul %get3A_1, %get3A_631, %dot_general3A_632 {dimension_numbers = #tpu.dot_dimension_numbers<[1], [0], [0], [1], [0, 0, 1, 1], [], []>, transpose_lhs_hint = false} : vector<2000x64xf32>, vector<64x64xf32>, vector<2000x64xf32> -> vector<2000x64xf32>
    %slice3A_634 = vector.extract_strided_slice %div3A_22 {offsets = [0, 55], sizes = [2000, 1], strides = [1, 1]} : vector<2000x64xf32> to vector<2000x1xf32>
    %mul3A_635 = vector.broadcast %slice3A_634 : vector<2000x1xf32> to vector<2000x64xf32>
    %mul3A_636 = arith.mulf %mul3A_635, %dot_general3A_633 : vector<2000x64xf32>
    %add3A_637 = arith.addf %add3A_626, %mul3A_636 : vector<2000x64xf32>
    %get3A_638 = arith.constant 56 : index
    %get3A_639 = arith.constant 0 : index
    %get3A_640 = arith.constant 0 : index
    %get3A_641 = vector.load %arg3[%get3A_638, %get3A_639, %get3A_640] : memref<64x64x64xf32, #tpu.memory_space<vmem>>, vector<1x64x64xf32>
    %get3A_642 = vector.shape_cast %get3A_641 : vector<1x64x64xf32> to vector<64x64xf32>
    %dot_general3A_643 = arith.constant dense<0.000000e+00> : vector<2000x64xf32>
    %dot_general3A_644 = tpu.matmul %get3A_1, %get3A_642, %dot_general3A_643 {dimension_numbers = #tpu.dot_dimension_numbers<[1], [0], [0], [1], [0, 0, 1, 1], [], []>, transpose_lhs_hint = false} : vector<2000x64xf32>, vector<64x64xf32>, vector<2000x64xf32> -> vector<2000x64xf32>
    %slice3A_645 = vector.extract_strided_slice %div3A_22 {offsets = [0, 56], sizes = [2000, 1], strides = [1, 1]} : vector<2000x64xf32> to vector<2000x1xf32>
    %mul3A_646 = vector.broadcast %slice3A_645 : vector<2000x1xf32> to vector<2000x64xf32>
    %mul3A_647 = arith.mulf %mul3A_646, %dot_general3A_644 : vector<2000x64xf32>
    %add3A_648 = arith.addf %add3A_637, %mul3A_647 : vector<2000x64xf32>
    %get3A_649 = arith.constant 57 : index
    %get3A_650 = arith.constant 0 : index
    %get3A_651 = arith.constant 0 : index
    %get3A_652 = vector.load %arg3[%get3A_649, %get3A_650, %get3A_651] : memref<64x64x64xf32, #tpu.memory_space<vmem>>, vector<1x64x64xf32>
    %get3A_653 = vector.shape_cast %get3A_652 : vector<1x64x64xf32> to vector<64x64xf32>
    %dot_general3A_654 = arith.constant dense<0.000000e+00> : vector<2000x64xf32>
    %dot_general3A_655 = tpu.matmul %get3A_1, %get3A_653, %dot_general3A_654 {dimension_numbers = #tpu.dot_dimension_numbers<[1], [0], [0], [1], [0, 0, 1, 1], [], []>, transpose_lhs_hint = false} : vector<2000x64xf32>, vector<64x64xf32>, vector<2000x64xf32> -> vector<2000x64xf32>
    %slice3A_656 = vector.extract_strided_slice %div3A_22 {offsets = [0, 57], sizes = [2000, 1], strides = [1, 1]} : vector<2000x64xf32> to vector<2000x1xf32>
    %mul3A_657 = vector.broadcast %slice3A_656 : vector<2000x1xf32> to vector<2000x64xf32>
    %mul3A_658 = arith.mulf %mul3A_657, %dot_general3A_655 : vector<2000x64xf32>
    %add3A_659 = arith.addf %add3A_648, %mul3A_658 : vector<2000x64xf32>
    %get3A_660 = arith.constant 58 : index
    %get3A_661 = arith.constant 0 : index
    %get3A_662 = arith.constant 0 : index
    %get3A_663 = vector.load %arg3[%get3A_660, %get3A_661, %get3A_662] : memref<64x64x64xf32, #tpu.memory_space<vmem>>, vector<1x64x64xf32>
    %get3A_664 = vector.shape_cast %get3A_663 : vector<1x64x64xf32> to vector<64x64xf32>
    %dot_general3A_665 = arith.constant dense<0.000000e+00> : vector<2000x64xf32>
    %dot_general3A_666 = tpu.matmul %get3A_1, %get3A_664, %dot_general3A_665 {dimension_numbers = #tpu.dot_dimension_numbers<[1], [0], [0], [1], [0, 0, 1, 1], [], []>, transpose_lhs_hint = false} : vector<2000x64xf32>, vector<64x64xf32>, vector<2000x64xf32> -> vector<2000x64xf32>
    %slice3A_667 = vector.extract_strided_slice %div3A_22 {offsets = [0, 58], sizes = [2000, 1], strides = [1, 1]} : vector<2000x64xf32> to vector<2000x1xf32>
    %mul3A_668 = vector.broadcast %slice3A_667 : vector<2000x1xf32> to vector<2000x64xf32>
    %mul3A_669 = arith.mulf %mul3A_668, %dot_general3A_666 : vector<2000x64xf32>
    %add3A_670 = arith.addf %add3A_659, %mul3A_669 : vector<2000x64xf32>
    %get3A_671 = arith.constant 59 : index
    %get3A_672 = arith.constant 0 : index
    %get3A_673 = arith.constant 0 : index
    %get3A_674 = vector.load %arg3[%get3A_671, %get3A_672, %get3A_673] : memref<64x64x64xf32, #tpu.memory_space<vmem>>, vector<1x64x64xf32>
    %get3A_675 = vector.shape_cast %get3A_674 : vector<1x64x64xf32> to vector<64x64xf32>
    %dot_general3A_676 = arith.constant dense<0.000000e+00> : vector<2000x64xf32>
    %dot_general3A_677 = tpu.matmul %get3A_1, %get3A_675, %dot_general3A_676 {dimension_numbers = #tpu.dot_dimension_numbers<[1], [0], [0], [1], [0, 0, 1, 1], [], []>, transpose_lhs_hint = false} : vector<2000x64xf32>, vector<64x64xf32>, vector<2000x64xf32> -> vector<2000x64xf32>
    %slice3A_678 = vector.extract_strided_slice %div3A_22 {offsets = [0, 59], sizes = [2000, 1], strides = [1, 1]} : vector<2000x64xf32> to vector<2000x1xf32>
    %mul3A_679 = vector.broadcast %slice3A_678 : vector<2000x1xf32> to vector<2000x64xf32>
    %mul3A_680 = arith.mulf %mul3A_679, %dot_general3A_677 : vector<2000x64xf32>
    %add3A_681 = arith.addf %add3A_670, %mul3A_680 : vector<2000x64xf32>
    %get3A_682 = arith.constant 60 : index
    %get3A_683 = arith.constant 0 : index
    %get3A_684 = arith.constant 0 : index
    %get3A_685 = vector.load %arg3[%get3A_682, %get3A_683, %get3A_684] : memref<64x64x64xf32, #tpu.memory_space<vmem>>, vector<1x64x64xf32>
    %get3A_686 = vector.shape_cast %get3A_685 : vector<1x64x64xf32> to vector<64x64xf32>
    %dot_general3A_687 = arith.constant dense<0.000000e+00> : vector<2000x64xf32>
    %dot_general3A_688 = tpu.matmul %get3A_1, %get3A_686, %dot_general3A_687 {dimension_numbers = #tpu.dot_dimension_numbers<[1], [0], [0], [1], [0, 0, 1, 1], [], []>, transpose_lhs_hint = false} : vector<2000x64xf32>, vector<64x64xf32>, vector<2000x64xf32> -> vector<2000x64xf32>
    %slice3A_689 = vector.extract_strided_slice %div3A_22 {offsets = [0, 60], sizes = [2000, 1], strides = [1, 1]} : vector<2000x64xf32> to vector<2000x1xf32>
    %mul3A_690 = vector.broadcast %slice3A_689 : vector<2000x1xf32> to vector<2000x64xf32>
    %mul3A_691 = arith.mulf %mul3A_690, %dot_general3A_688 : vector<2000x64xf32>
    %add3A_692 = arith.addf %add3A_681, %mul3A_691 : vector<2000x64xf32>
    %get3A_693 = arith.constant 61 : index
    %get3A_694 = arith.constant 0 : index
    %get3A_695 = arith.constant 0 : index
    %get3A_696 = vector.load %arg3[%get3A_693, %get3A_694, %get3A_695] : memref<64x64x64xf32, #tpu.memory_space<vmem>>, vector<1x64x64xf32>
    %get3A_697 = vector.shape_cast %get3A_696 : vector<1x64x64xf32> to vector<64x64xf32>
    %dot_general3A_698 = arith.constant dense<0.000000e+00> : vector<2000x64xf32>
    %dot_general3A_699 = tpu.matmul %get3A_1, %get3A_697, %dot_general3A_698 {dimension_numbers = #tpu.dot_dimension_numbers<[1], [0], [0], [1], [0, 0, 1, 1], [], []>, transpose_lhs_hint = false} : vector<2000x64xf32>, vector<64x64xf32>, vector<2000x64xf32> -> vector<2000x64xf32>
    %slice3A_700 = vector.extract_strided_slice %div3A_22 {offsets = [0, 61], sizes = [2000, 1], strides = [1, 1]} : vector<2000x64xf32> to vector<2000x1xf32>
    %mul3A_701 = vector.broadcast %slice3A_700 : vector<2000x1xf32> to vector<2000x64xf32>
    %mul3A_702 = arith.mulf %mul3A_701, %dot_general3A_699 : vector<2000x64xf32>
    %add3A_703 = arith.addf %add3A_692, %mul3A_702 : vector<2000x64xf32>
    %get3A_704 = arith.constant 62 : index
    %get3A_705 = arith.constant 0 : index
    %get3A_706 = arith.constant 0 : index
    %get3A_707 = vector.load %arg3[%get3A_704, %get3A_705, %get3A_706] : memref<64x64x64xf32, #tpu.memory_space<vmem>>, vector<1x64x64xf32>
    %get3A_708 = vector.shape_cast %get3A_707 : vector<1x64x64xf32> to vector<64x64xf32>
    %dot_general3A_709 = arith.constant dense<0.000000e+00> : vector<2000x64xf32>
    %dot_general3A_710 = tpu.matmul %get3A_1, %get3A_708, %dot_general3A_709 {dimension_numbers = #tpu.dot_dimension_numbers<[1], [0], [0], [1], [0, 0, 1, 1], [], []>, transpose_lhs_hint = false} : vector<2000x64xf32>, vector<64x64xf32>, vector<2000x64xf32> -> vector<2000x64xf32>
    %slice3A_711 = vector.extract_strided_slice %div3A_22 {offsets = [0, 62], sizes = [2000, 1], strides = [1, 1]} : vector<2000x64xf32> to vector<2000x1xf32>
    %mul3A_712 = vector.broadcast %slice3A_711 : vector<2000x1xf32> to vector<2000x64xf32>
    %mul3A_713 = arith.mulf %mul3A_712, %dot_general3A_710 : vector<2000x64xf32>
    %add3A_714 = arith.addf %add3A_703, %mul3A_713 : vector<2000x64xf32>
    %get3A_715 = arith.constant 63 : index
    %get3A_716 = arith.constant 0 : index
    %get3A_717 = arith.constant 0 : index
    %get3A_718 = vector.load %arg3[%get3A_715, %get3A_716, %get3A_717] : memref<64x64x64xf32, #tpu.memory_space<vmem>>, vector<1x64x64xf32>
    %get3A_719 = vector.shape_cast %get3A_718 : vector<1x64x64xf32> to vector<64x64xf32>
    %dot_general3A_720 = arith.constant dense<0.000000e+00> : vector<2000x64xf32>
    %dot_general3A_721 = tpu.matmul %get3A_1, %get3A_719, %dot_general3A_720 {dimension_numbers = #tpu.dot_dimension_numbers<[1], [0], [0], [1], [0, 0, 1, 1], [], []>, transpose_lhs_hint = false} : vector<2000x64xf32>, vector<64x64xf32>, vector<2000x64xf32> -> vector<2000x64xf32>
    %slice3A_722 = vector.extract_strided_slice %div3A_22 {offsets = [0, 63], sizes = [2000, 1], strides = [1, 1]} : vector<2000x64xf32> to vector<2000x1xf32>
    %mul3A_723 = vector.broadcast %slice3A_722 : vector<2000x1xf32> to vector<2000x64xf32>
    %mul3A_724 = arith.mulf %mul3A_723, %dot_general3A_721 : vector<2000x64xf32>
    %add3A_725 = arith.addf %add3A_714, %mul3A_724 : vector<2000x64xf32>
    %swap3A = arith.constant 0 : index
    %swap3A_726 = arith.constant 0 : index
    %swap3A_727 = vector.load %arg5[%swap3A, %swap3A_726] : memref<2000x64xf32, #tpu.memory_space<vmem>>, vector<2000x64xf32>
    tpu.vector_store %arg5[%swap3A, %swap3A_726], %add3A_725 {strides = array<i32>} : memref<2000x64xf32, #tpu.memory_space<vmem>>, vector<2000x64xf32>,
    return
  }
  func.func @transform_0(%arg0: i32) -> (i32, i32) {
    %c0_i32 = arith.constant 0 : i32
    %c0_i32_0 = arith.constant 0 : i32
    return %arg0, %c0_i32 : i32, i32
  }
  func.func @transform_1(%arg0: i32) -> (i32, i32, i32) {
    %c0_i32 = arith.constant 0 : i32
    %c0_i32_0 = arith.constant 0 : i32
    %c0_i32_1 = arith.constant 0 : i32
    return %c0_i32, %arg0, %c0_i32_0 : i32, i32, i32
  }
  func.func @transform_2(%arg0: i32) -> (i32, i32, i32) {
    %c0_i32 = arith.constant 0 : i32
    %c0_i32_0 = arith.constant 0 : i32
    %c0_i32_1 = arith.constant 0 : i32
    %c0_i32_2 = arith.constant 0 : i32
    return %c0_i32, %c0_i32_0, %c0_i32_1 : i32, i32, i32
  }
  func.func @transform_3(%arg0: i32) -> (i32, i32) {
    %c0_i32 = arith.constant 0 : i32
    %c0_i32_0 = arith.constant 0 : i32
    %c0_i32_1 = arith.constant 0 : i32
    return %c0_i32, %c0_i32_0 : i32, i32
  }
  func.func @transform_4(%arg0: i32) -> (i32, i32) {
    %c0_i32 = arith.constant 0 : i32
    %c0_i32_0 = arith.constant 0 : i32
    return %arg0, %c0_i32 : i32, i32
  }
}

module attributes {stable_mosaic.version = 14 : i64} {
  func.func @_final_body(%arg0: memref<10000x64xf32, #tpu.memory_space<vmem>>, %arg1: memref<1x10000xi32, #tpu.memory_space<vmem>>, %arg2: memref<64x128xf32, #tpu.memory_space<vmem>>, %arg3: memref<16x128xf32, #tpu.memory_space<vmem>>) attributes {dimension_semantics = [], scalar_prefetch = 0 : i64, scratch_operands = 0 : i64, tpu.core_type = #tpu.core_type<tc>} {
    %get3A = arith.constant 0 : index
    %get3A_0 = arith.constant 0 : index
    %get3A_1 = vector.load %arg0[%get3A, %get3A_0] : memref<10000x64xf32, #tpu.memory_space<vmem>>, vector<10000x64xf32>
    %get3A_2 = arith.constant 0 : index
    %get3A_3 = arith.constant 0 : index
    %get3A_4 = vector.load %arg1[%get3A_2, %get3A_3] : memref<1x10000xi32, #tpu.memory_space<vmem>>, vector<1x10000xi32>
    %iota3A = tpu.iota {dimensions = array<i32: 0>} : vector<16x10000xi32>
    %eq3A = vector.broadcast %get3A_4 : vector<1x10000xi32> to vector<16x10000xi32>
    %eq3A_5 = arith.cmpi eq, %eq3A, %iota3A : vector<16x10000xi32>
    %convert_element_type3A = arith.extui %eq3A_5 : vector<16x10000xi1> to vector<16x10000xi32>
    %convert_element_type3A_6 = arith.sitofp %convert_element_type3A : vector<16x10000xi32> to vector<16x10000xf32>
    %dot_general3A = arith.constant dense<0.000000e+00> : vector<16x64xf32>
    %dot_general3A_7 = tpu.matmul %convert_element_type3A_6, %get3A_1, %dot_general3A {dimension_numbers = #tpu.dot_dimension_numbers<[1], [0], [0], [1], [0, 0, 1, 1], [], []>, transpose_lhs_hint = false} : vector<16x10000xf32>, vector<10000x64xf32>, vector<16x64xf32> -> vector<16x64xf32>
    %reduce_sum3A = arith.constant dense<0.000000e+00> : vector<16xf32>
    %reduce_sum3A_8 = vector.multi_reduction <add>, %convert_element_type3A_6, %reduce_sum3A [1] : vector<16x10000xf32> to vector<16xf32>
    %broadcast_in_dim3A = vector.shape_cast %reduce_sum3A_8 : vector<16xf32> to vector<16x1xf32>
    %max3A = arith.constant 1.000000e+00 : f32
    %max3A_9 = vector.broadcast %max3A : f32 to vector<16x1xf32>
    %max3A_10 = arith.maximumf %broadcast_in_dim3A, %max3A_9 : vector<16x1xf32>
    %div3A = vector.broadcast %max3A_10 : vector<16x1xf32> to vector<16x64xf32>
    %div3A_11 = arith.divf %dot_general3A_7, %div3A : vector<16x64xf32>
    %get3A_12 = arith.constant 0 : index
    %get3A_13 = arith.constant 0 : index
    %get3A_14 = vector.load %arg2[%get3A_12, %get3A_13] : memref<64x128xf32, #tpu.memory_space<vmem>>, vector<64x128xf32>
    %dot_general3A_15 = arith.constant dense<0.000000e+00> : vector<16x128xf32>
    %dot_general3A_16 = tpu.matmul %div3A_11, %get3A_14, %dot_general3A_15 {dimension_numbers = #tpu.dot_dimension_numbers<[1], [0], [0], [1], [0, 0, 1, 1], [], []>, transpose_lhs_hint = false} : vector<16x64xf32>, vector<64x128xf32>, vector<16x128xf32> -> vector<16x128xf32>
    %div3A_17 = arith.constant 8.000000e+00 : f32
    %div3A_18 = vector.broadcast %div3A_17 : f32 to vector<16x128xf32>
    %div3A_19 = arith.divf %dot_general3A_16, %div3A_18 : vector<16x128xf32>
    %swap3A = arith.constant 0 : index
    %swap3A_20 = arith.constant 0 : index
    %swap3A_21 = vector.load %arg3[%swap3A, %swap3A_20] : memref<16x128xf32, #tpu.memory_space<vmem>>, vector<16x128xf32>
    tpu.vector_store %arg3[%swap3A, %swap3A_20], %div3A_19 {strides = array<i32>} : memref<16x128xf32, #tpu.memory_space<vmem>>, vector<16x128xf32>,
    return
  }
}

</mosaic_0001>

<sc_bundles>
// kernel: kernel.12.cloned.1.call-start
scs
__scs_entry_jumppad:
0x0: {  	(pc) =	sbr.rel $0x88, $3  }
0x1: {  	(tag) =	ssettag $0x0;
	lr =	simm.s32 $0x1  }
0x2: {  	[smem:$0x3F93] =	sst lr;
	_ =	strace $0xD0000000  }
0x3: {  	_ = 	snop  }
0x4: {  	_ = 	snop  }
0x5: {  	_ = 	snop  }
0x6: {  	_ = 	snop  }
0x7: {  	_ = 	snop  }
__scs_overlays_trampoline_lowered:
0x8: {  	[smem:$0x3FA2] =	sst s0  }
0x9: {  	[smem:$0x3FA3] =	sst s1  }
0xa: {  	[smem:$0x3FA4] =	sst s2  }
0xb: {  	[smem:$0x3FA5] =	sst s3  }
0xc: {  	[smem:$0x3FA6] =	sst s4  }
0xd: {  	[smem:$0x3FA7] =	sst s5  }
0xe: {  	[smem:$0x3FA8] =	sst s6  }
0xf: {  	[smem:$0x3FA9] =	sst s7  }
0x10: {  	[smem:$0x3FAA] =	sst s8  }
0x11: {  	[smem:$0x3FAB] =	sst s9;
	s0 =	simm.s32 @!p0 $0x0  }
0x12: {  	s1 =	sld [smem:$0x3F91];
	s0 =	simm.s32 @p0 $0x1  }
0x13: {  	[smem:$0x3FAC] =	sst s0;
	s0 =	simm.s32 @!p1 $0x0  }
0x14: {  	s2 =	sld [smem:$0x3F90];
	s0 =	simm.s32 @p1 $0x1  }
0x15: {  	[smem:$0x3FAD] =	sst s0;
	s0 =	simm.s32 @!p2 $0x0  }
0x16: {  	s3 =	sld [smem:$0x3FDB];
	s0 =	simm.s32 @p2 $0x1  }
0x17: {  	s4 =	simm.s32 $0x1BF5;
	[smem:$0x3FAF] =	sst s0  }
0x18: {  	s0 =	sld [smem:$0x3F92];
	_ =	swait.ge [sflag:s4], $0x0  }
0x19: {  	s7 =	sld [smem:$0x3F93]  }
0x1a: {  	s8 =	sadd.s32 $0xFFFFE003, lr  }
0x1b: {  	s9 =	sadd.s32 $0xFFFFFEF7, lr;
	s5 =	simm.s32 $0xFFFFFFFF;
	p2 =	slt.u32 s8, $0xFFFFF086  }
0x1c: {  	p1 =	slt.u32 s9, $0xF7A;
	s5 =	simm.s32 @!p2 $0x0  }
0x1d: {  	s5 =	simm.s32 @p1 $0x1;
	p0 =	seq.s32 s7, s2  }
0x1e: {  	s7 =	smul.u32 @!p0 $0xF7A, s2;
	p2 =	seq.s32 @!p0 s5, $0x0  }
0x1f: {  	s9 =	smul.u32 $0xF7A, s1;
	s8 =	simm.s32 @!p0 $0x1BF5;
	p2 =	por !p2, p0  }
0x20: {  	[sflag:s8] =	ssyncset.s32 @!p0 $0xFFFFF086;
	s6 =	sadd.s32 @!p0 s3, s7;
	s7 =	simm.s32 @!p0 $0x108  }
0x21: {  	s3 =	sadd.s32 s3, s9;
	s6 =	sadd.s32 @!p0 $0x88, s6;
	s7 =	simm.s32 @p2 $0x1082  }
0x22: {  	[simem:s7], [sflag:s8] =	dma.local @!p0 [hbm:s6], $0xF7A  }
0x23: {  	s9 =	sor.u32 $0xD0000000, s2;
	s6 =	simm.s32 $0x108;
	_ =	swait.ge @!p0 [sflag:s8], $0x0  }
0x24: {  	s3 =	sadd.s32 $0x88, s3;
	s6 =	simm.s32 @!p1 $0x1082;
	[sflag:s4] =	ssyncset.s32 $0xFFFFF086  }
0x25: {  	[simem:s6], [sflag:s4] =	dma.local [hbm:s3], $0xF7A  }
0x26: {  	[smem:$0x3F93] =	sst s1;
	(tag) =	ssettag s2;
	_ =	strace s9  }
0x27: {  	s1 =	sld [smem:$0x3FA3]  }
0x28: {  	s2 =	sld [smem:$0x3FA4]  }
0x29: {  	s4 =	sld [smem:$0x3FA6]  }
0x2a: {  	p0 =	seq.s32 s5, $0x0;
	s5 =	sld [smem:$0x3FA7]  }
0x2b: {  	s6 =	sld [smem:$0x3FA8]  }
0x2c: {  	s7 =	sld [smem:$0x3FA9]  }
0x2d: {  	s3 =	simm.s32 $0x108;
	s8 =	sld [smem:$0x3FAA]  }
0x2e: {  	s3 =	simm.s32 @!p0 $0x1082;
	s9 =	sld [smem:$0x3FAB]  }
0x2f: {  	lr =	sadd.s32 s0, s3;
	s0 =	sld [smem:$0x3FA2]  }
0x30: {  	s3 =	sld [smem:$0x3FA5]  }
0x31: {  	[smem:$0x3FAE] =	sst s10  }
0x32: {  	s10 =	sld [smem:$0x3FAC];
	_ =	sdelay $0x3  }
0x33: {  	p0 =	seq.s32 s10, $0x1;
	s10 =	sld [smem:$0x3FAE];
	_ =	sdelay $0x3  }
0x34: {  	[smem:$0x3FAE] =	sst s10  }
0x35: {  	s10 =	sld [smem:$0x3FAD];
	_ =	sdelay $0x3  }
0x36: {  	p1 =	seq.s32 s10, $0x1;
	s10 =	sld [smem:$0x3FAE];
	_ =	sdelay $0x3  }
0x37: {  	[smem:$0x3FAE] =	sst s10  }
0x38: {  	s10 =	sld [smem:$0x3FAF]  }
0x39: {  	_ = 	snop;
	(pc) =	sbr.ind lr, $3  }
0x3a: {  	_ = 	snop  }
0x3b: {  	_ = 	snop  }
0x3c: {  	p2 =	seq.s32 s10, $0x1;
	s10 =	sld [smem:$0x3FAE]  }
0x3d: {  	_ =	shalt  }
0x3e: {  	_ =	shalt  }
0x3f: {  	_ =	shalt  }
0x40: {  	_ =	shalt  }
0x41: {  	_ =	shalt  }
0x42: {  	_ =	shalt  }
0x43: {  	_ =	shalt  }
0x44: {  	_ =	shalt  }
0x45: {  	_ =	shalt  }
0x46: {  	_ =	shalt  }
0x47: {  	_ =	shalt  }
0x48: {  	_ =	shalt  }
0x49: {  	_ =	shalt  }
0x4a: {  	_ =	shalt  }
0x4b: {  	_ =	shalt  }
0x4c: {  	_ =	shalt  }
0x4d: {  	_ =	shalt  }
0x4e: {  	_ =	shalt  }
0x4f: {  	_ =	shalt  }
0x50: {  	_ =	shalt  }
0x51: {  	_ =	shalt  }
0x52: {  	_ =	shalt  }
0x53: {  	_ =	shalt  }
0x54: {  	_ =	shalt  }
0x55: {  	_ =	shalt  }
0x56: {  	_ =	shalt  }
0x57: {  	_ =	shalt  }
0x58: {  	_ =	shalt  }
0x59: {  	_ =	shalt  }
0x5a: {  	_ =	shalt  }
0x5b: {  	_ =	shalt  }
0x5c: {  	_ =	shalt  }
0x5d: {  	_ =	shalt  }
0x5e: {  	_ =	shalt  }
0x5f: {  	_ =	shalt  }
0x60: {  	_ =	shalt  }
0x61: {  	_ =	shalt  }
0x62: {  	_ =	shalt  }
0x63: {  	_ =	shalt  }
0x64: {  	_ =	shalt  }
0x65: {  	_ =	shalt  }
0x66: {  	_ =	shalt  }
0x67: {  	_ =	shalt  }
0x68: {  	_ =	shalt  }
0x69: {  	_ =	shalt  }
0x6a: {  	_ =	shalt  }
0x6b: {  	_ =	shalt  }
0x6c: {  	_ =	shalt  }
0x6d: {  	_ =	shalt  }
0x6e: {  	_ =	shalt  }
0x6f: {  	_ =	shalt  }
0x70: {  	_ =	shalt  }
0x71: {  	_ =	shalt  }
0x72: {  	_ =	shalt  }
0x73: {  	_ =	shalt  }
0x74: {  	_ =	shalt  }
0x75: {  	_ =	shalt  }
0x76: {  	_ =	shalt  }
0x77: {  	_ =	shalt  }
0x78: {  	_ =	shalt  }
0x79: {  	_ =	shalt  }
0x7a: {  	_ =	shalt  }
0x7b: {  	_ =	shalt  }
0x7c: {  	_ =	shalt  }
0x7d: {  	_ =	shalt  }
0x7e: {  	_ =	shalt  }
0x7f: {  	_ =	shalt  }
0x80: {  	_ =	shalt  }
0x81: {  	_ =	shalt  }
0x82: {  	_ =	shalt  }
0x83: {  	_ =	shalt  }
0x84: {  	_ =	shalt  }
0x85: {  	_ =	shalt  }
0x86: {  	_ =	shalt  }
0x87: {  	_ =	shalt  }
.Lfunc_end0:
.L_simem_size_0:
called_computation_lowered:
.L_overlay_start_0:
0x88: {  	s2 =	sld [smem:$0x3FD9]  }
0x89: {  	s3 =	sld [smem:$0x3FFE];
	_ =	sdelay $0x1  }
0x8a: {  	s1 =	srdreg.scid  }
0x8b: {  	s0 =	sand.u32 $0x1, s1  }
0x8c: {  	s16 =	sshll.u32 s0, $0xA;
	s2 =	sadd.s32 s3, s2  }
0x8d: {  	s2 =	sadd.s32 s2, s16  }
0x8e: {  	[smem:$0x3FBA] =	sst s2  }
0x8f: {  	_ = 	snop  }
0x90: {  	(tm) =	ssettm $0x1  }
0x91: {  	s17 =	sld [smem:$0x3FFB];
	_ =	sdelay $0x3  }
0x92: {  	_ =	strace s17  }
0x93: {  	s2 =	sld [smem:$0x3FFC];
	_ =	sdelay $0x3  }
0x94: {  	_ =	strace s2  }
0x95: {  	s2 =	sld [smem:$0x3FFD];
	_ =	sdelay $0x3  }
0x96: {  	_ =	strace s2  }
0x97: {  	_ =	strace $0x8FFFFFFF  }
0x98: {  	s18 =	sld [smem:$0x3FDB];
	_ =	sdelay $0x1  }
0x99: {  	s19 =	simm.s32 $_scs_section_size  }
0x9a: {  	s4 =	simm.s32 $_size__tile_overlayer_lowered;
	s5 =	simm.s32 $_tile_overlayer_lowered  }
0x9b: {  	s22 =	simm.s32 $0x1BFF;
	s21 =	sshll.u32 s5, $0x1;
	s2 =	sadd.s32 s19, s18  }
0x9c: {  	s6 =	simm.s32 $0x0;
	s20 =	sshll.u32 s4, $0x1;
	s4 =	sadd.s32 s21, s2  }
0x9d: {  	[timem:s6], [sflag:s22] =	dma.local [hbm:s4], s20  }
0x9e: {  	_ =	swait.ge [sflag:s22], s20  }
0x9f: {  	s3 =	ssub.s32 $0x0, s20;
	[sflag:s22] =	ssyncset.done $0x0  }
0xa0: {  	[sflag:s22] =	ssyncadd.s32 s3;
	_ =	sdelay $0x1  }
0xa1: {  	s23 =	simm.s32 $0x1B8B  }
0xa2: {  	_ =	swait.ge [sflag:s23], $0x1  }
0xa3: {  	[sflag:s23] =	ssyncset.done $0x0  }
0xa4: {  	s25 =	simm.s32 $0x1B8E;
	s24 =	sld [smem:$0x3FFE];
	[sflag:s23] =	ssyncadd.s32 $0xFFFFFFFF  }
0xa5: {  	s26 =	simm.s32 $execute0_lowered;
	[smem:$0x3FD2] =	sst s25  }
0xa6: {  	s4 =	sshll.u32 s26, $0x1;
	_ =	strace $0x80000046;
	[dreg:$0x1] =	wrdreg $0xFFFFFFFF  }
0xa7: {  	s28 =	simm.s32 $_size_execute0_lowered;
	s2 =	sadd.s32 s2, s4;
	[dreg:$0x0] =	wrdreg $0x0  }
0xa8: {  	s4 =	sshll.u32 s28, $0x1;
	[dreg:$0x2] =	wrdreg s2  }
0xa9: {  	[dreg:$0x3] =	wrdreg s4  }
0xaa: {  	[dreg:$0x4] =	wrdreg $0xC0  }
0xab: {  	_ =	task [dreg:s6], $0x5FFFF  }
0xac: {  	[dreg:$0x1] =	wrdreg $0xFFFFFFFF  }
0xad: {  	[dreg:$0x0] =	wrdreg $0x60  }
0xae: {  	[dreg:$0x2] =	wrdreg s24  }
0xaf: {  	[dreg:$0x3] =	wrdreg $0x9  }
0xb0: {  	_ =	task.clear_ibuf [dreg:s6], $0x4FFFF;
	_ =	strace $0x90000046  }
0xb1: {  	s29 =	simm.s32 $0x9;
	_ =	strace $0x80000048  }
0xb2: {  	_ =	swait.ge [sflag:s29], $0x1  }
0xb3: {  	[sflag:s29] =	ssyncadd.s32 $0xFFFFFFFF  }
0xb4: {  	_ =	strace $0x90000048  }
0xb5: {  	_ =	sfence  }
0xb6: {  	s30 =	sld [smem:$0x0];
	_ =	sdelay $0x2  }
0xb7: {  	s31 =	sshll.u32 s1, $0xD;
	s1 =	sshrl.u32 s1, $0x2  }
0xb8: {  	s3 =	sand.u32 $0x4000, s31;
	s1 =	sadd.s32 s1, s30  }
0xb9: {  	s0 =	sor.u32 s3, s0;
	s1 =	sshll.u32 s1, $0x11  }
0xba: {  	s0 =	sor.u32 s1, s0  }
0xbb: {  	s0 =	sadd.s32 $0x8F2B, s0  }
0xbc: {  	[sflag:s0] =	ssyncadd.remote.s32 $0x1  }
0xbd: {  	_ =	sfence.sel $0xFFFF  }
0xbe: {  	[dreg:$0x0] =	wrdreg $0xFFFFFFFF;
	(pc) =	sbr.abs _section_cstart, $3  }
0xbf: {  	[dreg:$0x1] =	wrdreg $0xFFFFFFFF  }
0xc0: {  	_ =	task.clear_ibuf [dreg:s6], $0x2FFFF;
	_ =	strace $0x9FFFFFFF  }
0xc1: {  	(tm) =	ssettm $0x7FFFFFFF  }
tec
execute0_lowered:
.L_overlay_start_1:
0x0: {  	(tag) =	ssettag $0x1  }
0x1: {  	s6 =	rddreg [dreg:$0x0]  }
0x2: {  	s0 =	rddreg [dreg:$0x1];
	s1 =	simm.s32 $0x0  }
0x3: {  	s2 =	srdreg.scid;
	s11 =	simm.s32 $0x28;
	s12 =	simm.s32 $0x100  }
0x4: {  	s13 =	simm.s32 $0x1500;
	s14 =	simm.s32 $0x1;
	s15 =	simm.s32 $0x2900  }
0x5: {  	s16 =	simm.s32 $0x0;
	[smem:$0x7FF] =	sst s1;
	s4 =	sand.u32 $0x1, s2  }
0x6: {  	s2 =	stileid.u32;
	s3 =	sadd.s32 $0xBA00, s6;
	s7 =	smul.u32 $0x13880, s4  }
0x7: {  	s5 =	sadd.s32 $0x1A00, s6;
	s8 =	ssub.s32 $0x2, s4;
	s9 =	smul.u32 $0x1388, s2  }
0x8: {  	_ =	strace $0x80000047;
	s4 =	sadd.s32 $0x6A00, s6;
	s10 =	sshrl.u32 s8, $0x1  }
0x9: {  	s6 =	sadd.s32 $0x32C00, s6;
	s8 =	ssub.s32 s8, s10;
	s7 =	sadd.s32 s9, s7  }
0xa: {  	s9 =	simm.s32 $0x2;
	s10 =	simm.s32 $0x80;
	s8 =	smax.u32 s8, $0x1  }
.LBB2_1:
0xb: {  	s17 =	simm.s32 $0x0  }
.LBB2_2:
0xc: {  	s18 =	smul.u32 $0x28, s17;
	_ =	sdelay $0x1  }
0xd: {  	s18 =	sadd.s32 s18, s7  }
0xe: {  	s19 =	sshrl.u32 s18, $0x3  }
0xf: {  	s21 =	simm.s32 $0x0;
	s20 =	sadd.s32 s4, s19  }
0x10: {  	[tilespmem:s21], [sflag:$0x2] =	stream.linear.gather [hbm4b:s20+s21], $0x28, $0x38;
	[tilespmem:$0x3D00] =	vst v63  }
0x11: {  	_ =	swait.ge [sflag:s9], $0x28  }
0x12: {  	[sflag:s9] =	ssyncset.done $0x0  }
0x13: {  	s19 =	sadd.s32 s5, s19;
	[sflag:s9] =	ssyncadd.s32 $0xFFFFFFD8  }
0x14: {  	[tilespmem:s10], [sflag:$0x2] =	stream.linear.gather [hbm4b:s19+s21], $0x28, $0x38;
	[tilespmem:$0x3D00] =	vst v63  }
0x15: {  	_ =	swait.ge [sflag:s9], $0x28  }
0x16: {  	[sflag:s9] =	ssyncset.done $0x0  }
0x17: {  	[sflag:s9] =	ssyncadd.s32 $0xFFFFFFD8  }
0x18: {  	[tilespmem:s12], [sflag:$0x1] =	stream.indirect.gather [hbm4b:s3+s11], $0x80, s21, s11, $0xb8;
	[tilespmem:$0x3D00] =	vst v63  }
0x19: {  	_ = 	snop  }
0x1a: {  	[tilespmem:s13], [sflag:$0x1] =	stream.indirect.gather [hbm4b:s3+s11], $0x80, s10, s11, $0xb8;
	[tilespmem:$0x3D00] =	vst v63  }
0x1b: {  	_ =	swait.ge [sflag:s14], $0x1400  }
0x1c: {  	[sflag:s14] =	ssyncset.done $0x0  }
0x1d: {  	[sflag:s14] =	ssyncadd.s32 $0xFFFFEC00  }
0x1e: {  	_ =	swait.ge [sflag:s14], $0x1400  }
0x1f: {  	[sflag:s14] =	ssyncset.done $0x0  }
0x20: {  	s19 =	simm.s32 $0x0;
	[sflag:s14] =	ssyncadd.s32 $0xFFFFEC00  }
0x21: {  	v0 =	vld [tilespmem:s19+$0x120]  }
0x22: {  	v1 =	vld [tilespmem:s19+$0x100]  }
0x23: {  	v2 =	vld [tilespmem:s19+$0x1500]  }
0x24: {  	v3 =	vld [tilespmem:s19+$0x110]  }
0x25: {  	v4 =	vld [tilespmem:s19+$0x1510]  }
0x26: {  	s20 =	simm.s32 $0x80;
	v5 =	vld [tilespmem:s19+$0x1520]  }
0x27: {  	v7 =	vld [tilespmem:s20+$0x120]  }
0x28: {  	v6 =	vld [tilespmem:s20+$0x100]  }
0x29: {  	v8 =	vld [tilespmem:s20+$0x1500]  }
0x2a: {  	v9 =	vld [tilespmem:s20+$0x110];
	v1 =	vsub.f32 v1, v2;
	v2 =	vsub.f32 v3, v4  }
0x2b: {  	v4 =	vld [tilespmem:s20+$0x1510]  }
0x2c: {  	s21 =	simm.s32 $0x100;
	v10 =	vld [tilespmem:s20+$0x1520];
	v3 =	vsub.f32 v0, v5;
	v5 =	vmul.f32 v1, v1;
	v2 =	vmul.f32 v2, v2  }
0x2d: {  	v0 =	vld [tilespmem:s21+$0x120]  }
0x2e: {  	v1 =	vld [tilespmem:s21+$0x100];
	v11 =	vmul.f32 v3, v3;
	v5 =	vadd.f32 v2, v5  }
0x2f: {  	v6 =	vsub.f32 v6, v8;
	v3 =	vld [tilespmem:s21+$0x110]  }
0x30: {  	v2 =	vld [tilespmem:s21+$0x1500];
	v8 =	vsub.f32 v9, v4;
	v5 =	vadd.f32 v11, v5  }
0x31: {  	s22 =	simm.s32 $0x600;
	v7 =	vsub.f32 v7, v10;
	v4 =	vld [tilespmem:s21+$0x1510]  }
.LBB2_3:
0x32: {  	s23 =	sshra.s32 s22, $0x2;
	v9 =	vld [tilespmem:s21+$0x1520];
	v6 =	vmul.f32 v6, v6;
	v8 =	vmul.f32 v8, v8;
	v5 =	vadd.f32 $9.999999960e-13, v5;
	v10 =	vmovc v0;
	p0 =	sne.s32 s22, $0x4E00  }
.Ltmp0:
0x33: {  	v0 =	vld [tilespmem:s23+$0x120];
	v11 =	vmov v1;
	(pc) =	sbr.rel @p0 .LBB2_3-.Ltmp0, $4  }
0x34: {  	v7 =	vmul.f32 v7, v7;
	v1 =	vld [tilespmem:s23+$0x100];
	v12 =	vadd.f32 v8, v6;
	[tilespmem:s19+$0x2900] =	vst v5;
	s19 =	smov.u32 s20;
	s20 =	smov.u32 s21;
	s21 =	smov.u32 s23  }
0x35: {  	v6 =	vsub.f32 v11, v2;
	v2 =	vld [tilespmem:s21+$0x1500]  }
0x36: {  	s22 =	sadd.s32 $0x200, s22;
	v8 =	vsub.f32 v3, v4;
	v3 =	vld [tilespmem:s21+$0x110];
	v5 =	vadd.f32 v7, v12  }
0x37: {  	v4 =	vld [tilespmem:s21+$0x1510];
	v7 =	vsub.f32 v10, v9  }
0x38: {  	_ = 	snop  }
0x39: {  	v9 =	vld [tilespmem:s21+$0x1520];
	_ =	sdelay $0x2  }
0x3a: {  	v1 =	vsub.f32 v1, v2;
	v57 =	vsub.f32 v3, v4  }
0x3b: {  	v58 =	vmul.f32 v6, v6;
	v59 =	vmul.f32 v8, v8  }
0x3c: {  	v1 =	vmul.f32 v1, v1;
	v0 =	vsub.f32 v0, v9;
	v2 =	vmul.f32 v57, v57  }
0x3d: {  	v60 =	vmul.f32 v7, v7;
	v3 =	vadd.f32 v59, v58  }
0x3e: {  	v0 =	vmul.f32 v0, v0;
	v1 =	vadd.f32 v2, v1  }
0x3f: {  	v61 =	vadd.f32 v60, v3  }
0x40: {  	v62 =	vadd.f32 $9.999999960e-13, v5;
	v0 =	vadd.f32 v0, v1  }
0x41: {  	v63 =	vadd.f32 $9.999999960e-13, v61  }
0x42: {  	s17 =	sadd.s32 $0x1, s17;
	[tilespmem:s19+$0x2900] =	vst v62;
	v0 =	vadd.f32 $9.999999960e-13, v0  }
0x43: {  	s18 =	sshll.u32 s18, $0x4;
	p0 =	sne.s32 s17, $0x7D;
	[tilespmem:s20+$0x2900] =	vst v63  }
.Ltmp1:
0x44: {  	s18 =	sadd.s32 s6, s18;
	[tilespmem:s21+$0x2900] =	vst v0;
	(pc) =	sbr.rel @p0 .LBB2_2-.Ltmp1, $4  }
0x45: {  	[hbm4b:s18+s1] =	stream.linear.scatter [tilespmem:s15], [sflag:$0x2], $0x1400, $0x38;
	[tilespmem:$0x3D00] =	vst v63  }
0x46: {  	_ =	swait.ge [sflag:s9], $0x1400  }
0x47: {  	[sflag:s9] =	ssyncset.done $0x0  }
0x48: {  	[sflag:s9] =	ssyncadd.s32 $0xFFFFEC00  }
0x49: {  	s16 =	sadd.s32 $0x1, s16  }
0x4a: {  	p0 =	sne.s32 s16, s8  }
.Ltmp2:
0x4b: {  	_ = 	snop;
	(pc) =	sbr.rel @p0 .LBB2_1-.Ltmp2, $1  }
0x4c: {  	_ =	sdelay $0x3  }
0x4d: {  	_ =	sfence.sel $0x180000  }
0x4e: {  	[bflag:$0x0] =	sbarrier.arrive $0xFFFF  }
0x4f: {  	p0 =	sne.s32 s2, $0x0;
	_ =	strace $0x90000047  }
0x50: {  	s0 =	sadd.s32 @!p0 $0x100000, s0;
	[bflag:$0x2] =	sbarrier.arrive $0xFFFF  }
0x51: {  	[sflag:s0] =	ssyncadd.tile.s32 @!p0 $0x1;
	_ =	shalt  }
.Lfunc_end2:
_tile_overlayer_lowered:
.L_overlay_start_2:
0x52: {  	(tag) =	ssettag $0x2  }
0x53: {  	s0 =	rddreg [dreg:$0x0];
	s2 =	stileid.u32  }
0x54: {  	s1 =	rddreg [dreg:$0x1];
	p0 =	sne.s32 s2, $0x0  }
0x55: {  	s3 =	rddreg [dreg:$0x2];
	[bflag:$0x3] =	sbarrier.arrive $0xFFFF;
	s2 =	simm.s32 @!p0 $0x1C02  }
0x56: {  	[timem:s3], [sflag:s2] =	dma.local @!p0 [hbm:s0], s1  }
0x57: {  	s0 =	simm.s32 @!p0 $0x2  }
0x58: {  	_ =	swait.ge @!p0 [sflag:s0], s1  }
0x59: {  	s1 =	ssub.s32 @!p0 $0x0, s1;
	[sflag:s0] =	ssyncset.done @!p0 $0x0  }
0x5a: {  	[sflag:s0] =	ssyncadd.s32 @!p0 s1  }
0x5b: {  	[bflag:$0x3] =	sbarrier.arrive $0xFFFF  }
0x5c: {  	_ =	shalt  }

// kernel: kernel.15.cloned.1.call-start
scs
__scs_entry_jumppad:
0x0: {  	(pc) =	sbr.rel $0x88, $3  }
0x1: {  	(tag) =	ssettag $0x0;
	lr =	simm.s32 $0x1  }
0x2: {  	[smem:$0x3F93] =	sst lr;
	_ =	strace $0xD0000000  }
0x3: {  	_ = 	snop  }
0x4: {  	_ = 	snop  }
0x5: {  	_ = 	snop  }
0x6: {  	_ = 	snop  }
0x7: {  	_ = 	snop  }
__scs_overlays_trampoline_lowered:
0x8: {  	[smem:$0x3FA2] =	sst s0  }
0x9: {  	[smem:$0x3FA3] =	sst s1  }
0xa: {  	[smem:$0x3FA4] =	sst s2  }
0xb: {  	[smem:$0x3FA5] =	sst s3  }
0xc: {  	[smem:$0x3FA6] =	sst s4  }
0xd: {  	[smem:$0x3FA7] =	sst s5  }
0xe: {  	[smem:$0x3FA8] =	sst s6  }
0xf: {  	[smem:$0x3FA9] =	sst s7  }
0x10: {  	[smem:$0x3FAA] =	sst s8  }
0x11: {  	[smem:$0x3FAB] =	sst s9;
	s0 =	simm.s32 @!p0 $0x0  }
0x12: {  	s1 =	sld [smem:$0x3F91];
	s0 =	simm.s32 @p0 $0x1  }
0x13: {  	[smem:$0x3FAC] =	sst s0;
	s0 =	simm.s32 @!p1 $0x0  }
0x14: {  	s2 =	sld [smem:$0x3F90];
	s0 =	simm.s32 @p1 $0x1  }
0x15: {  	[smem:$0x3FAD] =	sst s0;
	s0 =	simm.s32 @!p2 $0x0  }
0x16: {  	s3 =	sld [smem:$0x3FDB];
	s0 =	simm.s32 @p2 $0x1  }
0x17: {  	s4 =	simm.s32 $0x1BF5;
	[smem:$0x3FAF] =	sst s0  }
0x18: {  	s0 =	sld [smem:$0x3F92];
	_ =	swait.ge [sflag:s4], $0x0  }
0x19: {  	s7 =	sld [smem:$0x3F93]  }
0x1a: {  	s8 =	sadd.s32 $0xFFFFE003, lr  }
0x1b: {  	s9 =	sadd.s32 $0xFFFFFEF7, lr;
	s5 =	simm.s32 $0xFFFFFFFF;
	p2 =	slt.u32 s8, $0xFFFFF086  }
0x1c: {  	p1 =	slt.u32 s9, $0xF7A;
	s5 =	simm.s32 @!p2 $0x0  }
0x1d: {  	s5 =	simm.s32 @p1 $0x1;
	p0 =	seq.s32 s7, s2  }
0x1e: {  	s7 =	smul.u32 @!p0 $0xF7A, s2;
	p2 =	seq.s32 @!p0 s5, $0x0  }
0x1f: {  	s9 =	smul.u32 $0xF7A, s1;
	s8 =	simm.s32 @!p0 $0x1BF5;
	p2 =	por !p2, p0  }
0x20: {  	[sflag:s8] =	ssyncset.s32 @!p0 $0xFFFFF086;
	s6 =	sadd.s32 @!p0 s3, s7;
	s7 =	simm.s32 @!p0 $0x108  }
0x21: {  	s3 =	sadd.s32 s3, s9;
	s6 =	sadd.s32 @!p0 $0x88, s6;
	s7 =	simm.s32 @p2 $0x1082  }
0x22: {  	[simem:s7], [sflag:s8] =	dma.local @!p0 [hbm:s6], $0xF7A  }
0x23: {  	s9 =	sor.u32 $0xD0000000, s2;
	s6 =	simm.s32 $0x108;
	_ =	swait.ge @!p0 [sflag:s8], $0x0  }
0x24: {  	s3 =	sadd.s32 $0x88, s3;
	s6 =	simm.s32 @!p1 $0x1082;
	[sflag:s4] =	ssyncset.s32 $0xFFFFF086  }
0x25: {  	[simem:s6], [sflag:s4] =	dma.local [hbm:s3], $0xF7A  }
0x26: {  	[smem:$0x3F93] =	sst s1;
	(tag) =	ssettag s2;
	_ =	strace s9  }
0x27: {  	s1 =	sld [smem:$0x3FA3]  }
0x28: {  	s2 =	sld [smem:$0x3FA4]  }
0x29: {  	s4 =	sld [smem:$0x3FA6]  }
0x2a: {  	p0 =	seq.s32 s5, $0x0;
	s5 =	sld [smem:$0x3FA7]  }
0x2b: {  	s6 =	sld [smem:$0x3FA8]  }
0x2c: {  	s7 =	sld [smem:$0x3FA9]  }
0x2d: {  	s3 =	simm.s32 $0x108;
	s8 =	sld [smem:$0x3FAA]  }
0x2e: {  	s3 =	simm.s32 @!p0 $0x1082;
	s9 =	sld [smem:$0x3FAB]  }
0x2f: {  	lr =	sadd.s32 s0, s3;
	s0 =	sld [smem:$0x3FA2]  }
0x30: {  	s3 =	sld [smem:$0x3FA5]  }
0x31: {  	[smem:$0x3FAE] =	sst s10  }
0x32: {  	s10 =	sld [smem:$0x3FAC];
	_ =	sdelay $0x3  }
0x33: {  	p0 =	seq.s32 s10, $0x1;
	s10 =	sld [smem:$0x3FAE];
	_ =	sdelay $0x3  }
0x34: {  	[smem:$0x3FAE] =	sst s10  }
0x35: {  	s10 =	sld [smem:$0x3FAD];
	_ =	sdelay $0x3  }
0x36: {  	p1 =	seq.s32 s10, $0x1;
	s10 =	sld [smem:$0x3FAE];
	_ =	sdelay $0x3  }
0x37: {  	[smem:$0x3FAE] =	sst s10  }
0x38: {  	s10 =	sld [smem:$0x3FAF]  }
0x39: {  	_ = 	snop;
	(pc) =	sbr.ind lr, $3  }
0x3a: {  	_ = 	snop  }
0x3b: {  	_ = 	snop  }
0x3c: {  	p2 =	seq.s32 s10, $0x1;
	s10 =	sld [smem:$0x3FAE]  }
0x3d: {  	_ =	shalt  }
0x3e: {  	_ =	shalt  }
0x3f: {  	_ =	shalt  }
0x40: {  	_ =	shalt  }
0x41: {  	_ =	shalt  }
0x42: {  	_ =	shalt  }
0x43: {  	_ =	shalt  }
0x44: {  	_ =	shalt  }
0x45: {  	_ =	shalt  }
0x46: {  	_ =	shalt  }
0x47: {  	_ =	shalt  }
0x48: {  	_ =	shalt  }
0x49: {  	_ =	shalt  }
0x4a: {  	_ =	shalt  }
0x4b: {  	_ =	shalt  }
0x4c: {  	_ =	shalt  }
0x4d: {  	_ =	shalt  }
0x4e: {  	_ =	shalt  }
0x4f: {  	_ =	shalt  }
0x50: {  	_ =	shalt  }
0x51: {  	_ =	shalt  }
0x52: {  	_ =	shalt  }
0x53: {  	_ =	shalt  }
0x54: {  	_ =	shalt  }
0x55: {  	_ =	shalt  }
0x56: {  	_ =	shalt  }
0x57: {  	_ =	shalt  }
0x58: {  	_ =	shalt  }
0x59: {  	_ =	shalt  }
0x5a: {  	_ =	shalt  }
0x5b: {  	_ =	shalt  }
0x5c: {  	_ =	shalt  }
0x5d: {  	_ =	shalt  }
0x5e: {  	_ =	shalt  }
0x5f: {  	_ =	shalt  }
0x60: {  	_ =	shalt  }
0x61: {  	_ =	shalt  }
0x62: {  	_ =	shalt  }
0x63: {  	_ =	shalt  }
0x64: {  	_ =	shalt  }
0x65: {  	_ =	shalt  }
0x66: {  	_ =	shalt  }
0x67: {  	_ =	shalt  }
0x68: {  	_ =	shalt  }
0x69: {  	_ =	shalt  }
0x6a: {  	_ =	shalt  }
0x6b: {  	_ =	shalt  }
0x6c: {  	_ =	shalt  }
0x6d: {  	_ =	shalt  }
0x6e: {  	_ =	shalt  }
0x6f: {  	_ =	shalt  }
0x70: {  	_ =	shalt  }
0x71: {  	_ =	shalt  }
0x72: {  	_ =	shalt  }
0x73: {  	_ =	shalt  }
0x74: {  	_ =	shalt  }
0x75: {  	_ =	shalt  }
0x76: {  	_ =	shalt  }
0x77: {  	_ =	shalt  }
0x78: {  	_ =	shalt  }
0x79: {  	_ =	shalt  }
0x7a: {  	_ =	shalt  }
0x7b: {  	_ =	shalt  }
0x7c: {  	_ =	shalt  }
0x7d: {  	_ =	shalt  }
0x7e: {  	_ =	shalt  }
0x7f: {  	_ =	shalt  }
0x80: {  	_ =	shalt  }
0x81: {  	_ =	shalt  }
0x82: {  	_ =	shalt  }
0x83: {  	_ =	shalt  }
0x84: {  	_ =	shalt  }
0x85: {  	_ =	shalt  }
0x86: {  	_ =	shalt  }
0x87: {  	_ =	shalt  }
.Lfunc_end0:
.L_simem_size_0:
called_computation.1_lowered:
.L_overlay_start_0:
0x88: {  	s2 =	sld [smem:$0x3FD9]  }
0x89: {  	s3 =	sld [smem:$0x3FFE];
	_ =	sdelay $0x1  }
0x8a: {  	s1 =	srdreg.scid  }
0x8b: {  	s0 =	sand.u32 $0x1, s1  }
0x8c: {  	s16 =	sshll.u32 s0, $0xA;
	s2 =	sadd.s32 s3, s2  }
0x8d: {  	s2 =	sadd.s32 s2, s16  }
0x8e: {  	[smem:$0x3FBA] =	sst s2  }
0x8f: {  	_ = 	snop  }
0x90: {  	(tm) =	ssettm $0x1  }
0x91: {  	s17 =	sld [smem:$0x3FFB];
	_ =	sdelay $0x3  }
0x92: {  	_ =	strace s17  }
0x93: {  	s2 =	sld [smem:$0x3FFC];
	_ =	sdelay $0x3  }
0x94: {  	_ =	strace s2  }
0x95: {  	s2 =	sld [smem:$0x3FFD];
	_ =	sdelay $0x3  }
0x96: {  	_ =	strace s2  }
0x97: {  	_ =	strace $0x8FFFFFFF  }
0x98: {  	s18 =	sld [smem:$0x3FDB];
	_ =	sdelay $0x1  }
0x99: {  	s19 =	simm.s32 $_scs_section_size  }
0x9a: {  	s4 =	simm.s32 $_size__tile_overlayer_lowered;
	s5 =	simm.s32 $_tile_overlayer_lowered  }
0x9b: {  	s22 =	simm.s32 $0x1BFF;
	s21 =	sshll.u32 s5, $0x1;
	s2 =	sadd.s32 s19, s18  }
0x9c: {  	s6 =	simm.s32 $0x0;
	s20 =	sshll.u32 s4, $0x1;
	s4 =	sadd.s32 s21, s2  }
0x9d: {  	[timem:s6], [sflag:s22] =	dma.local [hbm:s4], s20  }
0x9e: {  	_ =	swait.ge [sflag:s22], s20  }
0x9f: {  	s3 =	ssub.s32 $0x0, s20;
	[sflag:s22] =	ssyncset.done $0x0  }
0xa0: {  	[sflag:s22] =	ssyncadd.s32 s3;
	_ =	sdelay $0x1  }
0xa1: {  	s23 =	simm.s32 $0x1B8B  }
0xa2: {  	_ =	swait.ge [sflag:s23], $0x1  }
0xa3: {  	[sflag:s23] =	ssyncset.done $0x0  }
0xa4: {  	s25 =	simm.s32 $0x1B8E;
	s24 =	sld [smem:$0x3FFE];
	[sflag:s23] =	ssyncadd.s32 $0xFFFFFFFF  }
0xa5: {  	s26 =	simm.s32 $execute0_lowered;
	[smem:$0x3FD2] =	sst s25  }
0xa6: {  	s4 =	sshll.u32 s26, $0x1;
	_ =	strace $0x80000049;
	[dreg:$0x1] =	wrdreg $0xFFFFFFFF  }
0xa7: {  	s28 =	simm.s32 $_size_execute0_lowered;
	s2 =	sadd.s32 s2, s4;
	[dreg:$0x0] =	wrdreg $0x0  }
0xa8: {  	s4 =	sshll.u32 s28, $0x1;
	[dreg:$0x2] =	wrdreg s2  }
0xa9: {  	[dreg:$0x3] =	wrdreg s4  }
0xaa: {  	[dreg:$0x4] =	wrdreg $0xC0  }
0xab: {  	_ =	task [dreg:s6], $0x5FFFF  }
0xac: {  	[dreg:$0x1] =	wrdreg $0xFFFFFFFF  }
0xad: {  	[dreg:$0x0] =	wrdreg $0x60  }
0xae: {  	[dreg:$0x2] =	wrdreg s24  }
0xaf: {  	[dreg:$0x3] =	wrdreg $0x3D000  }
0xb0: {  	[dreg:$0x4] =	wrdreg $0x9  }
0xb1: {  	_ =	task.clear_ibuf [dreg:s6], $0x5FFFF;
	_ =	strace $0x90000049  }
0xb2: {  	s29 =	simm.s32 $0x9;
	_ =	strace $0x8000004B  }
0xb3: {  	_ =	swait.ge [sflag:s29], $0x1  }
0xb4: {  	[sflag:s29] =	ssyncadd.s32 $0xFFFFFFFF  }
0xb5: {  	_ =	strace $0x9000004B  }
0xb6: {  	_ =	sfence  }
0xb7: {  	s30 =	sld [smem:$0x0];
	_ =	sdelay $0x2  }
0xb8: {  	s31 =	sshll.u32 s1, $0xD;
	s1 =	sshrl.u32 s1, $0x2  }
0xb9: {  	s3 =	sand.u32 $0x4000, s31;
	s1 =	sadd.s32 s1, s30  }
0xba: {  	s0 =	sor.u32 s3, s0;
	s1 =	sshll.u32 s1, $0x11  }
0xbb: {  	s0 =	sor.u32 s1, s0  }
0xbc: {  	s0 =	sadd.s32 $0x8F2B, s0  }
0xbd: {  	[sflag:s0] =	ssyncadd.remote.s32 $0x1  }
0xbe: {  	_ =	sfence.sel $0xFFFF  }
0xbf: {  	[dreg:$0x0] =	wrdreg $0xFFFFFFFF;
	(pc) =	sbr.abs _section_cstart, $3  }
0xc0: {  	[dreg:$0x1] =	wrdreg $0xFFFFFFFF  }
0xc1: {  	_ =	task.clear_ibuf [dreg:s6], $0x2FFFF;
	_ =	strace $0x9FFFFFFF  }
0xc2: {  	(tm) =	ssettm $0x7FFFFFFF  }
0xc3: {  	_ =	shalt  }
tec
execute0_lowered:
.L_overlay_start_1:
0x0: {  	(tag) =	ssettag $0x1  }
0x1: {  	s10 =	rddreg [dreg:$0x0]  }
0x2: {  	s2 =	rddreg [dreg:$0x1]  }
0x3: {  	s0 =	rddreg [dreg:$0x2];
	s3 =	simm.s32 $0x0;
	s1 =	stileid.u32  }
0x4: {  	s4 =	srdreg.scid;
	s19 =	simm.s32 $0x28;
	s20 =	simm.s32 $0x1500  }
0x5: {  	s21 =	simm.s32 $0x100;
	s22 =	simm.s32 $0x1;
	s23 =	simm.s32 $0x2900  }
0x6: {  	s24 =	simm.s32 $0x0;
	s30 =	simm.s32 $0x0;
	s11 =	smul.u32 $0x2800, s1  }
0x7: {  	[smem:$0x7FF] =	sst s3;
	s12 =	sand.u32 $0x1, s4;
	s13 =	smul.u32 $0x1388, s1  }
0x8: {  	s4 =	sadd.s32 $0x2A3C00, s10;
	s5 =	sadd.s32 $0x6A00, s10;
	s15 =	smul.u32 $0x50000, s1  }
0x9: {  	s6 =	sadd.s32 $0x1A00, s10;
	s7 =	sadd.s32 $0x2CAE00, s10;
	s8 =	smul.u32 $0x13880, s12  }
0xa: {  	s17 =	sadd.s32 $0x32C00, s10;
	p0 =	seq.s32 s1, $0xF;
	s29 =	smul.u32 $0x138800, s12  }
0xb: {  	_ =	strace $0x8000004A;
	s9 =	ssub.s32 $0x2, s12;
	s12 =	smul.u32 $0x27100, s12  }
0xc: {  	s14 =	sshrl.u32 s9, $0x1;
	s16 =	sadd.s32 s11, s10;
	s28 =	sshrl.u32 s15, $0x2  }
0xd: {  	s15 =	sadd.s32 $0x12C000, s2;
	s10 =	sadd.s32 $0x31200, s10;
	s14 =	ssub.s32 s9, s14  }
0xe: {  	s8 =	sadd.s32 s13, s8;
	s18 =	sadd.s32 s28, s2;
	s9 =	sadd.s32 $0xBA00, s16  }
0xf: {  	s13 =	sshrl.u32 s29, $0x3;
	s11 =	sadd.s32 s11, s12;
	s16 =	sshll.u32 @!p0 s1, $0x6  }
0x10: {  	s31 =	sadd.s32 s17, s13;
	s11 =	sadd.s32 s17, s11;
	s13 =	smax.u32 s14, $0x1  }
0x11: {  	s14 =	sshrl.u32 @p0 s15, $0x3;
	s15 =	sor.u32 @!p0 $0x1C02, s16;
	s16 =	sshrl.u32 @!p0 s18, $0x3  }
0x12: {  	s17 =	simm.s32 $0x80;
	s18 =	simm.s32 $0x2;
	s12 =	sadd.s32 $0x25800, s31  }
.LBB2_1:
0x13: {  	s25 =	simm.s32 @p0 $0x1FC2  }
0x14: {  	[spmem:s14], [sflag:s25] =	dma.local @p0 [hbm:s10], $0x1900  }
0x15: {  	s25 =	simm.s32 @p0 $0x2  }
0x16: {  	_ =	swait.ge @p0 [sflag:s25], $0x1900  }
0x17: {  	[sflag:s25] =	ssyncset.done @p0 $0x0  }
0x18: {  	[sflag:s25] =	ssyncadd.s32 @p0 $0xFFFFE700;
	s25 =	simm.s32 @!p0 $0x2  }
0x19: {  	[spmem:s16], [sflag:s15] =	dma.local @!p0 [hbm:s9], $0x2800  }
0x1a: {  	_ =	swait.ge @!p0 [sflag:s25], $0x2800  }
0x1b: {  	[sflag:s25] =	ssyncset.done @!p0 $0x0  }
0x1c: {  	[sflag:s25] =	ssyncadd.s32 @!p0 $0xFFFFD800  }
0x1d: {  	s25 =	simm.s32 $0x0;
	[bflag:$0x0] =	sbarrier.arrive $0xFFFF  }
.LBB2_2:
0x1e: {  	s26 =	smul.u32 $0x28, s25;
	_ =	sdelay $0x1  }
0x1f: {  	s26 =	sadd.s32 s26, s8  }
0x20: {  	s28 =	sshrl.u32 s26, $0x3  }
0x21: {  	s29 =	sadd.s32 s6, s28  }
0x22: {  	[tilespmem:s17], [sflag:$0x2] =	stream.linear.gather [hbm4b:s29+s30], $0x28, $0x38;
	[tilespmem:$0x17580] =	vst v63  }
0x23: {  	_ =	swait.ge [sflag:s18], $0x28  }
0x24: {  	[sflag:s18] =	ssyncset.done $0x0  }
0x25: {  	[sflag:s18] =	ssyncadd.s32 $0xFFFFFFD8  }
0x26: {  	[tilespmem:s20], [sflag:$0x1] =	stream.indirect.gather [hbm4b:s4+s19], $0x80, s17, s19, $0xb8;
	[tilespmem:$0x17580] =	vst v63  }
0x27: {  	s28 =	sadd.s32 s5, s28  }
0x28: {  	[tilespmem:s30], [sflag:$0x2] =	stream.linear.gather [hbm4b:s28+s30], $0x28, $0x38;
	[tilespmem:$0x17580] =	vst v63  }
0x29: {  	_ =	swait.ge [sflag:s18], $0x28  }
0x2a: {  	s26 =	sshll.u32 s26, $0x4;
	[sflag:s18] =	ssyncset.done $0x0  }
0x2b: {  	s26 =	sadd.s32 s7, s26;
	[sflag:s18] =	ssyncadd.s32 $0xFFFFFFD8  }
0x2c: {  	[tilespmem:s21], [sflag:$0x2] =	stream.linear.gather [hbm4b:s26+s30], $0x1400, $0x38;
	[tilespmem:$0x17580] =	vst v63  }
0x2d: {  	_ =	swait.ge [sflag:s18], $0x1400  }
0x2e: {  	[sflag:s18] =	ssyncset.done $0x0  }
0x2f: {  	[sflag:s18] =	ssyncadd.s32 $0xFFFFEC00  }
0x30: {  	_ =	swait.ge [sflag:s22], $0x1400  }
0x31: {  	[sflag:s22] =	ssyncset.done $0x0  }
0x32: {  	s26 =	simm.s32 $0x0;
	[sflag:s22] =	ssyncadd.s32 $0xFFFFEC00  }
0x33: {  	v1 =	vld [tilespmem:s26+$0x100]  }
0x34: {  	v0 =	vld [tilespmem:s26+$0x1530]  }
0x35: {  	v6 =	vld [tilespmem:s26+$0x1500]  }
0x36: {  	v7 =	vld [tilespmem:s26+$0x1570]  }
0x37: {  	v9 =	vld [tilespmem:s26+$0x1510]  }
0x38: {  	v2 =	vld [tilespmem:s26+$0x1520]  }
0x39: {  	v4 =	vld [tilespmem:s26+$0x1540];
	v0 =	vmul.f32 v0, v1  }
0x3a: {  	v5 =	vld [tilespmem:s26+$0x1550]  }
0x3b: {  	s28 =	simm.s32 $0x80;
	v3 =	vld [tilespmem:s26+$0x1560];
	v8 =	vadd.f32 v7, v0  }
0x3c: {  	s29 =	simm.s32 $0x400;
	v6 =	vmul.f32 v6, v1;
	v0 =	vld [tilespmem:s28+$0x100];
	v7 =	vmul.f32 v9, v1  }
.LBB2_3:
0x3d: {  	p1 =	sne.s32 s29, $0x4E00;
	v9 =	vld [tilespmem:s28+$0x1530];
	v1 =	vmul.f32 v2, v1;
	[tilespmem:s26+$0x2930] =	vst v8  }
0x3e: {  	v8 =	vld [tilespmem:s28+$0x1500];
	v2 =	vadd.f32 v4, v6  }
0x3f: {  	v10 =	vld [tilespmem:s28+$0x1570];
	v4 =	vadd.f32 v5, v7  }
0x40: {  	v7 =	vld [tilespmem:s28+$0x1510];
	[tilespmem:s26+$0x2900] =	vst v2;
	v3 =	vadd.f32 v3, v1  }
.Ltmp0:
0x41: {  	v2 =	vld [tilespmem:s28+$0x1520];
	[tilespmem:s26+$0x2910] =	vst v4;
	v1 =	vmov v0;
	(pc) =	sbr.rel @p1 .LBB2_3-.Ltmp0, $4  }
0x42: {  	v4 =	vld [tilespmem:s28+$0x1540];
	v0 =	vmul.f32 v9, v1;
	[tilespmem:s26+$0x2920] =	vst v3;
	s26 =	smov.u32 s28  }
0x43: {  	v6 =	vmul.f32 v8, v1;
	v5 =	vld [tilespmem:s26+$0x1550]  }
0x44: {  	s28 =	sshra.s32 s29, $0x2;
	v3 =	vld [tilespmem:s26+$0x1560];
	v8 =	vadd.f32 v10, v0  }
0x45: {  	s29 =	sadd.s32 $0x200, s29;
	v0 =	vld [tilespmem:s28+$0x100];
	v7 =	vmul.f32 v7, v1  }
0x46: {  	v9 =	vld [tilespmem:s28+$0x1530];
	[tilespmem:s26+$0x2930] =	vst v8  }
0x47: {  	v1 =	vmul.f32 v2, v1;
	v8 =	vld [tilespmem:s28+$0x1500];
	v4 =	vadd.f32 v4, v6  }
0x48: {  	v57 =	vld [tilespmem:s28+$0x1570];
	v58 =	vadd.f32 v5, v7  }
0x49: {  	v10 =	vld [tilespmem:s28+$0x1510];
	[tilespmem:s26+$0x2900] =	vst v4;
	v1 =	vadd.f32 v3, v1  }
0x4a: {  	v4 =	vld [tilespmem:s28+$0x1520];
	[tilespmem:s26+$0x2910] =	vst v58  }
0x4b: {  	v2 =	vld [tilespmem:s28+$0x1540];
	[tilespmem:s26+$0x2920] =	vst v1  }
0x4c: {  	v1 =	vld [tilespmem:s28+$0x1550]  }
0x4d: {  	v59 =	vmul.f32 v9, v0;
	v60 =	vld [tilespmem:s28+$0x1560]  }
0x4e: {  	v61 =	vmul.f32 v8, v0  }
0x4f: {  	v62 =	vmul.f32 v10, v0;
	v3 =	vadd.f32 v57, v59  }
0x50: {  	v63 =	vmul.f32 v4, v0;
	v2 =	vadd.f32 v2, v61  }
0x51: {  	[tilespmem:s28+$0x2930] =	vst v3;
	v1 =	vadd.f32 v1, v62  }
0x52: {  	s25 =	sadd.s32 $0x1, s25;
	v0 =	vadd.f32 v60, v63;
	[tilespmem:s28+$0x2900] =	vst v2  }
0x53: {  	p1 =	sne.s32 s25, $0x7D;
	[tilespmem:s28+$0x2910] =	vst v1  }
.Ltmp1:
0x54: {  	[tilespmem:s28+$0x2920] =	vst v0;
	(pc) =	sbr.rel @p1 .LBB2_2-.Ltmp1, $4  }
0x55: {  	[spmem:s2] =	stream.indirect.scatter.add.f32 [tilespmem:s23], [sflag:$0x2], $0x80, s3, s19, $0xb8;
	[tilespmem:$0x17580] =	vst v63  }
0x56: {  	_ =	swait.ge [sflag:s18], $0x1400  }
0x57: {  	[sflag:s18] =	ssyncset.done $0x0  }
0x58: {  	[sflag:s18] =	ssyncadd.s32 $0xFFFFEC00  }
0x59: {  	[bflag:$0x0] =	sbarrier.arrive $0xFFFF;
	s25 =	simm.s32 @p0 $0x1FC2  }
0x5a: {  	[hbm:s12], [sflag:s25] =	dma.local @p0 [spmem:s14], $0x1900  }
0x5b: {  	s25 =	simm.s32 @p0 $0x2  }
0x5c: {  	s24 =	sadd.s32 $0x1, s24;
	_ =	swait.ge @p0 [sflag:s25], $0x1900  }
0x5d: {  	p1 =	sne.s32 s24, s13;
	[sflag:s25] =	ssyncset.done @p0 $0x0  }
.Ltmp2:
0x5e: {  	[sflag:s25] =	ssyncadd.s32 @p0 $0xFFFFE700;
	s25 =	simm.s32 @!p0 $0x2;
	(pc) =	sbr.rel @p1 .LBB2_1-.Ltmp2, $4  }
0x5f: {  	[hbm:s11], [sflag:s15] =	dma.local @!p0 [spmem:s16], $0x2800  }
0x60: {  	_ =	swait.ge @!p0 [sflag:s25], $0x2800  }
0x61: {  	[sflag:s25] =	ssyncset.done @!p0 $0x0  }
0x62: {  	[sflag:s25] =	ssyncadd.s32 @!p0 $0xFFFFD800  }
0x63: {  	_ =	sfence.sel $0x180000  }
0x64: {  	[bflag:$0x0] =	sbarrier.arrive $0xFFFF  }
0x65: {  	p0 =	sne.s32 s1, $0x0;
	_ =	strace $0x9000004A  }
0x66: {  	s0 =	sadd.s32 @!p0 $0x100000, s0;
	[bflag:$0x2] =	sbarrier.arrive $0xFFFF  }
0x67: {  	[sflag:s0] =	ssyncadd.tile.s32 @!p0 $0x1;
	_ =	shalt  }
.Lfunc_end2:
_tile_overlayer_lowered:
.L_overlay_start_2:
0x68: {  	(tag) =	ssettag $0x2  }
0x69: {  	s0 =	rddreg [dreg:$0x0];
	s2 =	stileid.u32  }
0x6a: {  	s1 =	rddreg [dreg:$0x1];
	p0 =	sne.s32 s2, $0x0  }
0x6b: {  	s3 =	rddreg [dreg:$0x2];
	[bflag:$0x3] =	sbarrier.arrive $0xFFFF;
	s2 =	simm.s32 @!p0 $0x1C02  }
0x6c: {  	[timem:s3], [sflag:s2] =	dma.local @!p0 [hbm:s0], s1  }
0x6d: {  	s0 =	simm.s32 @!p0 $0x2  }
0x6e: {  	_ =	swait.ge @!p0 [sflag:s0], s1  }
0x6f: {  	s1 =	ssub.s32 @!p0 $0x0, s1;
	[sflag:s0] =	ssyncset.done @!p0 $0x0  }
0x70: {  	[sflag:s0] =	ssyncadd.s32 @!p0 s1  }
0x71: {  	[bflag:$0x3] =	sbarrier.arrive $0xFFFF  }
0x72: {  	_ =	shalt  }

// kernel: kernel.18.cloned.1.call-start
scs
__scs_entry_jumppad:
0x0: {  	(pc) =	sbr.rel $0x88, $3  }
0x1: {  	(tag) =	ssettag $0x0;
	lr =	simm.s32 $0x1  }
0x2: {  	[smem:$0x3F93] =	sst lr;
	_ =	strace $0xD0000000  }
0x3: {  	_ = 	snop  }
0x4: {  	_ = 	snop  }
0x5: {  	_ = 	snop  }
0x6: {  	_ = 	snop  }
0x7: {  	_ = 	snop  }
__scs_overlays_trampoline_lowered:
0x8: {  	[smem:$0x3FA2] =	sst s0  }
0x9: {  	[smem:$0x3FA3] =	sst s1  }
0xa: {  	[smem:$0x3FA4] =	sst s2  }
0xb: {  	[smem:$0x3FA5] =	sst s3  }
0xc: {  	[smem:$0x3FA6] =	sst s4  }
0xd: {  	[smem:$0x3FA7] =	sst s5  }
0xe: {  	[smem:$0x3FA8] =	sst s6  }
0xf: {  	[smem:$0x3FA9] =	sst s7  }
0x10: {  	[smem:$0x3FAA] =	sst s8  }
0x11: {  	[smem:$0x3FAB] =	sst s9;
	s0 =	simm.s32 @!p0 $0x0  }
0x12: {  	s1 =	sld [smem:$0x3F91];
	s0 =	simm.s32 @p0 $0x1  }
0x13: {  	[smem:$0x3FAC] =	sst s0;
	s0 =	simm.s32 @!p1 $0x0  }
0x14: {  	s2 =	sld [smem:$0x3F90];
	s0 =	simm.s32 @p1 $0x1  }
0x15: {  	[smem:$0x3FAD] =	sst s0;
	s0 =	simm.s32 @!p2 $0x0  }
0x16: {  	s3 =	sld [smem:$0x3FDB];
	s0 =	simm.s32 @p2 $0x1  }
0x17: {  	s4 =	simm.s32 $0x1BF5;
	[smem:$0x3FAF] =	sst s0  }
0x18: {  	s0 =	sld [smem:$0x3F92];
	_ =	swait.ge [sflag:s4], $0x0  }
0x19: {  	s7 =	sld [smem:$0x3F93]  }
0x1a: {  	s8 =	sadd.s32 $0xFFFFE003, lr  }
0x1b: {  	s9 =	sadd.s32 $0xFFFFFEF7, lr;
	s5 =	simm.s32 $0xFFFFFFFF;
	p2 =	slt.u32 s8, $0xFFFFF086  }
0x1c: {  	p1 =	slt.u32 s9, $0xF7A;
	s5 =	simm.s32 @!p2 $0x0  }
0x1d: {  	s5 =	simm.s32 @p1 $0x1;
	p0 =	seq.s32 s7, s2  }
0x1e: {  	s7 =	smul.u32 @!p0 $0xF7A, s2;
	p2 =	seq.s32 @!p0 s5, $0x0  }
0x1f: {  	s9 =	smul.u32 $0xF7A, s1;
	s8 =	simm.s32 @!p0 $0x1BF5;
	p2 =	por !p2, p0  }
0x20: {  	[sflag:s8] =	ssyncset.s32 @!p0 $0xFFFFF086;
	s6 =	sadd.s32 @!p0 s3, s7;
	s7 =	simm.s32 @!p0 $0x108  }
0x21: {  	s3 =	sadd.s32 s3, s9;
	s6 =	sadd.s32 @!p0 $0x88, s6;
	s7 =	simm.s32 @p2 $0x1082  }
0x22: {  	[simem:s7], [sflag:s8] =	dma.local @!p0 [hbm:s6], $0xF7A  }
0x23: {  	s9 =	sor.u32 $0xD0000000, s2;
	s6 =	simm.s32 $0x108;
	_ =	swait.ge @!p0 [sflag:s8], $0x0  }
0x24: {  	s3 =	sadd.s32 $0x88, s3;
	s6 =	simm.s32 @!p1 $0x1082;
	[sflag:s4] =	ssyncset.s32 $0xFFFFF086  }
0x25: {  	[simem:s6], [sflag:s4] =	dma.local [hbm:s3], $0xF7A  }
0x26: {  	[smem:$0x3F93] =	sst s1;
	(tag) =	ssettag s2;
	_ =	strace s9  }
0x27: {  	s1 =	sld [smem:$0x3FA3]  }
0x28: {  	s2 =	sld [smem:$0x3FA4]  }
0x29: {  	s4 =	sld [smem:$0x3FA6]  }
0x2a: {  	p0 =	seq.s32 s5, $0x0;
	s5 =	sld [smem:$0x3FA7]  }
0x2b: {  	s6 =	sld [smem:$0x3FA8]  }
0x2c: {  	s7 =	sld [smem:$0x3FA9]  }
0x2d: {  	s3 =	simm.s32 $0x108;
	s8 =	sld [smem:$0x3FAA]  }
0x2e: {  	s3 =	simm.s32 @!p0 $0x1082;
	s9 =	sld [smem:$0x3FAB]  }
0x2f: {  	lr =	sadd.s32 s0, s3;
	s0 =	sld [smem:$0x3FA2]  }
0x30: {  	s3 =	sld [smem:$0x3FA5]  }
0x31: {  	[smem:$0x3FAE] =	sst s10  }
0x32: {  	s10 =	sld [smem:$0x3FAC];
	_ =	sdelay $0x3  }
0x33: {  	p0 =	seq.s32 s10, $0x1;
	s10 =	sld [smem:$0x3FAE];
	_ =	sdelay $0x3  }
0x34: {  	[smem:$0x3FAE] =	sst s10  }
0x35: {  	s10 =	sld [smem:$0x3FAD];
	_ =	sdelay $0x3  }
0x36: {  	p1 =	seq.s32 s10, $0x1;
	s10 =	sld [smem:$0x3FAE];
	_ =	sdelay $0x3  }
0x37: {  	[smem:$0x3FAE] =	sst s10  }
0x38: {  	s10 =	sld [smem:$0x3FAF]  }
0x39: {  	_ = 	snop;
	(pc) =	sbr.ind lr, $3  }
0x3a: {  	_ = 	snop  }
0x3b: {  	_ = 	snop  }
0x3c: {  	p2 =	seq.s32 s10, $0x1;
	s10 =	sld [smem:$0x3FAE]  }
0x3d: {  	_ =	shalt  }
0x3e: {  	_ =	shalt  }
0x3f: {  	_ =	shalt  }
0x40: {  	_ =	shalt  }
0x41: {  	_ =	shalt  }
0x42: {  	_ =	shalt  }
0x43: {  	_ =	shalt  }
0x44: {  	_ =	shalt  }
0x45: {  	_ =	shalt  }
0x46: {  	_ =	shalt  }
0x47: {  	_ =	shalt  }
0x48: {  	_ =	shalt  }
0x49: {  	_ =	shalt  }
0x4a: {  	_ =	shalt  }
0x4b: {  	_ =	shalt  }
0x4c: {  	_ =	shalt  }
0x4d: {  	_ =	shalt  }
0x4e: {  	_ =	shalt  }
0x4f: {  	_ =	shalt  }
0x50: {  	_ =	shalt  }
0x51: {  	_ =	shalt  }
0x52: {  	_ =	shalt  }
0x53: {  	_ =	shalt  }
0x54: {  	_ =	shalt  }
0x55: {  	_ =	shalt  }
0x56: {  	_ =	shalt  }
0x57: {  	_ =	shalt  }
0x58: {  	_ =	shalt  }
0x59: {  	_ =	shalt  }
0x5a: {  	_ =	shalt  }
0x5b: {  	_ =	shalt  }
0x5c: {  	_ =	shalt  }
0x5d: {  	_ =	shalt  }
0x5e: {  	_ =	shalt  }
0x5f: {  	_ =	shalt  }
0x60: {  	_ =	shalt  }
0x61: {  	_ =	shalt  }
0x62: {  	_ =	shalt  }
0x63: {  	_ =	shalt  }
0x64: {  	_ =	shalt  }
0x65: {  	_ =	shalt  }
0x66: {  	_ =	shalt  }
0x67: {  	_ =	shalt  }
0x68: {  	_ =	shalt  }
0x69: {  	_ =	shalt  }
0x6a: {  	_ =	shalt  }
0x6b: {  	_ =	shalt  }
0x6c: {  	_ =	shalt  }
0x6d: {  	_ =	shalt  }
0x6e: {  	_ =	shalt  }
0x6f: {  	_ =	shalt  }
0x70: {  	_ =	shalt  }
0x71: {  	_ =	shalt  }
0x72: {  	_ =	shalt  }
0x73: {  	_ =	shalt  }
0x74: {  	_ =	shalt  }
0x75: {  	_ =	shalt  }
0x76: {  	_ =	shalt  }
0x77: {  	_ =	shalt  }
0x78: {  	_ =	shalt  }
0x79: {  	_ =	shalt  }
0x7a: {  	_ =	shalt  }
0x7b: {  	_ =	shalt  }
0x7c: {  	_ =	shalt  }
0x7d: {  	_ =	shalt  }
0x7e: {  	_ =	shalt  }
0x7f: {  	_ =	shalt  }
0x80: {  	_ =	shalt  }
0x81: {  	_ =	shalt  }
0x82: {  	_ =	shalt  }
0x83: {  	_ =	shalt  }
0x84: {  	_ =	shalt  }
0x85: {  	_ =	shalt  }
0x86: {  	_ =	shalt  }
0x87: {  	_ =	shalt  }
.Lfunc_end0:
.L_simem_size_0:
called_computation.2_lowered:
.L_overlay_start_0:
0x88: {  	s2 =	sld [smem:$0x3FD9]  }
0x89: {  	s3 =	sld [smem:$0x3FFE];
	_ =	sdelay $0x1  }
0x8a: {  	s1 =	srdreg.scid  }
0x8b: {  	s0 =	sand.u32 $0x1, s1  }
0x8c: {  	s16 =	sshll.u32 s0, $0xA;
	s2 =	sadd.s32 s3, s2  }
0x8d: {  	s2 =	sadd.s32 s2, s16  }
0x8e: {  	[smem:$0x3FBA] =	sst s2  }
0x8f: {  	_ = 	snop  }
0x90: {  	(tm) =	ssettm $0x1  }
0x91: {  	s17 =	sld [smem:$0x3FFB];
	_ =	sdelay $0x3  }
0x92: {  	_ =	strace s17  }
0x93: {  	s2 =	sld [smem:$0x3FFC];
	_ =	sdelay $0x3  }
0x94: {  	_ =	strace s2  }
0x95: {  	s2 =	sld [smem:$0x3FFD];
	_ =	sdelay $0x3  }
0x96: {  	_ =	strace s2  }
0x97: {  	_ =	strace $0x8FFFFFFF  }
0x98: {  	s18 =	sld [smem:$0x3FDB];
	_ =	sdelay $0x1  }
0x99: {  	s19 =	simm.s32 $_scs_section_size  }
0x9a: {  	s4 =	simm.s32 $_size__tile_overlayer_lowered;
	s5 =	simm.s32 $_tile_overlayer_lowered  }
0x9b: {  	s22 =	simm.s32 $0x1BFF;
	s21 =	sshll.u32 s5, $0x1;
	s2 =	sadd.s32 s19, s18  }
0x9c: {  	s6 =	simm.s32 $0x0;
	s20 =	sshll.u32 s4, $0x1;
	s4 =	sadd.s32 s21, s2  }
0x9d: {  	[timem:s6], [sflag:s22] =	dma.local [hbm:s4], s20  }
0x9e: {  	_ =	swait.ge [sflag:s22], s20  }
0x9f: {  	s3 =	ssub.s32 $0x0, s20;
	[sflag:s22] =	ssyncset.done $0x0  }
0xa0: {  	[sflag:s22] =	ssyncadd.s32 s3;
	_ =	sdelay $0x1  }
0xa1: {  	s23 =	simm.s32 $0x1B8B  }
0xa2: {  	_ =	swait.ge [sflag:s23], $0x1  }
0xa3: {  	[sflag:s23] =	ssyncset.done $0x0  }
0xa4: {  	s25 =	simm.s32 $0x1B8E;
	s24 =	sld [smem:$0x3FFE];
	[sflag:s23] =	ssyncadd.s32 $0xFFFFFFFF  }
0xa5: {  	s26 =	simm.s32 $execute0_lowered;
	[smem:$0x3FD2] =	sst s25  }
0xa6: {  	s4 =	sshll.u32 s26, $0x1;
	_ =	strace $0x8000004C;
	[dreg:$0x1] =	wrdreg $0xFFFFFFFF  }
0xa7: {  	s28 =	simm.s32 $_size_execute0_lowered;
	s2 =	sadd.s32 s2, s4;
	[dreg:$0x0] =	wrdreg $0x0  }
0xa8: {  	s4 =	sshll.u32 s28, $0x1;
	[dreg:$0x2] =	wrdreg s2  }
0xa9: {  	[dreg:$0x3] =	wrdreg s4  }
0xaa: {  	[dreg:$0x4] =	wrdreg $0xC0  }
0xab: {  	_ =	task [dreg:s6], $0x5FFFF  }
0xac: {  	[dreg:$0x1] =	wrdreg $0xFFFFFFFF  }
0xad: {  	[dreg:$0x0] =	wrdreg $0x60  }
0xae: {  	[dreg:$0x2] =	wrdreg s24  }
0xaf: {  	[dreg:$0x3] =	wrdreg $0x3D000  }
0xb0: {  	[dreg:$0x4] =	wrdreg $0x9  }
0xb1: {  	_ =	task.clear_ibuf [dreg:s6], $0x5FFFF;
	_ =	strace $0x9000004C  }
0xb2: {  	s29 =	simm.s32 $0x9;
	_ =	strace $0x8000004E  }
0xb3: {  	_ =	swait.ge [sflag:s29], $0x1  }
0xb4: {  	[sflag:s29] =	ssyncadd.s32 $0xFFFFFFFF  }
0xb5: {  	_ =	strace $0x9000004E  }
0xb6: {  	_ =	sfence  }
0xb7: {  	s30 =	sld [smem:$0x0];
	_ =	sdelay $0x2  }
0xb8: {  	s31 =	sshll.u32 s1, $0xD;
	s1 =	sshrl.u32 s1, $0x2  }
0xb9: {  	s3 =	sand.u32 $0x4000, s31;
	s1 =	sadd.s32 s1, s30  }
0xba: {  	s0 =	sor.u32 s3, s0;
	s1 =	sshll.u32 s1, $0x11  }
0xbb: {  	s0 =	sor.u32 s1, s0  }
0xbc: {  	s0 =	sadd.s32 $0x8F2B, s0  }
0xbd: {  	[sflag:s0] =	ssyncadd.remote.s32 $0x1  }
0xbe: {  	_ =	sfence.sel $0xFFFF  }
0xbf: {  	[dreg:$0x0] =	wrdreg $0xFFFFFFFF;
	(pc) =	sbr.abs _section_cstart, $3  }
0xc0: {  	[dreg:$0x1] =	wrdreg $0xFFFFFFFF  }
0xc1: {  	_ =	task.clear_ibuf [dreg:s6], $0x2FFFF;
	_ =	strace $0x9FFFFFFF  }
0xc2: {  	(tm) =	ssettm $0x7FFFFFFF  }
0xc3: {  	_ =	shalt  }
tec
execute0_lowered:
.L_overlay_start_1:
0x0: {  	(tag) =	ssettag $0x1  }
0x1: {  	s10 =	rddreg [dreg:$0x0]  }
0x2: {  	s2 =	rddreg [dreg:$0x1]  }
0x3: {  	s0 =	rddreg [dreg:$0x2];
	s3 =	simm.s32 $0x0;
	s1 =	stileid.u32  }
0x4: {  	s4 =	srdreg.scid;
	s19 =	simm.s32 $0x28;
	s20 =	simm.s32 $0x1500  }
0x5: {  	s21 =	simm.s32 $0x100;
	s22 =	simm.s32 $0x1;
	s23 =	simm.s32 $0x2900  }
0x6: {  	s24 =	simm.s32 $0x0;
	s30 =	simm.s32 $0x0;
	s11 =	smul.u32 $0x2800, s1  }
0x7: {  	[smem:$0x7FF] =	sst s3;
	s12 =	sand.u32 $0x1, s4;
	s13 =	smul.u32 $0x1388, s1  }
0x8: {  	s4 =	sadd.s32 $0x32C00, s10;
	s5 =	sadd.s32 $0x6A00, s10;
	s15 =	smul.u32 $0x50000, s1  }
0x9: {  	s6 =	sadd.s32 $0x1A00, s10;
	s7 =	sadd.s32 $0x2CAE00, s10;
	s8 =	smul.u32 $0x13880, s12  }
0xa: {  	s17 =	sadd.s32 $0x59E00, s10;
	p0 =	seq.s32 s1, $0xF;
	s29 =	smul.u32 $0x138800, s12  }
0xb: {  	_ =	strace $0x8000004D;
	s9 =	ssub.s32 $0x2, s12;
	s12 =	smul.u32 $0x27100, s12  }
0xc: {  	s14 =	sshrl.u32 s9, $0x1;
	s16 =	sadd.s32 s11, s10;
	s28 =	sshrl.u32 s15, $0x2  }
0xd: {  	s15 =	sadd.s32 $0x12C000, s2;
	s10 =	sadd.s32 $0x31200, s10;
	s14 =	ssub.s32 s9, s14  }
0xe: {  	s8 =	sadd.s32 s13, s8;
	s18 =	sadd.s32 s28, s2;
	s9 =	sadd.s32 $0xBA00, s16  }
0xf: {  	s13 =	sshrl.u32 s29, $0x3;
	s11 =	sadd.s32 s11, s12;
	s16 =	sshll.u32 @!p0 s1, $0x6  }
0x10: {  	s31 =	sadd.s32 s17, s13;
	s11 =	sadd.s32 s17, s11;
	s13 =	smax.u32 s14, $0x1  }
0x11: {  	s14 =	sshrl.u32 @p0 s15, $0x3;
	s15 =	sor.u32 @!p0 $0x1C02, s16;
	s16 =	sshrl.u32 @!p0 s18, $0x3  }
0x12: {  	s17 =	simm.s32 $0x80;
	s18 =	simm.s32 $0x2;
	s12 =	sadd.s32 $0x25800, s31  }
.LBB2_1:
0x13: {  	s25 =	simm.s32 @p0 $0x1FC2  }
0x14: {  	[spmem:s14], [sflag:s25] =	dma.local @p0 [hbm:s10], $0x1900  }
0x15: {  	s25 =	simm.s32 @p0 $0x2  }
0x16: {  	_ =	swait.ge @p0 [sflag:s25], $0x1900  }
0x17: {  	[sflag:s25] =	ssyncset.done @p0 $0x0  }
0x18: {  	[sflag:s25] =	ssyncadd.s32 @p0 $0xFFFFE700;
	s25 =	simm.s32 @!p0 $0x2  }
0x19: {  	[spmem:s16], [sflag:s15] =	dma.local @!p0 [hbm:s9], $0x2800  }
0x1a: {  	_ =	swait.ge @!p0 [sflag:s25], $0x2800  }
0x1b: {  	[sflag:s25] =	ssyncset.done @!p0 $0x0  }
0x1c: {  	[sflag:s25] =	ssyncadd.s32 @!p0 $0xFFFFD800  }
0x1d: {  	s25 =	simm.s32 $0x0;
	[bflag:$0x0] =	sbarrier.arrive $0xFFFF  }
.LBB2_2:
0x1e: {  	s26 =	smul.u32 $0x28, s25;
	_ =	sdelay $0x1  }
0x1f: {  	s26 =	sadd.s32 s26, s8  }
0x20: {  	s28 =	sshrl.u32 s26, $0x3  }
0x21: {  	s29 =	sadd.s32 s6, s28  }
0x22: {  	[tilespmem:s17], [sflag:$0x2] =	stream.linear.gather [hbm4b:s29+s30], $0x28, $0x38;
	[tilespmem:$0x17580] =	vst v63  }
0x23: {  	_ =	swait.ge [sflag:s18], $0x28  }
0x24: {  	[sflag:s18] =	ssyncset.done $0x0  }
0x25: {  	[sflag:s18] =	ssyncadd.s32 $0xFFFFFFD8  }
0x26: {  	[tilespmem:s20], [sflag:$0x1] =	stream.indirect.gather [hbm4b:s4+s19], $0x80, s17, s19, $0xb8;
	[tilespmem:$0x17580] =	vst v63  }
0x27: {  	s28 =	sadd.s32 s5, s28  }
0x28: {  	[tilespmem:s30], [sflag:$0x2] =	stream.linear.gather [hbm4b:s28+s30], $0x28, $0x38;
	[tilespmem:$0x17580] =	vst v63  }
0x29: {  	_ =	swait.ge [sflag:s18], $0x28  }
0x2a: {  	s26 =	sshll.u32 s26, $0x4;
	[sflag:s18] =	ssyncset.done $0x0  }
0x2b: {  	s26 =	sadd.s32 s7, s26;
	[sflag:s18] =	ssyncadd.s32 $0xFFFFFFD8  }
0x2c: {  	[tilespmem:s21], [sflag:$0x2] =	stream.linear.gather [hbm4b:s26+s30], $0x1400, $0x38;
	[tilespmem:$0x17580] =	vst v63  }
0x2d: {  	_ =	swait.ge [sflag:s18], $0x1400  }
0x2e: {  	[sflag:s18] =	ssyncset.done $0x0  }
0x2f: {  	[sflag:s18] =	ssyncadd.s32 $0xFFFFEC00  }
0x30: {  	_ =	swait.ge [sflag:s22], $0x1400  }
0x31: {  	[sflag:s22] =	ssyncset.done $0x0  }
0x32: {  	s26 =	simm.s32 $0x0;
	[sflag:s22] =	ssyncadd.s32 $0xFFFFEC00  }
0x33: {  	v1 =	vld [tilespmem:s26+$0x100]  }
0x34: {  	v0 =	vld [tilespmem:s26+$0x1530]  }
0x35: {  	v6 =	vld [tilespmem:s26+$0x1500]  }
0x36: {  	v7 =	vld [tilespmem:s26+$0x1570]  }
0x37: {  	v9 =	vld [tilespmem:s26+$0x1510]  }
0x38: {  	v2 =	vld [tilespmem:s26+$0x1520]  }
0x39: {  	v4 =	vld [tilespmem:s26+$0x1540];
	v0 =	vmul.f32 v0, v1  }
0x3a: {  	v5 =	vld [tilespmem:s26+$0x1550]  }
0x3b: {  	s28 =	simm.s32 $0x80;
	v3 =	vld [tilespmem:s26+$0x1560];
	v8 =	vadd.f32 v7, v0  }
0x3c: {  	s29 =	simm.s32 $0x400;
	v6 =	vmul.f32 v6, v1;
	v0 =	vld [tilespmem:s28+$0x100];
	v7 =	vmul.f32 v9, v1  }
.LBB2_3:
0x3d: {  	p1 =	sne.s32 s29, $0x4E00;
	v9 =	vld [tilespmem:s28+$0x1530];
	v1 =	vmul.f32 v2, v1;
	[tilespmem:s26+$0x2930] =	vst v8  }
0x3e: {  	v8 =	vld [tilespmem:s28+$0x1500];
	v2 =	vadd.f32 v4, v6  }
0x3f: {  	v10 =	vld [tilespmem:s28+$0x1570];
	v4 =	vadd.f32 v5, v7  }
0x40: {  	v7 =	vld [tilespmem:s28+$0x1510];
	[tilespmem:s26+$0x2900] =	vst v2;
	v3 =	vadd.f32 v3, v1  }
.Ltmp0:
0x41: {  	v2 =	vld [tilespmem:s28+$0x1520];
	[tilespmem:s26+$0x2910] =	vst v4;
	v1 =	vmov v0;
	(pc) =	sbr.rel @p1 .LBB2_3-.Ltmp0, $4  }
0x42: {  	v4 =	vld [tilespmem:s28+$0x1540];
	v0 =	vmul.f32 v9, v1;
	[tilespmem:s26+$0x2920] =	vst v3;
	s26 =	smov.u32 s28  }
0x43: {  	v6 =	vmul.f32 v8, v1;
	v5 =	vld [tilespmem:s26+$0x1550]  }
0x44: {  	s28 =	sshra.s32 s29, $0x2;
	v3 =	vld [tilespmem:s26+$0x1560];
	v8 =	vadd.f32 v10, v0  }
0x45: {  	s29 =	sadd.s32 $0x200, s29;
	v0 =	vld [tilespmem:s28+$0x100];
	v7 =	vmul.f32 v7, v1  }
0x46: {  	v9 =	vld [tilespmem:s28+$0x1530];
	[tilespmem:s26+$0x2930] =	vst v8  }
0x47: {  	v1 =	vmul.f32 v2, v1;
	v8 =	vld [tilespmem:s28+$0x1500];
	v4 =	vadd.f32 v4, v6  }
0x48: {  	v57 =	vld [tilespmem:s28+$0x1570];
	v58 =	vadd.f32 v5, v7  }
0x49: {  	v10 =	vld [tilespmem:s28+$0x1510];
	[tilespmem:s26+$0x2900] =	vst v4;
	v1 =	vadd.f32 v3, v1  }
0x4a: {  	v4 =	vld [tilespmem:s28+$0x1520];
	[tilespmem:s26+$0x2910] =	vst v58  }
0x4b: {  	v2 =	vld [tilespmem:s28+$0x1540];
	[tilespmem:s26+$0x2920] =	vst v1  }
0x4c: {  	v1 =	vld [tilespmem:s28+$0x1550]  }
0x4d: {  	v59 =	vmul.f32 v9, v0;
	v60 =	vld [tilespmem:s28+$0x1560]  }
0x4e: {  	v61 =	vmul.f32 v8, v0  }
0x4f: {  	v62 =	vmul.f32 v10, v0;
	v3 =	vadd.f32 v57, v59  }
0x50: {  	v63 =	vmul.f32 v4, v0;
	v2 =	vadd.f32 v2, v61  }
0x51: {  	[tilespmem:s28+$0x2930] =	vst v3;
	v1 =	vadd.f32 v1, v62  }
0x52: {  	s25 =	sadd.s32 $0x1, s25;
	v0 =	vadd.f32 v60, v63;
	[tilespmem:s28+$0x2900] =	vst v2  }
0x53: {  	p1 =	sne.s32 s25, $0x7D;
	[tilespmem:s28+$0x2910] =	vst v1  }
.Ltmp1:
0x54: {  	[tilespmem:s28+$0x2920] =	vst v0;
	(pc) =	sbr.rel @p1 .LBB2_2-.Ltmp1, $4  }
0x55: {  	[spmem:s2] =	stream.indirect.scatter.add.f32 [tilespmem:s23], [sflag:$0x2], $0x80, s3, s19, $0xb8;
	[tilespmem:$0x17580] =	vst v63  }
0x56: {  	_ =	swait.ge [sflag:s18], $0x1400  }
0x57: {  	[sflag:s18] =	ssyncset.done $0x0  }
0x58: {  	[sflag:s18] =	ssyncadd.s32 $0xFFFFEC00  }
0x59: {  	[bflag:$0x0] =	sbarrier.arrive $0xFFFF;
	s25 =	simm.s32 @p0 $0x1FC2  }
0x5a: {  	[hbm:s12], [sflag:s25] =	dma.local @p0 [spmem:s14], $0x1900  }
0x5b: {  	s25 =	simm.s32 @p0 $0x2  }
0x5c: {  	s24 =	sadd.s32 $0x1, s24;
	_ =	swait.ge @p0 [sflag:s25], $0x1900  }
0x5d: {  	p1 =	sne.s32 s24, s13;
	[sflag:s25] =	ssyncset.done @p0 $0x0  }
.Ltmp2:
0x5e: {  	[sflag:s25] =	ssyncadd.s32 @p0 $0xFFFFE700;
	s25 =	simm.s32 @!p0 $0x2;
	(pc) =	sbr.rel @p1 .LBB2_1-.Ltmp2, $4  }
0x5f: {  	[hbm:s11], [sflag:s15] =	dma.local @!p0 [spmem:s16], $0x2800  }
0x60: {  	_ =	swait.ge @!p0 [sflag:s25], $0x2800  }
0x61: {  	[sflag:s25] =	ssyncset.done @!p0 $0x0  }
0x62: {  	[sflag:s25] =	ssyncadd.s32 @!p0 $0xFFFFD800  }
0x63: {  	_ =	sfence.sel $0x180000  }
0x64: {  	[bflag:$0x0] =	sbarrier.arrive $0xFFFF  }
0x65: {  	p0 =	sne.s32 s1, $0x0;
	_ =	strace $0x9000004D  }
0x66: {  	s0 =	sadd.s32 @!p0 $0x100000, s0;
	[bflag:$0x2] =	sbarrier.arrive $0xFFFF  }
0x67: {  	[sflag:s0] =	ssyncadd.tile.s32 @!p0 $0x1;
	_ =	shalt  }
.Lfunc_end2:
_tile_overlayer_lowered:
.L_overlay_start_2:
0x68: {  	(tag) =	ssettag $0x2  }
0x69: {  	s0 =	rddreg [dreg:$0x0];
	s2 =	stileid.u32  }
0x6a: {  	s1 =	rddreg [dreg:$0x1];
	p0 =	sne.s32 s2, $0x0  }
0x6b: {  	s3 =	rddreg [dreg:$0x2];
	[bflag:$0x3] =	sbarrier.arrive $0xFFFF;
	s2 =	simm.s32 @!p0 $0x1C02  }
0x6c: {  	[timem:s3], [sflag:s2] =	dma.local @!p0 [hbm:s0], s1  }
0x6d: {  	s0 =	simm.s32 @!p0 $0x2  }
0x6e: {  	_ =	swait.ge @!p0 [sflag:s0], s1  }
0x6f: {  	s1 =	ssub.s32 @!p0 $0x0, s1;
	[sflag:s0] =	ssyncset.done @!p0 $0x0  }
0x70: {  	[sflag:s0] =	ssyncadd.s32 @!p0 s1  }
0x71: {  	[bflag:$0x3] =	sbarrier.arrive $0xFFFF  }
0x72: {  	_ =	shalt  }

</sc_bundles>
